<compile_context>
chip_gen: v7x
topology: tpu7x:2x2x1
jax: 0.10.2.dev20260603
libtpu: 0.0.44.dev20260713+nightly
codegen_flags: <defaults>
</compile_context>

<pallas_src>
import functools

import jax
import jax.numpy as jnp
from jax import lax
from jax.experimental import pallas as pl
from jax.experimental.pallas import tpu as pltpu
from jax.experimental.pallas import tpu_sc as plsc

N = 10000
E = 320000
F = 64
H = 128
NC = 2
NS = 16
NW = NC * NS

LANE = 128
EROWS = E // LANE
RPT = EROWS // NW
REM = EROWS - RPT * NW


def _wid_rows(cid, sid):
    wid = cid * NS + sid
    base = wid * RPT + jnp.minimum(wid, REM)
    extra = wid < REM
    return base, extra


def _stage_idx(eh, buf, base, extra):
    pltpu.sync_copy(eh.at[pl.ds(base, RPT)], buf.at[pl.ds(0, RPT)])

    @pl.when(extra)
    def _():
        pltpu.sync_copy(eh.at[pl.ds(base + RPT, 1)], buf.at[pl.ds(RPT, 1)])


def _sc_degrees(e0, e1, zdeg):
    mesh = plsc.VectorSubcoreMesh(core_axis_name="c", subcore_axis_name="s")

    @functools.partial(
        pl.kernel,
        out_type=jax.ShapeDtypeStruct((NC, 4, N), jnp.float32),
        mesh=mesh,
        scratch_types=(
            [pltpu.VMEM_SHARED((N,), jnp.float32)] * 4
            + [pltpu.VMEM((RPT + 1, LANE), jnp.int32)] * 4
            + [pltpu.VMEM((LANE,), jnp.float32)]
            + [pltpu.SemaphoreType.DMA] * 4
        ),
        compiler_params=pltpu.CompilerParams(use_tc_tiling_on_sc=False),
    )
    def k(e0_h, e1_h, zdeg_h, out_h, *refs):
        accs = refs[0:4]
        idxs = refs[4:8]
        ones_v = refs[8]
        sems = refs[9:13]
        cid = lax.axis_index("c")
        sid = lax.axis_index("s")
        base, extra = _wid_rows(cid, sid)

        for j, acc in enumerate(accs):
            @pl.when(sid == j)
            def _(acc=acc):
                pltpu.sync_copy(zdeg_h, acc)

        for i in range(LANE // 16):
            ones_v[pl.ds(i * 16, 16)] = jnp.full((16,), 1.0, jnp.float32)
        for eh, buf in zip((e0_h.at[0], e0_h.at[1], e1_h.at[0], e1_h.at[1]),
                           idxs):
            _stage_idx(eh, buf, base, extra)
        plsc.subcore_barrier()

        def sstart(r, k):
            pltpu.async_copy(ones_v, accs[k].at[idxs[k].at[r]],
                             sems[k], add=True)

        def swait(r, k):
            pltpu.make_async_copy(ones_v, accs[k].at[idxs[k].at[r]],
                                  sems[k]).wait()

        for k4 in range(4):
            sstart(0, k4)

        def body(r, _):
            for k4 in range(4):
                swait(r - 1, k4)
                sstart(r, k4)
            return 0
        lax.fori_loop(1, RPT, body, 0)
        for k4 in range(4):
            swait(RPT - 1, k4)

        @pl.when(extra)
        def _():
            for k4 in range(4):
                sstart(RPT, k4)
            for k4 in range(4):
                swait(RPT, k4)
        plsc.subcore_barrier()

        @pl.when(sid < 10)
        def _():
            o = pl.multiple_of(sid * 1000, 8)
            for j, acc in enumerate(accs):
                pltpu.sync_copy(acc.at[pl.ds(o, 1000)],
                                out_h.at[cid, j, pl.ds(o, 1000)])

    return k(e0, e1, zdeg)


def _sc_messages(h, e, zagg):
    mesh = plsc.VectorSubcoreMesh(core_axis_name="c", subcore_axis_name="s")
    nbuf = 2

    @functools.partial(
        pl.kernel,
        out_type=jax.ShapeDtypeStruct((NC, N, F), jnp.float32),
        mesh=mesh,
        scratch_types=(
            [pltpu.VMEM_SHARED((N, F), jnp.float32),
             pltpu.VMEM_SHARED((N, F), jnp.float32),
             pltpu.VMEM((RPT + 1, LANE), jnp.int32),
             pltpu.VMEM((RPT + 1, LANE), jnp.int32)]
            + [pltpu.VMEM((LANE, F), jnp.float32)] * nbuf
            + [pltpu.SemaphoreType.DMA] * (2 * nbuf)
        ),
        compiler_params=pltpu.CompilerParams(use_tc_tiling_on_sc=False),
    )
    def k(hh, e_h, zagg_h, out_h,
          agg, h_s, idxs_v, idxd_v, *bufs_and_sems):
        rows = bufs_and_sems[:nbuf]
        gsem = bufs_and_sems[nbuf:2 * nbuf]
        ssem = bufs_and_sems[2 * nbuf:]
        cid = lax.axis_index("c")
        sid = lax.axis_index("s")
        base, extra = _wid_rows(cid, sid)
        nrows = RPT + extra.astype(jnp.int32)

        for j in range(4):
            @pl.when(sid == j)
            def _(j=j):
                pltpu.sync_copy(zagg_h.at[pl.ds(j * 2500, 2500)],
                                agg.at[pl.ds(j * 2500, 2500)])

        if True:
            sh = e_h.at[0]
            dh = e_h.at[1]
            @pl.when(sid < 10)
            def _():
                o = pl.multiple_of(sid * 1000, 8)
                pltpu.sync_copy(hh.at[pl.ds(o, 1000)], h_s.at[pl.ds(o, 1000)])
            _stage_idx(sh, idxs_v, base, extra)
            _stage_idx(dh, idxd_v, base, extra)
            plsc.subcore_barrier()

            def gstart(r, b):
                pltpu.async_copy(h_s.at[idxs_v.at[r]], rows[b], gsem[b])

            def gwait(r, b):
                pltpu.make_async_copy(
                    h_s.at[idxs_v.at[r]], rows[b], gsem[b]).wait()

            def sstart(r, b):
                pltpu.async_copy(rows[b], agg.at[idxd_v.at[r]],
                                 ssem[b], add=True)

            def swait(r, b):
                pltpu.make_async_copy(
                    rows[b], agg.at[idxd_v.at[r]], ssem[b]).wait()

            for b in range(nbuf):
                gstart(b, b)

            def body(jj, _, gstart=gstart, gwait=gwait,
                     sstart=sstart, swait=swait, nrows=nrows):
                r0 = jj * nbuf
                for b in range(nbuf):
                    gwait(r0 + b, b)
                    sstart(r0 + b, b)
                for b in range(nbuf):
                    @pl.when(r0 + b + nbuf < nrows)
                    def _(b=b, r0=r0):
                        swait(r0 + b, b)
                        gstart(r0 + b + nbuf, b)
                return 0
            lax.fori_loop(0, RPT // nbuf, body, 0)
            @pl.when(extra)
            def _():
                gwait(RPT, 0)
                sstart(RPT, 0)
                swait(RPT, 0)

            @pl.when(jnp.logical_not(extra))
            def _():
                swait(RPT - nbuf, 0)
            for b in range(1, nbuf):
                swait(RPT - nbuf + b, b)
            plsc.subcore_barrier()

            @pl.when(sid < 10)
            def _():
                o = pl.multiple_of(sid * 1000, 8)
                pltpu.sync_copy(agg.at[pl.ds(o, 1000)],
                                out_h.at[cid, pl.ds(o, 1000)])

    return k(h, e, zagg)


def _tc_norms(x0, x1, dp):
    def body(x0_ref, x1_ref, dp_ref, h0_ref, h1_ref, nd_ref):
        for g, (x_ref, h_ref) in enumerate(((x0_ref, h0_ref),
                                            (x1_ref, h1_ref))):
            od = dp_ref[0, 2 * g:2 * g + 1, :] + dp_ref[1, 2 * g:2 * g + 1, :]
            oc = jnp.transpose(lax.rsqrt(jnp.maximum(od, 1.0)), (1, 0))
            h_ref[...] = x_ref[...] * oc
            idg = (dp_ref[0, 2 * g + 1:2 * g + 2, :]
                   + dp_ref[1, 2 * g + 1:2 * g + 2, :])
            nd_ref[:, g:g + 1] = jnp.transpose(
                lax.rsqrt(jnp.maximum(idg, 1.0)), (1, 0))

    return pl.pallas_call(
        body,
        out_shape=(jax.ShapeDtypeStruct((N, F), jnp.float32),
                   jax.ShapeDtypeStruct((N, F), jnp.float32),
                   jax.ShapeDtypeStruct((N, 2), jnp.float32)),
    )(x0, x1, dp)


def _tc_final(ap, nd, W, b2, g):
    def body(ap_ref, nd_ref, w_ref, b_ref, o_ref):
        agg = ap_ref[0] + ap_ref[1]
        norm = nd_ref[:, g:g + 1]
        o_ref[...] = jnp.dot(agg * norm, w_ref[...],
                             preferred_element_type=jnp.float32) + b_ref[...]

    return pl.pallas_call(
        body,
        out_shape=jax.ShapeDtypeStruct((N, H), jnp.float32),
    )(ap, nd, W, b2)


def kernel(feats0, feats1, W, b, edge_index0, edge_index1):
    e0 = edge_index0.reshape(2, EROWS, LANE)
    e1 = edge_index1.reshape(2, EROWS, LANE)
    zdeg = jnp.zeros((N,), jnp.float32)
    zagg = jnp.zeros((N, F), jnp.float32)

    dp = _sc_degrees(e0, e1, zdeg)
    h0, h1, nd = _tc_norms(feats0, feats1, dp)
    b2 = b.reshape(1, H)
    ap0 = _sc_messages(h0, e0, zagg)
    ap1 = _sc_messages(h1, e1, zagg)
    out0 = _tc_final(ap0, nd, W, b2, 0)
    out1 = _tc_final(ap1, nd, W, b2, 1)
    return (out0, out1)

# --- scband reference (transcript-rebuilt; emitter-appended) ---
"""Pipeline reference for scband-model-parallel-stage-18141941859023 (READ-ONLY COPY).

The authoritative reference and input builder live on the scoring server;
editing this copy changes nothing except your own understanding.
"""

import jax, jax.numpy as jnp
import numpy as np

N = 10000
E = 320000
IN_FEATS = 64
N_HIDDEN = 128


def gcn_conv(x, edge_index, W, b):
    # Faithful port of DGL GraphConv(norm='both', allow_zero_in_degree=True).
    # in_feats (64) <= out_feats (128) -> aggregate first, then apply weight.
    src = edge_index[0]
    dst = edge_index[1]
    n = x.shape[0]
    out_deg = jnp.zeros((n,), x.dtype).at[src].add(1.0)
    in_deg = jnp.zeros((n,), x.dtype).at[dst].add(1.0)
    norm_src = jnp.power(jnp.clip(out_deg, 1.0, None), -0.5)
    norm_dst = jnp.power(jnp.clip(in_deg, 1.0, None), -0.5)
    h = x * norm_src[:, None]
    msg = jnp.take(h, src, axis=0)
    agg = jnp.zeros((n, x.shape[1]), x.dtype).at[dst].add(msg)
    agg = agg * norm_dst[:, None]
    out = agg @ W + b
    return out


def setup_inputs(seed: int = 0) -> dict:
    key = jax.random.key(seed)
    k1, k2, k3, k4, k5 = jax.random.split(key, 5)
    feats0 = jax.random.normal(k1, (N, IN_FEATS), dtype=jnp.float32)
    feats1 = jax.random.normal(k2, (N, IN_FEATS), dtype=jnp.float32)
    edge_index0 = jax.random.randint(k3, (2, E), 0, N, dtype=jnp.int32)
    edge_index1 = jax.random.randint(k4, (2, E), 0, N, dtype=jnp.int32)
    W = jax.random.normal(k5, (IN_FEATS, N_HIDDEN), dtype=jnp.float32) * (1.0 / np.sqrt(IN_FEATS))
    b = jnp.zeros((N_HIDDEN,), dtype=jnp.float32)
    return {
        'feats0': feats0,
        'feats1': feats1,
        'W': W,
        'b': b,
        'edge_index0': edge_index0,
        'edge_index1': edge_index1,
    }


def reference(feats0, feats1, W, b, edge_index0, edge_index1):
    # ModelParallelStage.forward: loop over n_workers=2, apply the shared GCNConv
    # layer to each (block, feat) pair; no activation in the model-parallel stage.
    out0 = gcn_conv(feats0, edge_index0, W, b)
    out1 = gcn_conv(feats1, edge_index1, W, b)
    return (out0, out1)

if __name__ == "__main__":
    import jax
    _d = setup_inputs()
    print(jax.jit(kernel)(*tuple(_d.values())))

</pallas_src>

<mosaic_0001>
#map = affine_map<(d0, d1) -> (0, 0)>
#map1 = affine_map<(d0, d1) -> (0, 0, 0)>
module attributes {stable_mosaic.version = 14 : i64} {
  func.func @k(%arg0: i32, %arg1: i32, %arg2: memref<10000x64xf32, #tpu.memory_space<hbm>>, %arg3: memref<2x2500x128xi32, #tpu.memory_space<hbm>>, %arg4: memref<10000x64xf32, #tpu.memory_space<hbm>>, %arg5: memref<2x10000x64xf32, #tpu.memory_space<hbm>>, %arg6: memref<10000x64xf32, #tpu.memory_space<vmem_shared>>, %arg7: memref<10000x64xf32, #tpu.memory_space<vmem_shared>>, %arg8: memref<79x128xi32, #tpu.memory_space<vmem>>, %arg9: memref<79x128xi32, #tpu.memory_space<vmem>>, %arg10: memref<128x64xf32, #tpu.memory_space<vmem>>, %arg11: memref<128x64xf32, #tpu.memory_space<vmem>>, %arg12: memref<!tpu.dma_semaphore, #tpu.memory_space<semaphore_mem>>, %arg13: memref<!tpu.dma_semaphore, #tpu.memory_space<semaphore_mem>>, %arg14: memref<!tpu.dma_semaphore, #tpu.memory_space<semaphore_mem>>, %arg15: memref<!tpu.dma_semaphore, #tpu.memory_space<semaphore_mem>>) attributes {dimension_semantics = [#tpu.dimension_semantics<core_parallel>, #tpu.dimension_semantics<subcore_parallel>], iteration_bounds = array<i64: 2, 16>, scalar_prefetch = 0 : i64, scratch_operands = 10 : i64, tpu.core_type = #tpu.core_type<sc_vector_subcore>, window_params = [{transform_indices = #map}, {transform_indices = #map1}, {transform_indices = #map}, {transform_indices = #map1}]} {
    %mul3A = arith.constant 16 : i32
    %mul3A_0 = arith.muli %arg0, %mul3A : i32
    %add3A = arith.addi %mul3A_0, %arg1 : i32
    %mul3A_1 = arith.constant 78 : i32
    %mul3A_2 = arith.muli %add3A, %mul3A_1 : i32
    %min3A = arith.constant 4 : i32
    %min3A_3 = arith.minsi %add3A, %min3A : i32
    %add3A_4 = arith.addi %mul3A_2, %min3A_3 : i32
    %lt3A = arith.constant 4 : i32
    %lt3A_5 = arith.cmpi slt, %add3A, %lt3A : i32
    %convert_element_type3A = arith.extui %lt3A_5 : i1 to i32
    %add3A_6 = arith.constant 78 : i32
    %add3A_7 = arith.addi %add3A_6, %convert_element_type3A : i32
    %eq3A = arith.constant 0 : i32
    %eq3A_8 = arith.cmpi eq, %arg1, %eq3A : i32
    %convert_element_type3A_9 = arith.extui %eq3A_8 : i1 to i32
    %cond3A = arith.constant 0 : i32
    %cond3A_10 = arith.cmpi ne, %convert_element_type3A_9, %cond3A : i32
    scf.if %cond3A_10 {
      "tpu.region"() ({
        %run_scoped3A_78 = tpu.sem_alloc : memref<!tpu.dma_semaphore, #tpu.memory_space<semaphore_mem>>
        %dma_start3A_79 = arith.constant 0 : i32
        %dma_start3A_80 = arith.constant 0 : i32
        %dma_start3A_81 = tpu.memref_slice %arg6[%dma_start3A_79, %dma_start3A_80] : memref<10000x64xf32, #tpu.memory_space<vmem_shared>> -> memref<2500x64xf32, #tpu.memory_space<vmem_shared>>
        %dma_start3A_82 = arith.constant 0 : i32
        %dma_start3A_83 = arith.constant 0 : i32
        %dma_start3A_84 = tpu.memref_slice %arg4[%dma_start3A_82, %dma_start3A_83] : memref<10000x64xf32, #tpu.memory_space<hbm>> -> memref<2500x64xf32, #tpu.memory_space<hbm>>
        tpu.enqueue_dma source(%dma_start3A_84 : memref<2500x64xf32, #tpu.memory_space<hbm>>) target(%dma_start3A_81 : memref<2500x64xf32, #tpu.memory_space<vmem_shared>>) target_semaphore(%run_scoped3A_78 : memref<!tpu.dma_semaphore, #tpu.memory_space<semaphore_mem>>)
        %dma_wait3A_85 = arith.constant 0 : i32
        %dma_wait3A_86 = arith.constant 0 : i32
        %dma_wait3A_87 = tpu.memref_slice %arg6[%dma_wait3A_85, %dma_wait3A_86] : memref<10000x64xf32, #tpu.memory_space<vmem_shared>> -> memref<2500x64xf32, #tpu.memory_space<vmem_shared>>
        %dma_wait3A_88 = arith.constant 0 : i32
        %dma_wait3A_89 = arith.constant 0 : i32
        %dma_wait3A_90 = tpu.memref_slice %arg4[%dma_wait3A_88, %dma_wait3A_89] : memref<10000x64xf32, #tpu.memory_space<hbm>> -> memref<2500x64xf32, #tpu.memory_space<hbm>>
        tpu.wait_dma2 semaphore(%run_scoped3A_78 : memref<!tpu.dma_semaphore, #tpu.memory_space<semaphore_mem>>) src(%dma_wait3A_90 : memref<2500x64xf32, #tpu.memory_space<hbm>>) dst(%dma_wait3A_87 : memref<2500x64xf32, #tpu.memory_space<vmem_shared>>)
        tpu.yield
      }) : () -> ()
    } else {
    }
    %eq3A_11 = arith.constant 1 : i32
    %eq3A_12 = arith.cmpi eq, %arg1, %eq3A_11 : i32
    %convert_element_type3A_13 = arith.extui %eq3A_12 : i1 to i32
    %cond3A_14 = arith.constant 0 : i32
    %cond3A_15 = arith.cmpi ne, %convert_element_type3A_13, %cond3A_14 : i32
    scf.if %cond3A_15 {
      "tpu.region"() ({
        %run_scoped3A_78 = tpu.sem_alloc : memref<!tpu.dma_semaphore, #tpu.memory_space<semaphore_mem>>
        %dma_start3A_79 = arith.constant 2500 : i32
        %dma_start3A_80 = arith.constant 0 : i32
        %dma_start3A_81 = tpu.memref_slice %arg6[%dma_start3A_79, %dma_start3A_80] : memref<10000x64xf32, #tpu.memory_space<vmem_shared>> -> memref<2500x64xf32, #tpu.memory_space<vmem_shared>>
        %dma_start3A_82 = arith.constant 2500 : i32
        %dma_start3A_83 = arith.constant 0 : i32
        %dma_start3A_84 = tpu.memref_slice %arg4[%dma_start3A_82, %dma_start3A_83] : memref<10000x64xf32, #tpu.memory_space<hbm>> -> memref<2500x64xf32, #tpu.memory_space<hbm>>
        tpu.enqueue_dma source(%dma_start3A_84 : memref<2500x64xf32, #tpu.memory_space<hbm>>) target(%dma_start3A_81 : memref<2500x64xf32, #tpu.memory_space<vmem_shared>>) target_semaphore(%run_scoped3A_78 : memref<!tpu.dma_semaphore, #tpu.memory_space<semaphore_mem>>)
        %dma_wait3A_85 = arith.constant 2500 : i32
        %dma_wait3A_86 = arith.constant 0 : i32
        %dma_wait3A_87 = tpu.memref_slice %arg6[%dma_wait3A_85, %dma_wait3A_86] : memref<10000x64xf32, #tpu.memory_space<vmem_shared>> -> memref<2500x64xf32, #tpu.memory_space<vmem_shared>>
        %dma_wait3A_88 = arith.constant 2500 : i32
        %dma_wait3A_89 = arith.constant 0 : i32
        %dma_wait3A_90 = tpu.memref_slice %arg4[%dma_wait3A_88, %dma_wait3A_89] : memref<10000x64xf32, #tpu.memory_space<hbm>> -> memref<2500x64xf32, #tpu.memory_space<hbm>>
        tpu.wait_dma2 semaphore(%run_scoped3A_78 : memref<!tpu.dma_semaphore, #tpu.memory_space<semaphore_mem>>) src(%dma_wait3A_90 : memref<2500x64xf32, #tpu.memory_space<hbm>>) dst(%dma_wait3A_87 : memref<2500x64xf32, #tpu.memory_space<vmem_shared>>)
        tpu.yield
      }) : () -> ()
    } else {
    }
    %eq3A_16 = arith.constant 2 : i32
    %eq3A_17 = arith.cmpi eq, %arg1, %eq3A_16 : i32
    %convert_element_type3A_18 = arith.extui %eq3A_17 : i1 to i32
    %cond3A_19 = arith.constant 0 : i32
    %cond3A_20 = arith.cmpi ne, %convert_element_type3A_18, %cond3A_19 : i32
    scf.if %cond3A_20 {
      "tpu.region"() ({
        %run_scoped3A_78 = tpu.sem_alloc : memref<!tpu.dma_semaphore, #tpu.memory_space<semaphore_mem>>
        %dma_start3A_79 = arith.constant 5000 : i32
        %dma_start3A_80 = arith.constant 0 : i32
        %dma_start3A_81 = tpu.memref_slice %arg6[%dma_start3A_79, %dma_start3A_80] : memref<10000x64xf32, #tpu.memory_space<vmem_shared>> -> memref<2500x64xf32, #tpu.memory_space<vmem_shared>>
        %dma_start3A_82 = arith.constant 5000 : i32
        %dma_start3A_83 = arith.constant 0 : i32
        %dma_start3A_84 = tpu.memref_slice %arg4[%dma_start3A_82, %dma_start3A_83] : memref<10000x64xf32, #tpu.memory_space<hbm>> -> memref<2500x64xf32, #tpu.memory_space<hbm>>
        tpu.enqueue_dma source(%dma_start3A_84 : memref<2500x64xf32, #tpu.memory_space<hbm>>) target(%dma_start3A_81 : memref<2500x64xf32, #tpu.memory_space<vmem_shared>>) target_semaphore(%run_scoped3A_78 : memref<!tpu.dma_semaphore, #tpu.memory_space<semaphore_mem>>)
        %dma_wait3A_85 = arith.constant 5000 : i32
        %dma_wait3A_86 = arith.constant 0 : i32
        %dma_wait3A_87 = tpu.memref_slice %arg6[%dma_wait3A_85, %dma_wait3A_86] : memref<10000x64xf32, #tpu.memory_space<vmem_shared>> -> memref<2500x64xf32, #tpu.memory_space<vmem_shared>>
        %dma_wait3A_88 = arith.constant 5000 : i32
        %dma_wait3A_89 = arith.constant 0 : i32
        %dma_wait3A_90 = tpu.memref_slice %arg4[%dma_wait3A_88, %dma_wait3A_89] : memref<10000x64xf32, #tpu.memory_space<hbm>> -> memref<2500x64xf32, #tpu.memory_space<hbm>>
        tpu.wait_dma2 semaphore(%run_scoped3A_78 : memref<!tpu.dma_semaphore, #tpu.memory_space<semaphore_mem>>) src(%dma_wait3A_90 : memref<2500x64xf32, #tpu.memory_space<hbm>>) dst(%dma_wait3A_87 : memref<2500x64xf32, #tpu.memory_space<vmem_shared>>)
        tpu.yield
      }) : () -> ()
    } else {
    }
    %eq3A_21 = arith.constant 3 : i32
    %eq3A_22 = arith.cmpi eq, %arg1, %eq3A_21 : i32
    %convert_element_type3A_23 = arith.extui %eq3A_22 : i1 to i32
    %cond3A_24 = arith.constant 0 : i32
    %cond3A_25 = arith.cmpi ne, %convert_element_type3A_23, %cond3A_24 : i32
    scf.if %cond3A_25 {
      "tpu.region"() ({
        %run_scoped3A_78 = tpu.sem_alloc : memref<!tpu.dma_semaphore, #tpu.memory_space<semaphore_mem>>
        %dma_start3A_79 = arith.constant 7500 : i32
        %dma_start3A_80 = arith.constant 0 : i32
        %dma_start3A_81 = tpu.memref_slice %arg6[%dma_start3A_79, %dma_start3A_80] : memref<10000x64xf32, #tpu.memory_space<vmem_shared>> -> memref<2500x64xf32, #tpu.memory_space<vmem_shared>>
        %dma_start3A_82 = arith.constant 7500 : i32
        %dma_start3A_83 = arith.constant 0 : i32
        %dma_start3A_84 = tpu.memref_slice %arg4[%dma_start3A_82, %dma_start3A_83] : memref<10000x64xf32, #tpu.memory_space<hbm>> -> memref<2500x64xf32, #tpu.memory_space<hbm>>
        tpu.enqueue_dma source(%dma_start3A_84 : memref<2500x64xf32, #tpu.memory_space<hbm>>) target(%dma_start3A_81 : memref<2500x64xf32, #tpu.memory_space<vmem_shared>>) target_semaphore(%run_scoped3A_78 : memref<!tpu.dma_semaphore, #tpu.memory_space<semaphore_mem>>)
        %dma_wait3A_85 = arith.constant 7500 : i32
        %dma_wait3A_86 = arith.constant 0 : i32
        %dma_wait3A_87 = tpu.memref_slice %arg6[%dma_wait3A_85, %dma_wait3A_86] : memref<10000x64xf32, #tpu.memory_space<vmem_shared>> -> memref<2500x64xf32, #tpu.memory_space<vmem_shared>>
        %dma_wait3A_88 = arith.constant 7500 : i32
        %dma_wait3A_89 = arith.constant 0 : i32
        %dma_wait3A_90 = tpu.memref_slice %arg4[%dma_wait3A_88, %dma_wait3A_89] : memref<10000x64xf32, #tpu.memory_space<hbm>> -> memref<2500x64xf32, #tpu.memory_space<hbm>>
        tpu.wait_dma2 semaphore(%run_scoped3A_78 : memref<!tpu.dma_semaphore, #tpu.memory_space<semaphore_mem>>) src(%dma_wait3A_90 : memref<2500x64xf32, #tpu.memory_space<hbm>>) dst(%dma_wait3A_87 : memref<2500x64xf32, #tpu.memory_space<vmem_shared>>)
        tpu.yield
      }) : () -> ()
    } else {
    }
    %lt3A_26 = arith.constant 10 : i32
    %lt3A_27 = arith.cmpi slt, %arg1, %lt3A_26 : i32
    %convert_element_type3A_28 = arith.extui %lt3A_27 : i1 to i32
    %cond3A_29 = arith.constant 0 : i32
    %cond3A_30 = arith.cmpi ne, %convert_element_type3A_28, %cond3A_29 : i32
    scf.if %cond3A_30 {
      %mul3A_78 = arith.constant 1000 : i32
      %mul3A_79 = arith.muli %arg1, %mul3A_78 : i32
      %multiple_of3A = tpu.assume_multiple %mul3A_79, 8 : i32
      "tpu.region"() ({
        %run_scoped3A_80 = tpu.sem_alloc : memref<!tpu.dma_semaphore, #tpu.memory_space<semaphore_mem>>
        %dma_start3A_81 = arith.constant 0 : i32
        %dma_start3A_82 = tpu.memref_slice %arg7[%multiple_of3A, %dma_start3A_81] : memref<10000x64xf32, #tpu.memory_space<vmem_shared>> -> memref<1000x64xf32, #tpu.memory_space<vmem_shared>>
        %dma_start3A_83 = arith.constant 0 : i32
        %dma_start3A_84 = tpu.memref_slice %arg2[%multiple_of3A, %dma_start3A_83] : memref<10000x64xf32, #tpu.memory_space<hbm>> -> memref<1000x64xf32, #tpu.memory_space<hbm>>
        tpu.enqueue_dma source(%dma_start3A_84 : memref<1000x64xf32, #tpu.memory_space<hbm>>) target(%dma_start3A_82 : memref<1000x64xf32, #tpu.memory_space<vmem_shared>>) target_semaphore(%run_scoped3A_80 : memref<!tpu.dma_semaphore, #tpu.memory_space<semaphore_mem>>)
        %dma_wait3A_85 = arith.constant 0 : i32
        %dma_wait3A_86 = tpu.memref_slice %arg7[%multiple_of3A, %dma_wait3A_85] : memref<10000x64xf32, #tpu.memory_space<vmem_shared>> -> memref<1000x64xf32, #tpu.memory_space<vmem_shared>>
        %dma_wait3A_87 = arith.constant 0 : i32
        %dma_wait3A_88 = tpu.memref_slice %arg2[%multiple_of3A, %dma_wait3A_87] : memref<10000x64xf32, #tpu.memory_space<hbm>> -> memref<1000x64xf32, #tpu.memory_space<hbm>>
        tpu.wait_dma2 semaphore(%run_scoped3A_80 : memref<!tpu.dma_semaphore, #tpu.memory_space<semaphore_mem>>) src(%dma_wait3A_88 : memref<1000x64xf32, #tpu.memory_space<hbm>>) dst(%dma_wait3A_86 : memref<1000x64xf32, #tpu.memory_space<vmem_shared>>)
        tpu.yield
      }) : () -> ()
    } else {
    }
    %run_scoped3A = arith.constant 0 : i32
    "tpu.region"() ({
      %run_scoped3A_78 = tpu.sem_alloc : memref<!tpu.dma_semaphore, #tpu.memory_space<semaphore_mem>>
      %dma_start3A_79 = arith.constant 0 : i32
      %dma_start3A_80 = arith.constant 0 : i32
      %dma_start3A_81 = tpu.memref_slice %arg8[%dma_start3A_79, %dma_start3A_80] : memref<79x128xi32, #tpu.memory_space<vmem>> -> memref<78x128xi32, #tpu.memory_space<vmem>>
      %dma_start3A_82 = arith.constant 0 : i32
      %dma_start3A_83 = arith.constant 0 : i32
      %dma_start3A_84 = tpu.memref_slice %arg3[%run_scoped3A, %dma_start3A_82, %dma_start3A_83] : memref<2x2500x128xi32, #tpu.memory_space<hbm>> -> memref<1x2500x128xi32, #tpu.memory_space<hbm>>
      %dma_start3A_85 = tpu.memref_squeeze %dma_start3A_84 : memref<1x2500x128xi32, #tpu.memory_space<hbm>> -> memref<2500x128xi32, #tpu.memory_space<hbm>>
      %dma_start3A_86 = arith.constant 0 : i32
      %dma_start3A_87 = tpu.memref_slice %dma_start3A_85[%add3A_4, %dma_start3A_86] : memref<2500x128xi32, #tpu.memory_space<hbm>> -> memref<78x128xi32, #tpu.memory_space<hbm>>
      %dma_start3A_88 = arith.constant 0 : i32
      %dma_start3A_89 = arith.constant 0 : i32
      %dma_start3A_90 = tpu.memref_slice %arg8[%dma_start3A_88, %dma_start3A_89] : memref<79x128xi32, #tpu.memory_space<vmem>> -> memref<78x128xi32, #tpu.memory_space<vmem>>
      %dma_start3A_91 = arith.constant 0 : i32
      %dma_start3A_92 = arith.constant 0 : i32
      %dma_start3A_93 = tpu.memref_slice %arg3[%run_scoped3A, %dma_start3A_91, %dma_start3A_92] : memref<2x2500x128xi32, #tpu.memory_space<hbm>> -> memref<1x2500x128xi32, #tpu.memory_space<hbm>>
      %dma_start3A_94 = tpu.memref_squeeze %dma_start3A_93 : memref<1x2500x128xi32, #tpu.memory_space<hbm>> -> memref<2500x128xi32, #tpu.memory_space<hbm>>
      %dma_start3A_95 = arith.constant 0 : i32
      %dma_start3A_96 = tpu.memref_slice %dma_start3A_94[%add3A_4, %dma_start3A_95] : memref<2500x128xi32, #tpu.memory_space<hbm>> -> memref<78x128xi32, #tpu.memory_space<hbm>>
      tpu.enqueue_dma source(%dma_start3A_96 : memref<78x128xi32, #tpu.memory_space<hbm>>) target(%dma_start3A_90 : memref<78x128xi32, #tpu.memory_space<vmem>>) target_semaphore(%run_scoped3A_78 : memref<!tpu.dma_semaphore, #tpu.memory_space<semaphore_mem>>)
      %dma_wait3A_97 = arith.constant 0 : i32
      %dma_wait3A_98 = arith.constant 0 : i32
      %dma_wait3A_99 = tpu.memref_slice %arg8[%dma_wait3A_97, %dma_wait3A_98] : memref<79x128xi32, #tpu.memory_space<vmem>> -> memref<78x128xi32, #tpu.memory_space<vmem>>
      %dma_wait3A_100 = arith.constant 0 : i32
      %dma_wait3A_101 = arith.constant 0 : i32
      %dma_wait3A_102 = tpu.memref_slice %arg3[%run_scoped3A, %dma_wait3A_100, %dma_wait3A_101] : memref<2x2500x128xi32, #tpu.memory_space<hbm>> -> memref<1x2500x128xi32, #tpu.memory_space<hbm>>
      %dma_wait3A_103 = tpu.memref_squeeze %dma_wait3A_102 : memref<1x2500x128xi32, #tpu.memory_space<hbm>> -> memref<2500x128xi32, #tpu.memory_space<hbm>>
      %dma_wait3A_104 = arith.constant 0 : i32
      %dma_wait3A_105 = tpu.memref_slice %dma_wait3A_103[%add3A_4, %dma_wait3A_104] : memref<2500x128xi32, #tpu.memory_space<hbm>> -> memref<78x128xi32, #tpu.memory_space<hbm>>
      %dma_wait3A_106 = arith.constant 0 : i32
      %dma_wait3A_107 = arith.constant 0 : i32
      %dma_wait3A_108 = tpu.memref_slice %arg8[%dma_wait3A_106, %dma_wait3A_107] : memref<79x128xi32, #tpu.memory_space<vmem>> -> memref<78x128xi32, #tpu.memory_space<vmem>>
      %dma_wait3A_109 = arith.constant 0 : i32
      %dma_wait3A_110 = arith.constant 0 : i32
      %dma_wait3A_111 = tpu.memref_slice %arg3[%run_scoped3A, %dma_wait3A_109, %dma_wait3A_110] : memref<2x2500x128xi32, #tpu.memory_space<hbm>> -> memref<1x2500x128xi32, #tpu.memory_space<hbm>>
      %dma_wait3A_112 = tpu.memref_squeeze %dma_wait3A_111 : memref<1x2500x128xi32, #tpu.memory_space<hbm>> -> memref<2500x128xi32, #tpu.memory_space<hbm>>
      %dma_wait3A_113 = arith.constant 0 : i32
      %dma_wait3A_114 = tpu.memref_slice %dma_wait3A_112[%add3A_4, %dma_wait3A_113] : memref<2500x128xi32, #tpu.memory_space<hbm>> -> memref<78x128xi32, #tpu.memory_space<hbm>>
      tpu.wait_dma2 semaphore(%run_scoped3A_78 : memref<!tpu.dma_semaphore, #tpu.memory_space<semaphore_mem>>) src(%dma_wait3A_114 : memref<78x128xi32, #tpu.memory_space<hbm>>) dst(%dma_wait3A_108 : memref<78x128xi32, #tpu.memory_space<vmem>>)
      tpu.yield
    }) : () -> ()
    %convert_element_type3A_31 = arith.extui %lt3A_5 : i1 to i32
    %cond3A_32 = arith.constant 0 : i32
    %cond3A_33 = arith.constant 0 : i32
    %cond3A_34 = arith.cmpi ne, %convert_element_type3A_31, %cond3A_33 : i32
    scf.if %cond3A_34 {
      %add3A_78 = arith.constant 78 : i32
      %add3A_79 = arith.addi %add3A_4, %add3A_78 : i32
      "tpu.region"() ({
        %run_scoped3A_80 = tpu.sem_alloc : memref<!tpu.dma_semaphore, #tpu.memory_space<semaphore_mem>>
        %dma_start3A_81 = arith.constant 78 : i32
        %dma_start3A_82 = arith.constant 0 : i32
        %dma_start3A_83 = tpu.memref_slice %arg8[%dma_start3A_81, %dma_start3A_82] : memref<79x128xi32, #tpu.memory_space<vmem>> -> memref<1x128xi32, #tpu.memory_space<vmem>>
        %dma_start3A_84 = arith.constant 0 : i32
        %dma_start3A_85 = arith.constant 0 : i32
        %dma_start3A_86 = tpu.memref_slice %arg3[%cond3A_32, %dma_start3A_84, %dma_start3A_85] : memref<2x2500x128xi32, #tpu.memory_space<hbm>> -> memref<1x2500x128xi32, #tpu.memory_space<hbm>>
        %dma_start3A_87 = tpu.memref_squeeze %dma_start3A_86 : memref<1x2500x128xi32, #tpu.memory_space<hbm>> -> memref<2500x128xi32, #tpu.memory_space<hbm>>
        %dma_start3A_88 = arith.constant 0 : i32
        %dma_start3A_89 = tpu.memref_slice %dma_start3A_87[%add3A_79, %dma_start3A_88] : memref<2500x128xi32, #tpu.memory_space<hbm>> -> memref<1x128xi32, #tpu.memory_space<hbm>>
        %dma_start3A_90 = arith.constant 78 : i32
        %dma_start3A_91 = arith.constant 0 : i32
        %dma_start3A_92 = tpu.memref_slice %arg8[%dma_start3A_90, %dma_start3A_91] : memref<79x128xi32, #tpu.memory_space<vmem>> -> memref<1x128xi32, #tpu.memory_space<vmem>>
        %dma_start3A_93 = arith.constant 0 : i32
        %dma_start3A_94 = arith.constant 0 : i32
        %dma_start3A_95 = tpu.memref_slice %arg3[%cond3A_32, %dma_start3A_93, %dma_start3A_94] : memref<2x2500x128xi32, #tpu.memory_space<hbm>> -> memref<1x2500x128xi32, #tpu.memory_space<hbm>>
        %dma_start3A_96 = tpu.memref_squeeze %dma_start3A_95 : memref<1x2500x128xi32, #tpu.memory_space<hbm>> -> memref<2500x128xi32, #tpu.memory_space<hbm>>
        %dma_start3A_97 = arith.constant 0 : i32
        %dma_start3A_98 = tpu.memref_slice %dma_start3A_96[%add3A_79, %dma_start3A_97] : memref<2500x128xi32, #tpu.memory_space<hbm>> -> memref<1x128xi32, #tpu.memory_space<hbm>>
        tpu.enqueue_dma source(%dma_start3A_98 : memref<1x128xi32, #tpu.memory_space<hbm>>) target(%dma_start3A_92 : memref<1x128xi32, #tpu.memory_space<vmem>>) target_semaphore(%run_scoped3A_80 : memref<!tpu.dma_semaphore, #tpu.memory_space<semaphore_mem>>)
        %dma_wait3A_99 = arith.constant 78 : i32
        %dma_wait3A_100 = arith.constant 0 : i32
        %dma_wait3A_101 = tpu.memref_slice %arg8[%dma_wait3A_99, %dma_wait3A_100] : memref<79x128xi32, #tpu.memory_space<vmem>> -> memref<1x128xi32, #tpu.memory_space<vmem>>
        %dma_wait3A_102 = arith.constant 0 : i32
        %dma_wait3A_103 = arith.constant 0 : i32
        %dma_wait3A_104 = tpu.memref_slice %arg3[%cond3A_32, %dma_wait3A_102, %dma_wait3A_103] : memref<2x2500x128xi32, #tpu.memory_space<hbm>> -> memref<1x2500x128xi32, #tpu.memory_space<hbm>>
        %dma_wait3A_105 = tpu.memref_squeeze %dma_wait3A_104 : memref<1x2500x128xi32, #tpu.memory_space<hbm>> -> memref<2500x128xi32, #tpu.memory_space<hbm>>
        %dma_wait3A_106 = arith.constant 0 : i32
        %dma_wait3A_107 = tpu.memref_slice %dma_wait3A_105[%add3A_79, %dma_wait3A_106] : memref<2500x128xi32, #tpu.memory_space<hbm>> -> memref<1x128xi32, #tpu.memory_space<hbm>>
        %dma_wait3A_108 = arith.constant 78 : i32
        %dma_wait3A_109 = arith.constant 0 : i32
        %dma_wait3A_110 = tpu.memref_slice %arg8[%dma_wait3A_108, %dma_wait3A_109] : memref<79x128xi32, #tpu.memory_space<vmem>> -> memref<1x128xi32, #tpu.memory_space<vmem>>
        %dma_wait3A_111 = arith.constant 0 : i32
        %dma_wait3A_112 = arith.constant 0 : i32
        %dma_wait3A_113 = tpu.memref_slice %arg3[%cond3A_32, %dma_wait3A_111, %dma_wait3A_112] : memref<2x2500x128xi32, #tpu.memory_space<hbm>> -> memref<1x2500x128xi32, #tpu.memory_space<hbm>>
        %dma_wait3A_114 = tpu.memref_squeeze %dma_wait3A_113 : memref<1x2500x128xi32, #tpu.memory_space<hbm>> -> memref<2500x128xi32, #tpu.memory_space<hbm>>
        %dma_wait3A_115 = arith.constant 0 : i32
        %dma_wait3A_116 = tpu.memref_slice %dma_wait3A_114[%add3A_79, %dma_wait3A_115] : memref<2500x128xi32, #tpu.memory_space<hbm>> -> memref<1x128xi32, #tpu.memory_space<hbm>>
        tpu.wait_dma2 semaphore(%run_scoped3A_80 : memref<!tpu.dma_semaphore, #tpu.memory_space<semaphore_mem>>) src(%dma_wait3A_116 : memref<1x128xi32, #tpu.memory_space<hbm>>) dst(%dma_wait3A_110 : memref<1x128xi32, #tpu.memory_space<vmem>>)
        tpu.yield
      }) : () -> ()
    } else {
    }
    %run_scoped3A_35 = arith.constant 1 : i32
    "tpu.region"() ({
      %run_scoped3A_78 = tpu.sem_alloc : memref<!tpu.dma_semaphore, #tpu.memory_space<semaphore_mem>>
      %dma_start3A_79 = arith.constant 0 : i32
      %dma_start3A_80 = arith.constant 0 : i32
      %dma_start3A_81 = tpu.memref_slice %arg9[%dma_start3A_79, %dma_start3A_80] : memref<79x128xi32, #tpu.memory_space<vmem>> -> memref<78x128xi32, #tpu.memory_space<vmem>>
      %dma_start3A_82 = arith.constant 0 : i32
      %dma_start3A_83 = arith.constant 0 : i32
      %dma_start3A_84 = tpu.memref_slice %arg3[%run_scoped3A_35, %dma_start3A_82, %dma_start3A_83] : memref<2x2500x128xi32, #tpu.memory_space<hbm>> -> memref<1x2500x128xi32, #tpu.memory_space<hbm>>
      %dma_start3A_85 = tpu.memref_squeeze %dma_start3A_84 : memref<1x2500x128xi32, #tpu.memory_space<hbm>> -> memref<2500x128xi32, #tpu.memory_space<hbm>>
      %dma_start3A_86 = arith.constant 0 : i32
      %dma_start3A_87 = tpu.memref_slice %dma_start3A_85[%add3A_4, %dma_start3A_86] : memref<2500x128xi32, #tpu.memory_space<hbm>> -> memref<78x128xi32, #tpu.memory_space<hbm>>
      %dma_start3A_88 = arith.constant 0 : i32
      %dma_start3A_89 = arith.constant 0 : i32
      %dma_start3A_90 = tpu.memref_slice %arg9[%dma_start3A_88, %dma_start3A_89] : memref<79x128xi32, #tpu.memory_space<vmem>> -> memref<78x128xi32, #tpu.memory_space<vmem>>
      %dma_start3A_91 = arith.constant 0 : i32
      %dma_start3A_92 = arith.constant 0 : i32
      %dma_start3A_93 = tpu.memref_slice %arg3[%run_scoped3A_35, %dma_start3A_91, %dma_start3A_92] : memref<2x2500x128xi32, #tpu.memory_space<hbm>> -> memref<1x2500x128xi32, #tpu.memory_space<hbm>>
      %dma_start3A_94 = tpu.memref_squeeze %dma_start3A_93 : memref<1x2500x128xi32, #tpu.memory_space<hbm>> -> memref<2500x128xi32, #tpu.memory_space<hbm>>
      %dma_start3A_95 = arith.constant 0 : i32
      %dma_start3A_96 = tpu.memref_slice %dma_start3A_94[%add3A_4, %dma_start3A_95] : memref<2500x128xi32, #tpu.memory_space<hbm>> -> memref<78x128xi32, #tpu.memory_space<hbm>>
      tpu.enqueue_dma source(%dma_start3A_96 : memref<78x128xi32, #tpu.memory_space<hbm>>) target(%dma_start3A_90 : memref<78x128xi32, #tpu.memory_space<vmem>>) target_semaphore(%run_scoped3A_78 : memref<!tpu.dma_semaphore, #tpu.memory_space<semaphore_mem>>)
      %dma_wait3A_97 = arith.constant 0 : i32
      %dma_wait3A_98 = arith.constant 0 : i32
      %dma_wait3A_99 = tpu.memref_slice %arg9[%dma_wait3A_97, %dma_wait3A_98] : memref<79x128xi32, #tpu.memory_space<vmem>> -> memref<78x128xi32, #tpu.memory_space<vmem>>
      %dma_wait3A_100 = arith.constant 0 : i32
      %dma_wait3A_101 = arith.constant 0 : i32
      %dma_wait3A_102 = tpu.memref_slice %arg3[%run_scoped3A_35, %dma_wait3A_100, %dma_wait3A_101] : memref<2x2500x128xi32, #tpu.memory_space<hbm>> -> memref<1x2500x128xi32, #tpu.memory_space<hbm>>
      %dma_wait3A_103 = tpu.memref_squeeze %dma_wait3A_102 : memref<1x2500x128xi32, #tpu.memory_space<hbm>> -> memref<2500x128xi32, #tpu.memory_space<hbm>>
      %dma_wait3A_104 = arith.constant 0 : i32
      %dma_wait3A_105 = tpu.memref_slice %dma_wait3A_103[%add3A_4, %dma_wait3A_104] : memref<2500x128xi32, #tpu.memory_space<hbm>> -> memref<78x128xi32, #tpu.memory_space<hbm>>
      %dma_wait3A_106 = arith.constant 0 : i32
      %dma_wait3A_107 = arith.constant 0 : i32
      %dma_wait3A_108 = tpu.memref_slice %arg9[%dma_wait3A_106, %dma_wait3A_107] : memref<79x128xi32, #tpu.memory_space<vmem>> -> memref<78x128xi32, #tpu.memory_space<vmem>>
      %dma_wait3A_109 = arith.constant 0 : i32
      %dma_wait3A_110 = arith.constant 0 : i32
      %dma_wait3A_111 = tpu.memref_slice %arg3[%run_scoped3A_35, %dma_wait3A_109, %dma_wait3A_110] : memref<2x2500x128xi32, #tpu.memory_space<hbm>> -> memref<1x2500x128xi32, #tpu.memory_space<hbm>>
      %dma_wait3A_112 = tpu.memref_squeeze %dma_wait3A_111 : memref<1x2500x128xi32, #tpu.memory_space<hbm>> -> memref<2500x128xi32, #tpu.memory_space<hbm>>
      %dma_wait3A_113 = arith.constant 0 : i32
      %dma_wait3A_114 = tpu.memref_slice %dma_wait3A_112[%add3A_4, %dma_wait3A_113] : memref<2500x128xi32, #tpu.memory_space<hbm>> -> memref<78x128xi32, #tpu.memory_space<hbm>>
      tpu.wait_dma2 semaphore(%run_scoped3A_78 : memref<!tpu.dma_semaphore, #tpu.memory_space<semaphore_mem>>) src(%dma_wait3A_114 : memref<78x128xi32, #tpu.memory_space<hbm>>) dst(%dma_wait3A_108 : memref<78x128xi32, #tpu.memory_space<vmem>>)
      tpu.yield
    }) : () -> ()
    %convert_element_type3A_36 = arith.extui %lt3A_5 : i1 to i32
    %cond3A_37 = arith.constant 1 : i32
    %cond3A_38 = arith.constant 0 : i32
    %cond3A_39 = arith.cmpi ne, %convert_element_type3A_36, %cond3A_38 : i32
    scf.if %cond3A_39 {
      %add3A_78 = arith.constant 78 : i32
      %add3A_79 = arith.addi %add3A_4, %add3A_78 : i32
      "tpu.region"() ({
        %run_scoped3A_80 = tpu.sem_alloc : memref<!tpu.dma_semaphore, #tpu.memory_space<semaphore_mem>>
        %dma_start3A_81 = arith.constant 78 : i32
        %dma_start3A_82 = arith.constant 0 : i32
        %dma_start3A_83 = tpu.memref_slice %arg9[%dma_start3A_81, %dma_start3A_82] : memref<79x128xi32, #tpu.memory_space<vmem>> -> memref<1x128xi32, #tpu.memory_space<vmem>>
        %dma_start3A_84 = arith.constant 0 : i32
        %dma_start3A_85 = arith.constant 0 : i32
        %dma_start3A_86 = tpu.memref_slice %arg3[%cond3A_37, %dma_start3A_84, %dma_start3A_85] : memref<2x2500x128xi32, #tpu.memory_space<hbm>> -> memref<1x2500x128xi32, #tpu.memory_space<hbm>>
        %dma_start3A_87 = tpu.memref_squeeze %dma_start3A_86 : memref<1x2500x128xi32, #tpu.memory_space<hbm>> -> memref<2500x128xi32, #tpu.memory_space<hbm>>
        %dma_start3A_88 = arith.constant 0 : i32
        %dma_start3A_89 = tpu.memref_slice %dma_start3A_87[%add3A_79, %dma_start3A_88] : memref<2500x128xi32, #tpu.memory_space<hbm>> -> memref<1x128xi32, #tpu.memory_space<hbm>>
        %dma_start3A_90 = arith.constant 78 : i32
        %dma_start3A_91 = arith.constant 0 : i32
        %dma_start3A_92 = tpu.memref_slice %arg9[%dma_start3A_90, %dma_start3A_91] : memref<79x128xi32, #tpu.memory_space<vmem>> -> memref<1x128xi32, #tpu.memory_space<vmem>>
        %dma_start3A_93 = arith.constant 0 : i32
        %dma_start3A_94 = arith.constant 0 : i32
        %dma_start3A_95 = tpu.memref_slice %arg3[%cond3A_37, %dma_start3A_93, %dma_start3A_94] : memref<2x2500x128xi32, #tpu.memory_space<hbm>> -> memref<1x2500x128xi32, #tpu.memory_space<hbm>>
        %dma_start3A_96 = tpu.memref_squeeze %dma_start3A_95 : memref<1x2500x128xi32, #tpu.memory_space<hbm>> -> memref<2500x128xi32, #tpu.memory_space<hbm>>
        %dma_start3A_97 = arith.constant 0 : i32
        %dma_start3A_98 = tpu.memref_slice %dma_start3A_96[%add3A_79, %dma_start3A_97] : memref<2500x128xi32, #tpu.memory_space<hbm>> -> memref<1x128xi32, #tpu.memory_space<hbm>>
        tpu.enqueue_dma source(%dma_start3A_98 : memref<1x128xi32, #tpu.memory_space<hbm>>) target(%dma_start3A_92 : memref<1x128xi32, #tpu.memory_space<vmem>>) target_semaphore(%run_scoped3A_80 : memref<!tpu.dma_semaphore, #tpu.memory_space<semaphore_mem>>)
        %dma_wait3A_99 = arith.constant 78 : i32
        %dma_wait3A_100 = arith.constant 0 : i32
        %dma_wait3A_101 = tpu.memref_slice %arg9[%dma_wait3A_99, %dma_wait3A_100] : memref<79x128xi32, #tpu.memory_space<vmem>> -> memref<1x128xi32, #tpu.memory_space<vmem>>
        %dma_wait3A_102 = arith.constant 0 : i32
        %dma_wait3A_103 = arith.constant 0 : i32
        %dma_wait3A_104 = tpu.memref_slice %arg3[%cond3A_37, %dma_wait3A_102, %dma_wait3A_103] : memref<2x2500x128xi32, #tpu.memory_space<hbm>> -> memref<1x2500x128xi32, #tpu.memory_space<hbm>>
        %dma_wait3A_105 = tpu.memref_squeeze %dma_wait3A_104 : memref<1x2500x128xi32, #tpu.memory_space<hbm>> -> memref<2500x128xi32, #tpu.memory_space<hbm>>
        %dma_wait3A_106 = arith.constant 0 : i32
        %dma_wait3A_107 = tpu.memref_slice %dma_wait3A_105[%add3A_79, %dma_wait3A_106] : memref<2500x128xi32, #tpu.memory_space<hbm>> -> memref<1x128xi32, #tpu.memory_space<hbm>>
        %dma_wait3A_108 = arith.constant 78 : i32
        %dma_wait3A_109 = arith.constant 0 : i32
        %dma_wait3A_110 = tpu.memref_slice %arg9[%dma_wait3A_108, %dma_wait3A_109] : memref<79x128xi32, #tpu.memory_space<vmem>> -> memref<1x128xi32, #tpu.memory_space<vmem>>
        %dma_wait3A_111 = arith.constant 0 : i32
        %dma_wait3A_112 = arith.constant 0 : i32
        %dma_wait3A_113 = tpu.memref_slice %arg3[%cond3A_37, %dma_wait3A_111, %dma_wait3A_112] : memref<2x2500x128xi32, #tpu.memory_space<hbm>> -> memref<1x2500x128xi32, #tpu.memory_space<hbm>>
        %dma_wait3A_114 = tpu.memref_squeeze %dma_wait3A_113 : memref<1x2500x128xi32, #tpu.memory_space<hbm>> -> memref<2500x128xi32, #tpu.memory_space<hbm>>
        %dma_wait3A_115 = arith.constant 0 : i32
        %dma_wait3A_116 = tpu.memref_slice %dma_wait3A_114[%add3A_79, %dma_wait3A_115] : memref<2500x128xi32, #tpu.memory_space<hbm>> -> memref<1x128xi32, #tpu.memory_space<hbm>>
        tpu.wait_dma2 semaphore(%run_scoped3A_80 : memref<!tpu.dma_semaphore, #tpu.memory_space<semaphore_mem>>) src(%dma_wait3A_116 : memref<1x128xi32, #tpu.memory_space<hbm>>) dst(%dma_wait3A_110 : memref<1x128xi32, #tpu.memory_space<vmem>>)
        tpu.yield
      }) : () -> ()
    } else {
    }
    %barrier3A = arith.constant 0 : index
    tpu.barrier barrier_id(%barrier3A)
    %dma_start3A = arith.constant 0 : i32
    %dma_start3A_40 = arith.constant 0 : i32
    %dma_start3A_41 = tpu.memref_slice %arg8[%dma_start3A, %dma_start3A_40] : memref<79x128xi32, #tpu.memory_space<vmem>> -> memref<1x128xi32, #tpu.memory_space<vmem>>
    %dma_start3A_42 = tpu.memref_squeeze %dma_start3A_41 : memref<1x128xi32, #tpu.memory_space<vmem>> -> memref<128xi32, #tpu.memory_space<vmem>>
    %dma_start3A_43 = arith.constant 0 : i32
    %dma_start3A_44 = arith.constant 0 : i32
    %dma_start3A_45 = tpu.memref_slice %arg7[%dma_start3A_43, %dma_start3A_44] : memref<10000x64xf32, #tpu.memory_space<vmem_shared>> -> memref<10000x64xf32, #tpu.memory_space<vmem_shared>>
    tpu.enqueue_indirect_dma source(%dma_start3A_45 : memref<10000x64xf32, #tpu.memory_space<vmem_shared>>) target(%arg10 : memref<128x64xf32, #tpu.memory_space<vmem>>) offsets(%dma_start3A_42 : memref<128xi32, #tpu.memory_space<vmem>>) semaphore(%arg12 : memref<!tpu.dma_semaphore, #tpu.memory_space<semaphore_mem>>)
    %dma_start3A_46 = arith.constant 1 : i32
    %dma_start3A_47 = arith.constant 0 : i32
    %dma_start3A_48 = tpu.memref_slice %arg8[%dma_start3A_46, %dma_start3A_47] : memref<79x128xi32, #tpu.memory_space<vmem>> -> memref<1x128xi32, #tpu.memory_space<vmem>>
    %dma_start3A_49 = tpu.memref_squeeze %dma_start3A_48 : memref<1x128xi32, #tpu.memory_space<vmem>> -> memref<128xi32, #tpu.memory_space<vmem>>
    %dma_start3A_50 = arith.constant 0 : i32
    %dma_start3A_51 = arith.constant 0 : i32
    %dma_start3A_52 = tpu.memref_slice %arg7[%dma_start3A_50, %dma_start3A_51] : memref<10000x64xf32, #tpu.memory_space<vmem_shared>> -> memref<10000x64xf32, #tpu.memory_space<vmem_shared>>
    tpu.enqueue_indirect_dma source(%dma_start3A_52 : memref<10000x64xf32, #tpu.memory_space<vmem_shared>>) target(%arg11 : memref<128x64xf32, #tpu.memory_space<vmem>>) offsets(%dma_start3A_49 : memref<128xi32, #tpu.memory_space<vmem>>) semaphore(%arg13 : memref<!tpu.dma_semaphore, #tpu.memory_space<semaphore_mem>>)
    %scan3A = arith.constant 0 : i32
    %scan3A_53 = arith.constant 0 : i32
    %scan3A_54 = arith.constant 39 : i32
    %scan3A_55 = arith.addi %scan3A_53, %scan3A_54 : i32
    %scan3A_56 = arith.constant 1 : i32
    %scan3A_57 = scf.for %scan3A_78 = %scan3A_53 to %scan3A_55 step %scan3A_56 iter_args(%scan3A_79 = %scan3A) -> (i32)  : i32 {
      %mul3A_80 = arith.constant 2 : i32
      %mul3A_81 = arith.muli %scan3A_78, %mul3A_80 : i32
      %add3A_82 = arith.constant 0 : i32
      %add3A_83 = arith.addi %mul3A_81, %add3A_82 : i32
      %dma_wait3A_84 = arith.constant 0 : i32
      %dma_wait3A_85 = tpu.memref_slice %arg8[%add3A_83, %dma_wait3A_84] : memref<79x128xi32, #tpu.memory_space<vmem>> -> memref<1x128xi32, #tpu.memory_space<vmem>>
      %dma_wait3A_86 = tpu.memref_squeeze %dma_wait3A_85 : memref<1x128xi32, #tpu.memory_space<vmem>> -> memref<128xi32, #tpu.memory_space<vmem>>
      %dma_wait3A_87 = arith.constant 0 : i32
      %dma_wait3A_88 = arith.constant 0 : i32
      %dma_wait3A_89 = tpu.memref_slice %arg7[%dma_wait3A_87, %dma_wait3A_88] : memref<10000x64xf32, #tpu.memory_space<vmem_shared>> -> memref<10000x64xf32, #tpu.memory_space<vmem_shared>>
      tpu.wait_indirect_dma semaphore(%arg12 : memref<!tpu.dma_semaphore, #tpu.memory_space<semaphore_mem>>) src(%dma_wait3A_89 : memref<10000x64xf32, #tpu.memory_space<vmem_shared>>) dst(%arg10 : memref<128x64xf32, #tpu.memory_space<vmem>>)
      %add3A_90 = arith.constant 0 : i32
      %add3A_91 = arith.addi %mul3A_81, %add3A_90 : i32
      %dma_start3A_92 = arith.constant 0 : i32
      %dma_start3A_93 = tpu.memref_slice %arg9[%add3A_91, %dma_start3A_92] : memref<79x128xi32, #tpu.memory_space<vmem>> -> memref<1x128xi32, #tpu.memory_space<vmem>>
      %dma_start3A_94 = tpu.memref_squeeze %dma_start3A_93 : memref<1x128xi32, #tpu.memory_space<vmem>> -> memref<128xi32, #tpu.memory_space<vmem>>
      %dma_start3A_95 = arith.constant 0 : i32
      %dma_start3A_96 = arith.constant 0 : i32
      %dma_start3A_97 = tpu.memref_slice %arg6[%dma_start3A_95, %dma_start3A_96] : memref<10000x64xf32, #tpu.memory_space<vmem_shared>> -> memref<10000x64xf32, #tpu.memory_space<vmem_shared>>
      tpu.enqueue_indirect_dma source(%arg10 : memref<128x64xf32, #tpu.memory_space<vmem>>) target(%dma_start3A_97 : memref<10000x64xf32, #tpu.memory_space<vmem_shared>>) offsets(%dma_start3A_94 : memref<128xi32, #tpu.memory_space<vmem>>) semaphore(%arg14 : memref<!tpu.dma_semaphore, #tpu.memory_space<semaphore_mem>>) {add = true}
      %add3A_98 = arith.constant 1 : i32
      %add3A_99 = arith.addi %mul3A_81, %add3A_98 : i32
      %dma_wait3A_100 = arith.constant 0 : i32
      %dma_wait3A_101 = tpu.memref_slice %arg8[%add3A_99, %dma_wait3A_100] : memref<79x128xi32, #tpu.memory_space<vmem>> -> memref<1x128xi32, #tpu.memory_space<vmem>>
      %dma_wait3A_102 = tpu.memref_squeeze %dma_wait3A_101 : memref<1x128xi32, #tpu.memory_space<vmem>> -> memref<128xi32, #tpu.memory_space<vmem>>
      %dma_wait3A_103 = arith.constant 0 : i32
      %dma_wait3A_104 = arith.constant 0 : i32
      %dma_wait3A_105 = tpu.memref_slice %arg7[%dma_wait3A_103, %dma_wait3A_104] : memref<10000x64xf32, #tpu.memory_space<vmem_shared>> -> memref<10000x64xf32, #tpu.memory_space<vmem_shared>>
      tpu.wait_indirect_dma semaphore(%arg13 : memref<!tpu.dma_semaphore, #tpu.memory_space<semaphore_mem>>) src(%dma_wait3A_105 : memref<10000x64xf32, #tpu.memory_space<vmem_shared>>) dst(%arg11 : memref<128x64xf32, #tpu.memory_space<vmem>>)
      %add3A_106 = arith.constant 1 : i32
      %add3A_107 = arith.addi %mul3A_81, %add3A_106 : i32
      %dma_start3A_108 = arith.constant 0 : i32
      %dma_start3A_109 = tpu.memref_slice %arg9[%add3A_107, %dma_start3A_108] : memref<79x128xi32, #tpu.memory_space<vmem>> -> memref<1x128xi32, #tpu.memory_space<vmem>>
      %dma_start3A_110 = tpu.memref_squeeze %dma_start3A_109 : memref<1x128xi32, #tpu.memory_space<vmem>> -> memref<128xi32, #tpu.memory_space<vmem>>
      %dma_start3A_111 = arith.constant 0 : i32
      %dma_start3A_112 = arith.constant 0 : i32
      %dma_start3A_113 = tpu.memref_slice %arg6[%dma_start3A_111, %dma_start3A_112] : memref<10000x64xf32, #tpu.memory_space<vmem_shared>> -> memref<10000x64xf32, #tpu.memory_space<vmem_shared>>
      tpu.enqueue_indirect_dma source(%arg11 : memref<128x64xf32, #tpu.memory_space<vmem>>) target(%dma_start3A_113 : memref<10000x64xf32, #tpu.memory_space<vmem_shared>>) offsets(%dma_start3A_110 : memref<128xi32, #tpu.memory_space<vmem>>) semaphore(%arg15 : memref<!tpu.dma_semaphore, #tpu.memory_space<semaphore_mem>>) {add = true}
      %add3A_114 = arith.constant 0 : i32
      %add3A_115 = arith.addi %mul3A_81, %add3A_114 : i32
      %add3A_116 = arith.constant 2 : i32
      %add3A_117 = arith.addi %add3A_115, %add3A_116 : i32
      %lt3A_118 = arith.cmpi slt, %add3A_117, %add3A_7 : i32
      %convert_element_type3A_119 = arith.extui %lt3A_118 : i1 to i32
      %cond3A_120 = arith.constant 0 : i32
      %cond3A_121 = arith.cmpi ne, %convert_element_type3A_119, %cond3A_120 : i32
      scf.if %cond3A_121 {
        %add3A_131 = arith.constant 0 : i32
        %add3A_132 = arith.addi %mul3A_81, %add3A_131 : i32
        %dma_wait3A_133 = arith.constant 0 : i32
        %dma_wait3A_134 = tpu.memref_slice %arg9[%add3A_132, %dma_wait3A_133] : memref<79x128xi32, #tpu.memory_space<vmem>> -> memref<1x128xi32, #tpu.memory_space<vmem>>
        %dma_wait3A_135 = tpu.memref_squeeze %dma_wait3A_134 : memref<1x128xi32, #tpu.memory_space<vmem>> -> memref<128xi32, #tpu.memory_space<vmem>>
        %dma_wait3A_136 = arith.constant 0 : i32
        %dma_wait3A_137 = arith.constant 0 : i32
        %dma_wait3A_138 = tpu.memref_slice %arg6[%dma_wait3A_136, %dma_wait3A_137] : memref<10000x64xf32, #tpu.memory_space<vmem_shared>> -> memref<10000x64xf32, #tpu.memory_space<vmem_shared>>
        tpu.wait_indirect_dma semaphore(%arg14 : memref<!tpu.dma_semaphore, #tpu.memory_space<semaphore_mem>>) src(%arg10 : memref<128x64xf32, #tpu.memory_space<vmem>>) dst(%dma_wait3A_138 : memref<10000x64xf32, #tpu.memory_space<vmem_shared>>)
        %add3A_139 = arith.constant 0 : i32
        %add3A_140 = arith.addi %mul3A_81, %add3A_139 : i32
        %add3A_141 = arith.constant 2 : i32
        %add3A_142 = arith.addi %add3A_140, %add3A_141 : i32
        %dma_start3A_143 = arith.constant 0 : i32
        %dma_start3A_144 = tpu.memref_slice %arg8[%add3A_142, %dma_start3A_143] : memref<79x128xi32, #tpu.memory_space<vmem>> -> memref<1x128xi32, #tpu.memory_space<vmem>>
        %dma_start3A_145 = tpu.memref_squeeze %dma_start3A_144 : memref<1x128xi32, #tpu.memory_space<vmem>> -> memref<128xi32, #tpu.memory_space<vmem>>
        %dma_start3A_146 = arith.constant 0 : i32
        %dma_start3A_147 = arith.constant 0 : i32
        %dma_start3A_148 = tpu.memref_slice %arg7[%dma_start3A_146, %dma_start3A_147] : memref<10000x64xf32, #tpu.memory_space<vmem_shared>> -> memref<10000x64xf32, #tpu.memory_space<vmem_shared>>
        tpu.enqueue_indirect_dma source(%dma_start3A_148 : memref<10000x64xf32, #tpu.memory_space<vmem_shared>>) target(%arg10 : memref<128x64xf32, #tpu.memory_space<vmem>>) offsets(%dma_start3A_145 : memref<128xi32, #tpu.memory_space<vmem>>) semaphore(%arg12 : memref<!tpu.dma_semaphore, #tpu.memory_space<semaphore_mem>>)
      } else {
      }
      %add3A_122 = arith.constant 1 : i32
      %add3A_123 = arith.addi %mul3A_81, %add3A_122 : i32
      %add3A_124 = arith.constant 2 : i32
      %add3A_125 = arith.addi %add3A_123, %add3A_124 : i32
      %lt3A_126 = arith.cmpi slt, %add3A_125, %add3A_7 : i32
      %convert_element_type3A_127 = arith.extui %lt3A_126 : i1 to i32
      %cond3A_128 = arith.constant 0 : i32
      %cond3A_129 = arith.cmpi ne, %convert_element_type3A_127, %cond3A_128 : i32
      scf.if %cond3A_129 {
        %add3A_131 = arith.constant 1 : i32
        %add3A_132 = arith.addi %mul3A_81, %add3A_131 : i32
        %dma_wait3A_133 = arith.constant 0 : i32
        %dma_wait3A_134 = tpu.memref_slice %arg9[%add3A_132, %dma_wait3A_133] : memref<79x128xi32, #tpu.memory_space<vmem>> -> memref<1x128xi32, #tpu.memory_space<vmem>>
        %dma_wait3A_135 = tpu.memref_squeeze %dma_wait3A_134 : memref<1x128xi32, #tpu.memory_space<vmem>> -> memref<128xi32, #tpu.memory_space<vmem>>
        %dma_wait3A_136 = arith.constant 0 : i32
        %dma_wait3A_137 = arith.constant 0 : i32
        %dma_wait3A_138 = tpu.memref_slice %arg6[%dma_wait3A_136, %dma_wait3A_137] : memref<10000x64xf32, #tpu.memory_space<vmem_shared>> -> memref<10000x64xf32, #tpu.memory_space<vmem_shared>>
        tpu.wait_indirect_dma semaphore(%arg15 : memref<!tpu.dma_semaphore, #tpu.memory_space<semaphore_mem>>) src(%arg11 : memref<128x64xf32, #tpu.memory_space<vmem>>) dst(%dma_wait3A_138 : memref<10000x64xf32, #tpu.memory_space<vmem_shared>>)
        %add3A_139 = arith.constant 1 : i32
        %add3A_140 = arith.addi %mul3A_81, %add3A_139 : i32
        %add3A_141 = arith.constant 2 : i32
        %add3A_142 = arith.addi %add3A_140, %add3A_141 : i32
        %dma_start3A_143 = arith.constant 0 : i32
        %dma_start3A_144 = tpu.memref_slice %arg8[%add3A_142, %dma_start3A_143] : memref<79x128xi32, #tpu.memory_space<vmem>> -> memref<1x128xi32, #tpu.memory_space<vmem>>
        %dma_start3A_145 = tpu.memref_squeeze %dma_start3A_144 : memref<1x128xi32, #tpu.memory_space<vmem>> -> memref<128xi32, #tpu.memory_space<vmem>>
        %dma_start3A_146 = arith.constant 0 : i32
        %dma_start3A_147 = arith.constant 0 : i32
        %dma_start3A_148 = tpu.memref_slice %arg7[%dma_start3A_146, %dma_start3A_147] : memref<10000x64xf32, #tpu.memory_space<vmem_shared>> -> memref<10000x64xf32, #tpu.memory_space<vmem_shared>>
        tpu.enqueue_indirect_dma source(%dma_start3A_148 : memref<10000x64xf32, #tpu.memory_space<vmem_shared>>) target(%arg11 : memref<128x64xf32, #tpu.memory_space<vmem>>) offsets(%dma_start3A_145 : memref<128xi32, #tpu.memory_space<vmem>>) semaphore(%arg13 : memref<!tpu.dma_semaphore, #tpu.memory_space<semaphore_mem>>)
      } else {
      }
      %scan3A_130 = arith.constant 0 : i32
      scf.yield %scan3A_130 : i32
    }
    %scan3A_58 = arith.constant 39 : i32
    %convert_element_type3A_59 = arith.extui %lt3A_5 : i1 to i32
    %cond3A_60 = arith.constant 0 : i32
    %cond3A_61 = arith.cmpi ne, %convert_element_type3A_59, %cond3A_60 : i32
    scf.if %cond3A_61 {
      %dma_wait3A_78 = arith.constant 78 : i32
      %dma_wait3A_79 = arith.constant 0 : i32
      %dma_wait3A_80 = tpu.memref_slice %arg8[%dma_wait3A_78, %dma_wait3A_79] : memref<79x128xi32, #tpu.memory_space<vmem>> -> memref<1x128xi32, #tpu.memory_space<vmem>>
      %dma_wait3A_81 = tpu.memref_squeeze %dma_wait3A_80 : memref<1x128xi32, #tpu.memory_space<vmem>> -> memref<128xi32, #tpu.memory_space<vmem>>
      %dma_wait3A_82 = arith.constant 0 : i32
      %dma_wait3A_83 = arith.constant 0 : i32
      %dma_wait3A_84 = tpu.memref_slice %arg7[%dma_wait3A_82, %dma_wait3A_83] : memref<10000x64xf32, #tpu.memory_space<vmem_shared>> -> memref<10000x64xf32, #tpu.memory_space<vmem_shared>>
      tpu.wait_indirect_dma semaphore(%arg12 : memref<!tpu.dma_semaphore, #tpu.memory_space<semaphore_mem>>) src(%dma_wait3A_84 : memref<10000x64xf32, #tpu.memory_space<vmem_shared>>) dst(%arg10 : memref<128x64xf32, #tpu.memory_space<vmem>>)
      %dma_start3A_85 = arith.constant 78 : i32
      %dma_start3A_86 = arith.constant 0 : i32
      %dma_start3A_87 = tpu.memref_slice %arg9[%dma_start3A_85, %dma_start3A_86] : memref<79x128xi32, #tpu.memory_space<vmem>> -> memref<1x128xi32, #tpu.memory_space<vmem>>
      %dma_start3A_88 = tpu.memref_squeeze %dma_start3A_87 : memref<1x128xi32, #tpu.memory_space<vmem>> -> memref<128xi32, #tpu.memory_space<vmem>>
      %dma_start3A_89 = arith.constant 0 : i32
      %dma_start3A_90 = arith.constant 0 : i32
      %dma_start3A_91 = tpu.memref_slice %arg6[%dma_start3A_89, %dma_start3A_90] : memref<10000x64xf32, #tpu.memory_space<vmem_shared>> -> memref<10000x64xf32, #tpu.memory_space<vmem_shared>>
      tpu.enqueue_indirect_dma source(%arg10 : memref<128x64xf32, #tpu.memory_space<vmem>>) target(%dma_start3A_91 : memref<10000x64xf32, #tpu.memory_space<vmem_shared>>) offsets(%dma_start3A_88 : memref<128xi32, #tpu.memory_space<vmem>>) semaphore(%arg14 : memref<!tpu.dma_semaphore, #tpu.memory_space<semaphore_mem>>) {add = true}
      %dma_wait3A_92 = arith.constant 78 : i32
      %dma_wait3A_93 = arith.constant 0 : i32
      %dma_wait3A_94 = tpu.memref_slice %arg9[%dma_wait3A_92, %dma_wait3A_93] : memref<79x128xi32, #tpu.memory_space<vmem>> -> memref<1x128xi32, #tpu.memory_space<vmem>>
      %dma_wait3A_95 = tpu.memref_squeeze %dma_wait3A_94 : memref<1x128xi32, #tpu.memory_space<vmem>> -> memref<128xi32, #tpu.memory_space<vmem>>
      %dma_wait3A_96 = arith.constant 0 : i32
      %dma_wait3A_97 = arith.constant 0 : i32
      %dma_wait3A_98 = tpu.memref_slice %arg6[%dma_wait3A_96, %dma_wait3A_97] : memref<10000x64xf32, #tpu.memory_space<vmem_shared>> -> memref<10000x64xf32, #tpu.memory_space<vmem_shared>>
      tpu.wait_indirect_dma semaphore(%arg14 : memref<!tpu.dma_semaphore, #tpu.memory_space<semaphore_mem>>) src(%arg10 : memref<128x64xf32, #tpu.memory_space<vmem>>) dst(%dma_wait3A_98 : memref<10000x64xf32, #tpu.memory_space<vmem_shared>>)
    } else {
    }
    %not3A = arith.constant true
    %not3A_62 = arith.xori %lt3A_5, %not3A : i1
    %convert_element_type3A_63 = arith.extui %not3A_62 : i1 to i32
    %cond3A_64 = arith.constant 0 : i32
    %cond3A_65 = arith.cmpi ne, %convert_element_type3A_63, %cond3A_64 : i32
    scf.if %cond3A_65 {
      %dma_wait3A_78 = arith.constant 76 : i32
      %dma_wait3A_79 = arith.constant 0 : i32
      %dma_wait3A_80 = tpu.memref_slice %arg9[%dma_wait3A_78, %dma_wait3A_79] : memref<79x128xi32, #tpu.memory_space<vmem>> -> memref<1x128xi32, #tpu.memory_space<vmem>>
      %dma_wait3A_81 = tpu.memref_squeeze %dma_wait3A_80 : memref<1x128xi32, #tpu.memory_space<vmem>> -> memref<128xi32, #tpu.memory_space<vmem>>
      %dma_wait3A_82 = arith.constant 0 : i32
      %dma_wait3A_83 = arith.constant 0 : i32
      %dma_wait3A_84 = tpu.memref_slice %arg6[%dma_wait3A_82, %dma_wait3A_83] : memref<10000x64xf32, #tpu.memory_space<vmem_shared>> -> memref<10000x64xf32, #tpu.memory_space<vmem_shared>>
      tpu.wait_indirect_dma semaphore(%arg14 : memref<!tpu.dma_semaphore, #tpu.memory_space<semaphore_mem>>) src(%arg10 : memref<128x64xf32, #tpu.memory_space<vmem>>) dst(%dma_wait3A_84 : memref<10000x64xf32, #tpu.memory_space<vmem_shared>>)
    } else {
    }
    %dma_wait3A = arith.constant 77 : i32
    %dma_wait3A_66 = arith.constant 0 : i32
    %dma_wait3A_67 = tpu.memref_slice %arg9[%dma_wait3A, %dma_wait3A_66] : memref<79x128xi32, #tpu.memory_space<vmem>> -> memref<1x128xi32, #tpu.memory_space<vmem>>
    %dma_wait3A_68 = tpu.memref_squeeze %dma_wait3A_67 : memref<1x128xi32, #tpu.memory_space<vmem>> -> memref<128xi32, #tpu.memory_space<vmem>>
    %dma_wait3A_69 = arith.constant 0 : i32
    %dma_wait3A_70 = arith.constant 0 : i32
    %dma_wait3A_71 = tpu.memref_slice %arg6[%dma_wait3A_69, %dma_wait3A_70] : memref<10000x64xf32, #tpu.memory_space<vmem_shared>> -> memref<10000x64xf32, #tpu.memory_space<vmem_shared>>
    tpu.wait_indirect_dma semaphore(%arg15 : memref<!tpu.dma_semaphore, #tpu.memory_space<semaphore_mem>>) src(%arg11 : memref<128x64xf32, #tpu.memory_space<vmem>>) dst(%dma_wait3A_71 : memref<10000x64xf32, #tpu.memory_space<vmem_shared>>)
    %barrier3A_72 = arith.constant 0 : index
    tpu.barrier barrier_id(%barrier3A_72)
    %lt3A_73 = arith.constant 10 : i32
    %lt3A_74 = arith.cmpi slt, %arg1, %lt3A_73 : i32
    %convert_element_type3A_75 = arith.extui %lt3A_74 : i1 to i32
    %cond3A_76 = arith.constant 0 : i32
    %cond3A_77 = arith.cmpi ne, %convert_element_type3A_75, %cond3A_76 : i32
    scf.if %cond3A_77 {
      %mul3A_78 = arith.constant 1000 : i32
      %mul3A_79 = arith.muli %arg1, %mul3A_78 : i32
      %multiple_of3A = tpu.assume_multiple %mul3A_79, 8 : i32
      "tpu.region"() ({
        %run_scoped3A_80 = tpu.sem_alloc : memref<!tpu.dma_semaphore, #tpu.memory_space<semaphore_mem>>
        %dma_start3A_81 = arith.constant 0 : i32
        %dma_start3A_82 = tpu.memref_slice %arg5[%arg0, %multiple_of3A, %dma_start3A_81] : memref<2x10000x64xf32, #tpu.memory_space<hbm>> -> memref<1x1000x64xf32, #tpu.memory_space<hbm>>
        %dma_start3A_83 = tpu.memref_squeeze %dma_start3A_82 : memref<1x1000x64xf32, #tpu.memory_space<hbm>> -> memref<1000x64xf32, #tpu.memory_space<hbm>>
        %dma_start3A_84 = arith.constant 0 : i32
        %dma_start3A_85 = tpu.memref_slice %arg6[%multiple_of3A, %dma_start3A_84] : memref<10000x64xf32, #tpu.memory_space<vmem_shared>> -> memref<1000x64xf32, #tpu.memory_space<vmem_shared>>
        tpu.enqueue_dma source(%dma_start3A_85 : memref<1000x64xf32, #tpu.memory_space<vmem_shared>>) target(%dma_start3A_83 : memref<1000x64xf32, #tpu.memory_space<hbm>>) target_semaphore(%run_scoped3A_80 : memref<!tpu.dma_semaphore, #tpu.memory_space<semaphore_mem>>)
        %dma_wait3A_86 = arith.constant 0 : i32
        %dma_wait3A_87 = tpu.memref_slice %arg5[%arg0, %multiple_of3A, %dma_wait3A_86] : memref<2x10000x64xf32, #tpu.memory_space<hbm>> -> memref<1x1000x64xf32, #tpu.memory_space<hbm>>
        %dma_wait3A_88 = tpu.memref_squeeze %dma_wait3A_87 : memref<1x1000x64xf32, #tpu.memory_space<hbm>> -> memref<1000x64xf32, #tpu.memory_space<hbm>>
        %dma_wait3A_89 = arith.constant 0 : i32
        %dma_wait3A_90 = tpu.memref_slice %arg6[%multiple_of3A, %dma_wait3A_89] : memref<10000x64xf32, #tpu.memory_space<vmem_shared>> -> memref<1000x64xf32, #tpu.memory_space<vmem_shared>>
        tpu.wait_dma2 semaphore(%run_scoped3A_80 : memref<!tpu.dma_semaphore, #tpu.memory_space<semaphore_mem>>) src(%dma_wait3A_90 : memref<1000x64xf32, #tpu.memory_space<vmem_shared>>) dst(%dma_wait3A_88 : memref<1000x64xf32, #tpu.memory_space<hbm>>)
        tpu.yield
      }) : () -> ()
    } else {
    }
    return
  }
}

#map = affine_map<(d0, d1) -> (0, 0, 0)>
#map1 = affine_map<(d0, d1) -> (0)>
module attributes {stable_mosaic.version = 14 : i64} {
  func.func @k(%arg0: i32, %arg1: i32, %arg2: memref<2x2500x128xi32, #tpu.memory_space<hbm>>, %arg3: memref<2x2500x128xi32, #tpu.memory_space<hbm>>, %arg4: memref<10000xf32, #tpu.memory_space<hbm>>, %arg5: memref<2x4x10000xf32, #tpu.memory_space<hbm>>, %arg6: memref<10000xf32, #tpu.memory_space<vmem_shared>>, %arg7: memref<10000xf32, #tpu.memory_space<vmem_shared>>, %arg8: memref<10000xf32, #tpu.memory_space<vmem_shared>>, %arg9: memref<10000xf32, #tpu.memory_space<vmem_shared>>, %arg10: memref<79x128xi32, #tpu.memory_space<vmem>>, %arg11: memref<79x128xi32, #tpu.memory_space<vmem>>, %arg12: memref<79x128xi32, #tpu.memory_space<vmem>>, %arg13: memref<79x128xi32, #tpu.memory_space<vmem>>, %arg14: memref<128xf32, #tpu.memory_space<vmem>>, %arg15: memref<!tpu.dma_semaphore, #tpu.memory_space<semaphore_mem>>, %arg16: memref<!tpu.dma_semaphore, #tpu.memory_space<semaphore_mem>>, %arg17: memref<!tpu.dma_semaphore, #tpu.memory_space<semaphore_mem>>, %arg18: memref<!tpu.dma_semaphore, #tpu.memory_space<semaphore_mem>>) attributes {dimension_semantics = [#tpu.dimension_semantics<core_parallel>, #tpu.dimension_semantics<subcore_parallel>], iteration_bounds = array<i64: 2, 16>, scalar_prefetch = 0 : i64, scratch_operands = 13 : i64, tpu.core_type = #tpu.core_type<sc_vector_subcore>, window_params = [{transform_indices = #map}, {transform_indices = #map}, {transform_indices = #map1}, {transform_indices = #map}]} {
    %mul3A = arith.constant 16 : i32
    %mul3A_0 = arith.muli %arg0, %mul3A : i32
    %add3A = arith.addi %mul3A_0, %arg1 : i32
    %mul3A_1 = arith.constant 78 : i32
    %mul3A_2 = arith.muli %add3A, %mul3A_1 : i32
    %min3A = arith.constant 4 : i32
    %min3A_3 = arith.minsi %add3A, %min3A : i32
    %add3A_4 = arith.addi %mul3A_2, %min3A_3 : i32
    %lt3A = arith.constant 4 : i32
    %lt3A_5 = arith.cmpi slt, %add3A, %lt3A : i32
    %eq3A = arith.constant 0 : i32
    %eq3A_6 = arith.cmpi eq, %arg1, %eq3A : i32
    %convert_element_type3A = arith.extui %eq3A_6 : i1 to i32
    %cond3A = arith.constant 0 : i32
    %cond3A_7 = arith.cmpi ne, %convert_element_type3A, %cond3A : i32
    scf.if %cond3A_7 {
      "tpu.region"() ({
        %run_scoped3A_149 = tpu.sem_alloc : memref<!tpu.dma_semaphore, #tpu.memory_space<semaphore_mem>>
        tpu.enqueue_dma source(%arg4 : memref<10000xf32, #tpu.memory_space<hbm>>) target(%arg6 : memref<10000xf32, #tpu.memory_space<vmem_shared>>) target_semaphore(%run_scoped3A_149 : memref<!tpu.dma_semaphore, #tpu.memory_space<semaphore_mem>>)
        tpu.wait_dma2 semaphore(%run_scoped3A_149 : memref<!tpu.dma_semaphore, #tpu.memory_space<semaphore_mem>>) src(%arg4 : memref<10000xf32, #tpu.memory_space<hbm>>) dst(%arg6 : memref<10000xf32, #tpu.memory_space<vmem_shared>>)
        tpu.yield
      }) : () -> ()
    } else {
    }
    %eq3A_8 = arith.constant 1 : i32
    %eq3A_9 = arith.cmpi eq, %arg1, %eq3A_8 : i32
    %convert_element_type3A_10 = arith.extui %eq3A_9 : i1 to i32
    %cond3A_11 = arith.constant 0 : i32
    %cond3A_12 = arith.cmpi ne, %convert_element_type3A_10, %cond3A_11 : i32
    scf.if %cond3A_12 {
      "tpu.region"() ({
        %run_scoped3A_149 = tpu.sem_alloc : memref<!tpu.dma_semaphore, #tpu.memory_space<semaphore_mem>>
        tpu.enqueue_dma source(%arg4 : memref<10000xf32, #tpu.memory_space<hbm>>) target(%arg7 : memref<10000xf32, #tpu.memory_space<vmem_shared>>) target_semaphore(%run_scoped3A_149 : memref<!tpu.dma_semaphore, #tpu.memory_space<semaphore_mem>>)
        tpu.wait_dma2 semaphore(%run_scoped3A_149 : memref<!tpu.dma_semaphore, #tpu.memory_space<semaphore_mem>>) src(%arg4 : memref<10000xf32, #tpu.memory_space<hbm>>) dst(%arg7 : memref<10000xf32, #tpu.memory_space<vmem_shared>>)
        tpu.yield
      }) : () -> ()
    } else {
    }
    %eq3A_13 = arith.constant 2 : i32
    %eq3A_14 = arith.cmpi eq, %arg1, %eq3A_13 : i32
    %convert_element_type3A_15 = arith.extui %eq3A_14 : i1 to i32
    %cond3A_16 = arith.constant 0 : i32
    %cond3A_17 = arith.cmpi ne, %convert_element_type3A_15, %cond3A_16 : i32
    scf.if %cond3A_17 {
      "tpu.region"() ({
        %run_scoped3A_149 = tpu.sem_alloc : memref<!tpu.dma_semaphore, #tpu.memory_space<semaphore_mem>>
        tpu.enqueue_dma source(%arg4 : memref<10000xf32, #tpu.memory_space<hbm>>) target(%arg8 : memref<10000xf32, #tpu.memory_space<vmem_shared>>) target_semaphore(%run_scoped3A_149 : memref<!tpu.dma_semaphore, #tpu.memory_space<semaphore_mem>>)
        tpu.wait_dma2 semaphore(%run_scoped3A_149 : memref<!tpu.dma_semaphore, #tpu.memory_space<semaphore_mem>>) src(%arg4 : memref<10000xf32, #tpu.memory_space<hbm>>) dst(%arg8 : memref<10000xf32, #tpu.memory_space<vmem_shared>>)
        tpu.yield
      }) : () -> ()
    } else {
    }
    %eq3A_18 = arith.constant 3 : i32
    %eq3A_19 = arith.cmpi eq, %arg1, %eq3A_18 : i32
    %convert_element_type3A_20 = arith.extui %eq3A_19 : i1 to i32
    %cond3A_21 = arith.constant 0 : i32
    %cond3A_22 = arith.cmpi ne, %convert_element_type3A_20, %cond3A_21 : i32
    scf.if %cond3A_22 {
      "tpu.region"() ({
        %run_scoped3A_149 = tpu.sem_alloc : memref<!tpu.dma_semaphore, #tpu.memory_space<semaphore_mem>>
        tpu.enqueue_dma source(%arg4 : memref<10000xf32, #tpu.memory_space<hbm>>) target(%arg9 : memref<10000xf32, #tpu.memory_space<vmem_shared>>) target_semaphore(%run_scoped3A_149 : memref<!tpu.dma_semaphore, #tpu.memory_space<semaphore_mem>>)
        tpu.wait_dma2 semaphore(%run_scoped3A_149 : memref<!tpu.dma_semaphore, #tpu.memory_space<semaphore_mem>>) src(%arg4 : memref<10000xf32, #tpu.memory_space<hbm>>) dst(%arg9 : memref<10000xf32, #tpu.memory_space<vmem_shared>>)
        tpu.yield
      }) : () -> ()
    } else {
    }
    %broadcast_in_dim3A = arith.constant 1.000000e+00 : f32
    %broadcast_in_dim3A_23 = vector.broadcast %broadcast_in_dim3A : f32 to vector<16xf32>
    %swap3A = arith.constant 0 : index
    %swap3A_24 = tpu.vector_load %arg14[%swap3A] {strides = array<i32>} : memref<128xf32, #tpu.memory_space<vmem>>, vector<16xf32>,
    %swap3A_25 = vector.shape_cast %swap3A_24 : vector<16xf32> to vector<16xf32>
    %swap3A_26 = vector.shape_cast %broadcast_in_dim3A_23 : vector<16xf32> to vector<16xf32>
    tpu.vector_store %arg14[%swap3A], %swap3A_26 {strides = array<i32>} : memref<128xf32, #tpu.memory_space<vmem>>, vector<16xf32>,
    %broadcast_in_dim3A_27 = arith.constant 1.000000e+00 : f32
    %broadcast_in_dim3A_28 = vector.broadcast %broadcast_in_dim3A_27 : f32 to vector<16xf32>
    %swap3A_29 = arith.constant 16 : index
    %swap3A_30 = tpu.vector_load %arg14[%swap3A_29] {strides = array<i32>} : memref<128xf32, #tpu.memory_space<vmem>>, vector<16xf32>,
    %swap3A_31 = vector.shape_cast %swap3A_30 : vector<16xf32> to vector<16xf32>
    %swap3A_32 = vector.shape_cast %broadcast_in_dim3A_28 : vector<16xf32> to vector<16xf32>
    tpu.vector_store %arg14[%swap3A_29], %swap3A_32 {strides = array<i32>} : memref<128xf32, #tpu.memory_space<vmem>>, vector<16xf32>,
    %broadcast_in_dim3A_33 = arith.constant 1.000000e+00 : f32
    %broadcast_in_dim3A_34 = vector.broadcast %broadcast_in_dim3A_33 : f32 to vector<16xf32>
    %swap3A_35 = arith.constant 32 : index
    %swap3A_36 = tpu.vector_load %arg14[%swap3A_35] {strides = array<i32>} : memref<128xf32, #tpu.memory_space<vmem>>, vector<16xf32>,
    %swap3A_37 = vector.shape_cast %swap3A_36 : vector<16xf32> to vector<16xf32>
    %swap3A_38 = vector.shape_cast %broadcast_in_dim3A_34 : vector<16xf32> to vector<16xf32>
    tpu.vector_store %arg14[%swap3A_35], %swap3A_38 {strides = array<i32>} : memref<128xf32, #tpu.memory_space<vmem>>, vector<16xf32>,
    %broadcast_in_dim3A_39 = arith.constant 1.000000e+00 : f32
    %broadcast_in_dim3A_40 = vector.broadcast %broadcast_in_dim3A_39 : f32 to vector<16xf32>
    %swap3A_41 = arith.constant 48 : index
    %swap3A_42 = tpu.vector_load %arg14[%swap3A_41] {strides = array<i32>} : memref<128xf32, #tpu.memory_space<vmem>>, vector<16xf32>,
    %swap3A_43 = vector.shape_cast %swap3A_42 : vector<16xf32> to vector<16xf32>
    %swap3A_44 = vector.shape_cast %broadcast_in_dim3A_40 : vector<16xf32> to vector<16xf32>
    tpu.vector_store %arg14[%swap3A_41], %swap3A_44 {strides = array<i32>} : memref<128xf32, #tpu.memory_space<vmem>>, vector<16xf32>,
    %broadcast_in_dim3A_45 = arith.constant 1.000000e+00 : f32
    %broadcast_in_dim3A_46 = vector.broadcast %broadcast_in_dim3A_45 : f32 to vector<16xf32>
    %swap3A_47 = arith.constant 64 : index
    %swap3A_48 = tpu.vector_load %arg14[%swap3A_47] {strides = array<i32>} : memref<128xf32, #tpu.memory_space<vmem>>, vector<16xf32>,
    %swap3A_49 = vector.shape_cast %swap3A_48 : vector<16xf32> to vector<16xf32>
    %swap3A_50 = vector.shape_cast %broadcast_in_dim3A_46 : vector<16xf32> to vector<16xf32>
    tpu.vector_store %arg14[%swap3A_47], %swap3A_50 {strides = array<i32>} : memref<128xf32, #tpu.memory_space<vmem>>, vector<16xf32>,
    %broadcast_in_dim3A_51 = arith.constant 1.000000e+00 : f32
    %broadcast_in_dim3A_52 = vector.broadcast %broadcast_in_dim3A_51 : f32 to vector<16xf32>
    %swap3A_53 = arith.constant 80 : index
    %swap3A_54 = tpu.vector_load %arg14[%swap3A_53] {strides = array<i32>} : memref<128xf32, #tpu.memory_space<vmem>>, vector<16xf32>,
    %swap3A_55 = vector.shape_cast %swap3A_54 : vector<16xf32> to vector<16xf32>
    %swap3A_56 = vector.shape_cast %broadcast_in_dim3A_52 : vector<16xf32> to vector<16xf32>
    tpu.vector_store %arg14[%swap3A_53], %swap3A_56 {strides = array<i32>} : memref<128xf32, #tpu.memory_space<vmem>>, vector<16xf32>,
    %broadcast_in_dim3A_57 = arith.constant 1.000000e+00 : f32
    %broadcast_in_dim3A_58 = vector.broadcast %broadcast_in_dim3A_57 : f32 to vector<16xf32>
    %swap3A_59 = arith.constant 96 : index
    %swap3A_60 = tpu.vector_load %arg14[%swap3A_59] {strides = array<i32>} : memref<128xf32, #tpu.memory_space<vmem>>, vector<16xf32>,
    %swap3A_61 = vector.shape_cast %swap3A_60 : vector<16xf32> to vector<16xf32>
    %swap3A_62 = vector.shape_cast %broadcast_in_dim3A_58 : vector<16xf32> to vector<16xf32>
    tpu.vector_store %arg14[%swap3A_59], %swap3A_62 {strides = array<i32>} : memref<128xf32, #tpu.memory_space<vmem>>, vector<16xf32>,
    %broadcast_in_dim3A_63 = arith.constant 1.000000e+00 : f32
    %broadcast_in_dim3A_64 = vector.broadcast %broadcast_in_dim3A_63 : f32 to vector<16xf32>
    %swap3A_65 = arith.constant 112 : index
    %swap3A_66 = tpu.vector_load %arg14[%swap3A_65] {strides = array<i32>} : memref<128xf32, #tpu.memory_space<vmem>>, vector<16xf32>,
    %swap3A_67 = vector.shape_cast %swap3A_66 : vector<16xf32> to vector<16xf32>
    %swap3A_68 = vector.shape_cast %broadcast_in_dim3A_64 : vector<16xf32> to vector<16xf32>
    tpu.vector_store %arg14[%swap3A_65], %swap3A_68 {strides = array<i32>} : memref<128xf32, #tpu.memory_space<vmem>>, vector<16xf32>,
    %run_scoped3A = arith.constant 0 : i32
    "tpu.region"() ({
      %run_scoped3A_149 = tpu.sem_alloc : memref<!tpu.dma_semaphore, #tpu.memory_space<semaphore_mem>>
      %dma_start3A_150 = arith.constant 0 : i32
      %dma_start3A_151 = arith.constant 0 : i32
      %dma_start3A_152 = tpu.memref_slice %arg10[%dma_start3A_150, %dma_start3A_151] : memref<79x128xi32, #tpu.memory_space<vmem>> -> memref<78x128xi32, #tpu.memory_space<vmem>>
      %dma_start3A_153 = arith.constant 0 : i32
      %dma_start3A_154 = arith.constant 0 : i32
      %dma_start3A_155 = tpu.memref_slice %arg2[%run_scoped3A, %dma_start3A_153, %dma_start3A_154] : memref<2x2500x128xi32, #tpu.memory_space<hbm>> -> memref<1x2500x128xi32, #tpu.memory_space<hbm>>
      %dma_start3A_156 = tpu.memref_squeeze %dma_start3A_155 : memref<1x2500x128xi32, #tpu.memory_space<hbm>> -> memref<2500x128xi32, #tpu.memory_space<hbm>>
      %dma_start3A_157 = arith.constant 0 : i32
      %dma_start3A_158 = tpu.memref_slice %dma_start3A_156[%add3A_4, %dma_start3A_157] : memref<2500x128xi32, #tpu.memory_space<hbm>> -> memref<78x128xi32, #tpu.memory_space<hbm>>
      %dma_start3A_159 = arith.constant 0 : i32
      %dma_start3A_160 = arith.constant 0 : i32
      %dma_start3A_161 = tpu.memref_slice %arg10[%dma_start3A_159, %dma_start3A_160] : memref<79x128xi32, #tpu.memory_space<vmem>> -> memref<78x128xi32, #tpu.memory_space<vmem>>
      %dma_start3A_162 = arith.constant 0 : i32
      %dma_start3A_163 = arith.constant 0 : i32
      %dma_start3A_164 = tpu.memref_slice %arg2[%run_scoped3A, %dma_start3A_162, %dma_start3A_163] : memref<2x2500x128xi32, #tpu.memory_space<hbm>> -> memref<1x2500x128xi32, #tpu.memory_space<hbm>>
      %dma_start3A_165 = tpu.memref_squeeze %dma_start3A_164 : memref<1x2500x128xi32, #tpu.memory_space<hbm>> -> memref<2500x128xi32, #tpu.memory_space<hbm>>
      %dma_start3A_166 = arith.constant 0 : i32
      %dma_start3A_167 = tpu.memref_slice %dma_start3A_165[%add3A_4, %dma_start3A_166] : memref<2500x128xi32, #tpu.memory_space<hbm>> -> memref<78x128xi32, #tpu.memory_space<hbm>>
      tpu.enqueue_dma source(%dma_start3A_167 : memref<78x128xi32, #tpu.memory_space<hbm>>) target(%dma_start3A_161 : memref<78x128xi32, #tpu.memory_space<vmem>>) target_semaphore(%run_scoped3A_149 : memref<!tpu.dma_semaphore, #tpu.memory_space<semaphore_mem>>)
      %dma_wait3A_168 = arith.constant 0 : i32
      %dma_wait3A_169 = arith.constant 0 : i32
      %dma_wait3A_170 = tpu.memref_slice %arg10[%dma_wait3A_168, %dma_wait3A_169] : memref<79x128xi32, #tpu.memory_space<vmem>> -> memref<78x128xi32, #tpu.memory_space<vmem>>
      %dma_wait3A_171 = arith.constant 0 : i32
      %dma_wait3A_172 = arith.constant 0 : i32
      %dma_wait3A_173 = tpu.memref_slice %arg2[%run_scoped3A, %dma_wait3A_171, %dma_wait3A_172] : memref<2x2500x128xi32, #tpu.memory_space<hbm>> -> memref<1x2500x128xi32, #tpu.memory_space<hbm>>
      %dma_wait3A_174 = tpu.memref_squeeze %dma_wait3A_173 : memref<1x2500x128xi32, #tpu.memory_space<hbm>> -> memref<2500x128xi32, #tpu.memory_space<hbm>>
      %dma_wait3A_175 = arith.constant 0 : i32
      %dma_wait3A_176 = tpu.memref_slice %dma_wait3A_174[%add3A_4, %dma_wait3A_175] : memref<2500x128xi32, #tpu.memory_space<hbm>> -> memref<78x128xi32, #tpu.memory_space<hbm>>
      %dma_wait3A_177 = arith.constant 0 : i32
      %dma_wait3A_178 = arith.constant 0 : i32
      %dma_wait3A_179 = tpu.memref_slice %arg10[%dma_wait3A_177, %dma_wait3A_178] : memref<79x128xi32, #tpu.memory_space<vmem>> -> memref<78x128xi32, #tpu.memory_space<vmem>>
      %dma_wait3A_180 = arith.constant 0 : i32
      %dma_wait3A_181 = arith.constant 0 : i32
      %dma_wait3A_182 = tpu.memref_slice %arg2[%run_scoped3A, %dma_wait3A_180, %dma_wait3A_181] : memref<2x2500x128xi32, #tpu.memory_space<hbm>> -> memref<1x2500x128xi32, #tpu.memory_space<hbm>>
      %dma_wait3A_183 = tpu.memref_squeeze %dma_wait3A_182 : memref<1x2500x128xi32, #tpu.memory_space<hbm>> -> memref<2500x128xi32, #tpu.memory_space<hbm>>
      %dma_wait3A_184 = arith.constant 0 : i32
      %dma_wait3A_185 = tpu.memref_slice %dma_wait3A_183[%add3A_4, %dma_wait3A_184] : memref<2500x128xi32, #tpu.memory_space<hbm>> -> memref<78x128xi32, #tpu.memory_space<hbm>>
      tpu.wait_dma2 semaphore(%run_scoped3A_149 : memref<!tpu.dma_semaphore, #tpu.memory_space<semaphore_mem>>) src(%dma_wait3A_185 : memref<78x128xi32, #tpu.memory_space<hbm>>) dst(%dma_wait3A_179 : memref<78x128xi32, #tpu.memory_space<vmem>>)
      tpu.yield
    }) : () -> ()
    %convert_element_type3A_69 = arith.extui %lt3A_5 : i1 to i32
    %cond3A_70 = arith.constant 0 : i32
    %cond3A_71 = arith.constant 0 : i32
    %cond3A_72 = arith.cmpi ne, %convert_element_type3A_69, %cond3A_71 : i32
    scf.if %cond3A_72 {
      %add3A_149 = arith.constant 78 : i32
      %add3A_150 = arith.addi %add3A_4, %add3A_149 : i32
      "tpu.region"() ({
        %run_scoped3A_151 = tpu.sem_alloc : memref<!tpu.dma_semaphore, #tpu.memory_space<semaphore_mem>>
        %dma_start3A_152 = arith.constant 78 : i32
        %dma_start3A_153 = arith.constant 0 : i32
        %dma_start3A_154 = tpu.memref_slice %arg10[%dma_start3A_152, %dma_start3A_153] : memref<79x128xi32, #tpu.memory_space<vmem>> -> memref<1x128xi32, #tpu.memory_space<vmem>>
        %dma_start3A_155 = arith.constant 0 : i32
        %dma_start3A_156 = arith.constant 0 : i32
        %dma_start3A_157 = tpu.memref_slice %arg2[%cond3A_70, %dma_start3A_155, %dma_start3A_156] : memref<2x2500x128xi32, #tpu.memory_space<hbm>> -> memref<1x2500x128xi32, #tpu.memory_space<hbm>>
        %dma_start3A_158 = tpu.memref_squeeze %dma_start3A_157 : memref<1x2500x128xi32, #tpu.memory_space<hbm>> -> memref<2500x128xi32, #tpu.memory_space<hbm>>
        %dma_start3A_159 = arith.constant 0 : i32
        %dma_start3A_160 = tpu.memref_slice %dma_start3A_158[%add3A_150, %dma_start3A_159] : memref<2500x128xi32, #tpu.memory_space<hbm>> -> memref<1x128xi32, #tpu.memory_space<hbm>>
        %dma_start3A_161 = arith.constant 78 : i32
        %dma_start3A_162 = arith.constant 0 : i32
        %dma_start3A_163 = tpu.memref_slice %arg10[%dma_start3A_161, %dma_start3A_162] : memref<79x128xi32, #tpu.memory_space<vmem>> -> memref<1x128xi32, #tpu.memory_space<vmem>>
        %dma_start3A_164 = arith.constant 0 : i32
        %dma_start3A_165 = arith.constant 0 : i32
        %dma_start3A_166 = tpu.memref_slice %arg2[%cond3A_70, %dma_start3A_164, %dma_start3A_165] : memref<2x2500x128xi32, #tpu.memory_space<hbm>> -> memref<1x2500x128xi32, #tpu.memory_space<hbm>>
        %dma_start3A_167 = tpu.memref_squeeze %dma_start3A_166 : memref<1x2500x128xi32, #tpu.memory_space<hbm>> -> memref<2500x128xi32, #tpu.memory_space<hbm>>
        %dma_start3A_168 = arith.constant 0 : i32
        %dma_start3A_169 = tpu.memref_slice %dma_start3A_167[%add3A_150, %dma_start3A_168] : memref<2500x128xi32, #tpu.memory_space<hbm>> -> memref<1x128xi32, #tpu.memory_space<hbm>>
        tpu.enqueue_dma source(%dma_start3A_169 : memref<1x128xi32, #tpu.memory_space<hbm>>) target(%dma_start3A_163 : memref<1x128xi32, #tpu.memory_space<vmem>>) target_semaphore(%run_scoped3A_151 : memref<!tpu.dma_semaphore, #tpu.memory_space<semaphore_mem>>)
        %dma_wait3A_170 = arith.constant 78 : i32
        %dma_wait3A_171 = arith.constant 0 : i32
        %dma_wait3A_172 = tpu.memref_slice %arg10[%dma_wait3A_170, %dma_wait3A_171] : memref<79x128xi32, #tpu.memory_space<vmem>> -> memref<1x128xi32, #tpu.memory_space<vmem>>
        %dma_wait3A_173 = arith.constant 0 : i32
        %dma_wait3A_174 = arith.constant 0 : i32
        %dma_wait3A_175 = tpu.memref_slice %arg2[%cond3A_70, %dma_wait3A_173, %dma_wait3A_174] : memref<2x2500x128xi32, #tpu.memory_space<hbm>> -> memref<1x2500x128xi32, #tpu.memory_space<hbm>>
        %dma_wait3A_176 = tpu.memref_squeeze %dma_wait3A_175 : memref<1x2500x128xi32, #tpu.memory_space<hbm>> -> memref<2500x128xi32, #tpu.memory_space<hbm>>
        %dma_wait3A_177 = arith.constant 0 : i32
        %dma_wait3A_178 = tpu.memref_slice %dma_wait3A_176[%add3A_150, %dma_wait3A_177] : memref<2500x128xi32, #tpu.memory_space<hbm>> -> memref<1x128xi32, #tpu.memory_space<hbm>>
        %dma_wait3A_179 = arith.constant 78 : i32
        %dma_wait3A_180 = arith.constant 0 : i32
        %dma_wait3A_181 = tpu.memref_slice %arg10[%dma_wait3A_179, %dma_wait3A_180] : memref<79x128xi32, #tpu.memory_space<vmem>> -> memref<1x128xi32, #tpu.memory_space<vmem>>
        %dma_wait3A_182 = arith.constant 0 : i32
        %dma_wait3A_183 = arith.constant 0 : i32
        %dma_wait3A_184 = tpu.memref_slice %arg2[%cond3A_70, %dma_wait3A_182, %dma_wait3A_183] : memref<2x2500x128xi32, #tpu.memory_space<hbm>> -> memref<1x2500x128xi32, #tpu.memory_space<hbm>>
        %dma_wait3A_185 = tpu.memref_squeeze %dma_wait3A_184 : memref<1x2500x128xi32, #tpu.memory_space<hbm>> -> memref<2500x128xi32, #tpu.memory_space<hbm>>
        %dma_wait3A_186 = arith.constant 0 : i32
        %dma_wait3A_187 = tpu.memref_slice %dma_wait3A_185[%add3A_150, %dma_wait3A_186] : memref<2500x128xi32, #tpu.memory_space<hbm>> -> memref<1x128xi32, #tpu.memory_space<hbm>>
        tpu.wait_dma2 semaphore(%run_scoped3A_151 : memref<!tpu.dma_semaphore, #tpu.memory_space<semaphore_mem>>) src(%dma_wait3A_187 : memref<1x128xi32, #tpu.memory_space<hbm>>) dst(%dma_wait3A_181 : memref<1x128xi32, #tpu.memory_space<vmem>>)
        tpu.yield
      }) : () -> ()
    } else {
    }
    %run_scoped3A_73 = arith.constant 1 : i32
    "tpu.region"() ({
      %run_scoped3A_149 = tpu.sem_alloc : memref<!tpu.dma_semaphore, #tpu.memory_space<semaphore_mem>>
      %dma_start3A_150 = arith.constant 0 : i32
      %dma_start3A_151 = arith.constant 0 : i32
      %dma_start3A_152 = tpu.memref_slice %arg11[%dma_start3A_150, %dma_start3A_151] : memref<79x128xi32, #tpu.memory_space<vmem>> -> memref<78x128xi32, #tpu.memory_space<vmem>>
      %dma_start3A_153 = arith.constant 0 : i32
      %dma_start3A_154 = arith.constant 0 : i32
      %dma_start3A_155 = tpu.memref_slice %arg2[%run_scoped3A_73, %dma_start3A_153, %dma_start3A_154] : memref<2x2500x128xi32, #tpu.memory_space<hbm>> -> memref<1x2500x128xi32, #tpu.memory_space<hbm>>
      %dma_start3A_156 = tpu.memref_squeeze %dma_start3A_155 : memref<1x2500x128xi32, #tpu.memory_space<hbm>> -> memref<2500x128xi32, #tpu.memory_space<hbm>>
      %dma_start3A_157 = arith.constant 0 : i32
      %dma_start3A_158 = tpu.memref_slice %dma_start3A_156[%add3A_4, %dma_start3A_157] : memref<2500x128xi32, #tpu.memory_space<hbm>> -> memref<78x128xi32, #tpu.memory_space<hbm>>
      %dma_start3A_159 = arith.constant 0 : i32
      %dma_start3A_160 = arith.constant 0 : i32
      %dma_start3A_161 = tpu.memref_slice %arg11[%dma_start3A_159, %dma_start3A_160] : memref<79x128xi32, #tpu.memory_space<vmem>> -> memref<78x128xi32, #tpu.memory_space<vmem>>
      %dma_start3A_162 = arith.constant 0 : i32
      %dma_start3A_163 = arith.constant 0 : i32
      %dma_start3A_164 = tpu.memref_slice %arg2[%run_scoped3A_73, %dma_start3A_162, %dma_start3A_163] : memref<2x2500x128xi32, #tpu.memory_space<hbm>> -> memref<1x2500x128xi32, #tpu.memory_space<hbm>>
      %dma_start3A_165 = tpu.memref_squeeze %dma_start3A_164 : memref<1x2500x128xi32, #tpu.memory_space<hbm>> -> memref<2500x128xi32, #tpu.memory_space<hbm>>
      %dma_start3A_166 = arith.constant 0 : i32
      %dma_start3A_167 = tpu.memref_slice %dma_start3A_165[%add3A_4, %dma_start3A_166] : memref<2500x128xi32, #tpu.memory_space<hbm>> -> memref<78x128xi32, #tpu.memory_space<hbm>>
      tpu.enqueue_dma source(%dma_start3A_167 : memref<78x128xi32, #tpu.memory_space<hbm>>) target(%dma_start3A_161 : memref<78x128xi32, #tpu.memory_space<vmem>>) target_semaphore(%run_scoped3A_149 : memref<!tpu.dma_semaphore, #tpu.memory_space<semaphore_mem>>)
      %dma_wait3A_168 = arith.constant 0 : i32
      %dma_wait3A_169 = arith.constant 0 : i32
      %dma_wait3A_170 = tpu.memref_slice %arg11[%dma_wait3A_168, %dma_wait3A_169] : memref<79x128xi32, #tpu.memory_space<vmem>> -> memref<78x128xi32, #tpu.memory_space<vmem>>
      %dma_wait3A_171 = arith.constant 0 : i32
      %dma_wait3A_172 = arith.constant 0 : i32
      %dma_wait3A_173 = tpu.memref_slice %arg2[%run_scoped3A_73, %dma_wait3A_171, %dma_wait3A_172] : memref<2x2500x128xi32, #tpu.memory_space<hbm>> -> memref<1x2500x128xi32, #tpu.memory_space<hbm>>
      %dma_wait3A_174 = tpu.memref_squeeze %dma_wait3A_173 : memref<1x2500x128xi32, #tpu.memory_space<hbm>> -> memref<2500x128xi32, #tpu.memory_space<hbm>>
      %dma_wait3A_175 = arith.constant 0 : i32
      %dma_wait3A_176 = tpu.memref_slice %dma_wait3A_174[%add3A_4, %dma_wait3A_175] : memref<2500x128xi32, #tpu.memory_space<hbm>> -> memref<78x128xi32, #tpu.memory_space<hbm>>
      %dma_wait3A_177 = arith.constant 0 : i32
      %dma_wait3A_178 = arith.constant 0 : i32
      %dma_wait3A_179 = tpu.memref_slice %arg11[%dma_wait3A_177, %dma_wait3A_178] : memref<79x128xi32, #tpu.memory_space<vmem>> -> memref<78x128xi32, #tpu.memory_space<vmem>>
      %dma_wait3A_180 = arith.constant 0 : i32
      %dma_wait3A_181 = arith.constant 0 : i32
      %dma_wait3A_182 = tpu.memref_slice %arg2[%run_scoped3A_73, %dma_wait3A_180, %dma_wait3A_181] : memref<2x2500x128xi32, #tpu.memory_space<hbm>> -> memref<1x2500x128xi32, #tpu.memory_space<hbm>>
      %dma_wait3A_183 = tpu.memref_squeeze %dma_wait3A_182 : memref<1x2500x128xi32, #tpu.memory_space<hbm>> -> memref<2500x128xi32, #tpu.memory_space<hbm>>
      %dma_wait3A_184 = arith.constant 0 : i32
      %dma_wait3A_185 = tpu.memref_slice %dma_wait3A_183[%add3A_4, %dma_wait3A_184] : memref<2500x128xi32, #tpu.memory_space<hbm>> -> memref<78x128xi32, #tpu.memory_space<hbm>>
      tpu.wait_dma2 semaphore(%run_scoped3A_149 : memref<!tpu.dma_semaphore, #tpu.memory_space<semaphore_mem>>) src(%dma_wait3A_185 : memref<78x128xi32, #tpu.memory_space<hbm>>) dst(%dma_wait3A_179 : memref<78x128xi32, #tpu.memory_space<vmem>>)
      tpu.yield
    }) : () -> ()
    %convert_element_type3A_74 = arith.extui %lt3A_5 : i1 to i32
    %cond3A_75 = arith.constant 1 : i32
    %cond3A_76 = arith.constant 0 : i32
    %cond3A_77 = arith.cmpi ne, %convert_element_type3A_74, %cond3A_76 : i32
    scf.if %cond3A_77 {
      %add3A_149 = arith.constant 78 : i32
      %add3A_150 = arith.addi %add3A_4, %add3A_149 : i32
      "tpu.region"() ({
        %run_scoped3A_151 = tpu.sem_alloc : memref<!tpu.dma_semaphore, #tpu.memory_space<semaphore_mem>>
        %dma_start3A_152 = arith.constant 78 : i32
        %dma_start3A_153 = arith.constant 0 : i32
        %dma_start3A_154 = tpu.memref_slice %arg11[%dma_start3A_152, %dma_start3A_153] : memref<79x128xi32, #tpu.memory_space<vmem>> -> memref<1x128xi32, #tpu.memory_space<vmem>>
        %dma_start3A_155 = arith.constant 0 : i32
        %dma_start3A_156 = arith.constant 0 : i32
        %dma_start3A_157 = tpu.memref_slice %arg2[%cond3A_75, %dma_start3A_155, %dma_start3A_156] : memref<2x2500x128xi32, #tpu.memory_space<hbm>> -> memref<1x2500x128xi32, #tpu.memory_space<hbm>>
        %dma_start3A_158 = tpu.memref_squeeze %dma_start3A_157 : memref<1x2500x128xi32, #tpu.memory_space<hbm>> -> memref<2500x128xi32, #tpu.memory_space<hbm>>
        %dma_start3A_159 = arith.constant 0 : i32
        %dma_start3A_160 = tpu.memref_slice %dma_start3A_158[%add3A_150, %dma_start3A_159] : memref<2500x128xi32, #tpu.memory_space<hbm>> -> memref<1x128xi32, #tpu.memory_space<hbm>>
        %dma_start3A_161 = arith.constant 78 : i32
        %dma_start3A_162 = arith.constant 0 : i32
        %dma_start3A_163 = tpu.memref_slice %arg11[%dma_start3A_161, %dma_start3A_162] : memref<79x128xi32, #tpu.memory_space<vmem>> -> memref<1x128xi32, #tpu.memory_space<vmem>>
        %dma_start3A_164 = arith.constant 0 : i32
        %dma_start3A_165 = arith.constant 0 : i32
        %dma_start3A_166 = tpu.memref_slice %arg2[%cond3A_75, %dma_start3A_164, %dma_start3A_165] : memref<2x2500x128xi32, #tpu.memory_space<hbm>> -> memref<1x2500x128xi32, #tpu.memory_space<hbm>>
        %dma_start3A_167 = tpu.memref_squeeze %dma_start3A_166 : memref<1x2500x128xi32, #tpu.memory_space<hbm>> -> memref<2500x128xi32, #tpu.memory_space<hbm>>
        %dma_start3A_168 = arith.constant 0 : i32
        %dma_start3A_169 = tpu.memref_slice %dma_start3A_167[%add3A_150, %dma_start3A_168] : memref<2500x128xi32, #tpu.memory_space<hbm>> -> memref<1x128xi32, #tpu.memory_space<hbm>>
        tpu.enqueue_dma source(%dma_start3A_169 : memref<1x128xi32, #tpu.memory_space<hbm>>) target(%dma_start3A_163 : memref<1x128xi32, #tpu.memory_space<vmem>>) target_semaphore(%run_scoped3A_151 : memref<!tpu.dma_semaphore, #tpu.memory_space<semaphore_mem>>)
        %dma_wait3A_170 = arith.constant 78 : i32
        %dma_wait3A_171 = arith.constant 0 : i32
        %dma_wait3A_172 = tpu.memref_slice %arg11[%dma_wait3A_170, %dma_wait3A_171] : memref<79x128xi32, #tpu.memory_space<vmem>> -> memref<1x128xi32, #tpu.memory_space<vmem>>
        %dma_wait3A_173 = arith.constant 0 : i32
        %dma_wait3A_174 = arith.constant 0 : i32
        %dma_wait3A_175 = tpu.memref_slice %arg2[%cond3A_75, %dma_wait3A_173, %dma_wait3A_174] : memref<2x2500x128xi32, #tpu.memory_space<hbm>> -> memref<1x2500x128xi32, #tpu.memory_space<hbm>>
        %dma_wait3A_176 = tpu.memref_squeeze %dma_wait3A_175 : memref<1x2500x128xi32, #tpu.memory_space<hbm>> -> memref<2500x128xi32, #tpu.memory_space<hbm>>
        %dma_wait3A_177 = arith.constant 0 : i32
        %dma_wait3A_178 = tpu.memref_slice %dma_wait3A_176[%add3A_150, %dma_wait3A_177] : memref<2500x128xi32, #tpu.memory_space<hbm>> -> memref<1x128xi32, #tpu.memory_space<hbm>>
        %dma_wait3A_179 = arith.constant 78 : i32
        %dma_wait3A_180 = arith.constant 0 : i32
        %dma_wait3A_181 = tpu.memref_slice %arg11[%dma_wait3A_179, %dma_wait3A_180] : memref<79x128xi32, #tpu.memory_space<vmem>> -> memref<1x128xi32, #tpu.memory_space<vmem>>
        %dma_wait3A_182 = arith.constant 0 : i32
        %dma_wait3A_183 = arith.constant 0 : i32
        %dma_wait3A_184 = tpu.memref_slice %arg2[%cond3A_75, %dma_wait3A_182, %dma_wait3A_183] : memref<2x2500x128xi32, #tpu.memory_space<hbm>> -> memref<1x2500x128xi32, #tpu.memory_space<hbm>>
        %dma_wait3A_185 = tpu.memref_squeeze %dma_wait3A_184 : memref<1x2500x128xi32, #tpu.memory_space<hbm>> -> memref<2500x128xi32, #tpu.memory_space<hbm>>
        %dma_wait3A_186 = arith.constant 0 : i32
        %dma_wait3A_187 = tpu.memref_slice %dma_wait3A_185[%add3A_150, %dma_wait3A_186] : memref<2500x128xi32, #tpu.memory_space<hbm>> -> memref<1x128xi32, #tpu.memory_space<hbm>>
        tpu.wait_dma2 semaphore(%run_scoped3A_151 : memref<!tpu.dma_semaphore, #tpu.memory_space<semaphore_mem>>) src(%dma_wait3A_187 : memref<1x128xi32, #tpu.memory_space<hbm>>) dst(%dma_wait3A_181 : memref<1x128xi32, #tpu.memory_space<vmem>>)
        tpu.yield
      }) : () -> ()
    } else {
    }
    %run_scoped3A_78 = arith.constant 0 : i32
    "tpu.region"() ({
      %run_scoped3A_149 = tpu.sem_alloc : memref<!tpu.dma_semaphore, #tpu.memory_space<semaphore_mem>>
      %dma_start3A_150 = arith.constant 0 : i32
      %dma_start3A_151 = arith.constant 0 : i32
      %dma_start3A_152 = tpu.memref_slice %arg12[%dma_start3A_150, %dma_start3A_151] : memref<79x128xi32, #tpu.memory_space<vmem>> -> memref<78x128xi32, #tpu.memory_space<vmem>>
      %dma_start3A_153 = arith.constant 0 : i32
      %dma_start3A_154 = arith.constant 0 : i32
      %dma_start3A_155 = tpu.memref_slice %arg3[%run_scoped3A_78, %dma_start3A_153, %dma_start3A_154] : memref<2x2500x128xi32, #tpu.memory_space<hbm>> -> memref<1x2500x128xi32, #tpu.memory_space<hbm>>
      %dma_start3A_156 = tpu.memref_squeeze %dma_start3A_155 : memref<1x2500x128xi32, #tpu.memory_space<hbm>> -> memref<2500x128xi32, #tpu.memory_space<hbm>>
      %dma_start3A_157 = arith.constant 0 : i32
      %dma_start3A_158 = tpu.memref_slice %dma_start3A_156[%add3A_4, %dma_start3A_157] : memref<2500x128xi32, #tpu.memory_space<hbm>> -> memref<78x128xi32, #tpu.memory_space<hbm>>
      %dma_start3A_159 = arith.constant 0 : i32
      %dma_start3A_160 = arith.constant 0 : i32
      %dma_start3A_161 = tpu.memref_slice %arg12[%dma_start3A_159, %dma_start3A_160] : memref<79x128xi32, #tpu.memory_space<vmem>> -> memref<78x128xi32, #tpu.memory_space<vmem>>
      %dma_start3A_162 = arith.constant 0 : i32
      %dma_start3A_163 = arith.constant 0 : i32
      %dma_start3A_164 = tpu.memref_slice %arg3[%run_scoped3A_78, %dma_start3A_162, %dma_start3A_163] : memref<2x2500x128xi32, #tpu.memory_space<hbm>> -> memref<1x2500x128xi32, #tpu.memory_space<hbm>>
      %dma_start3A_165 = tpu.memref_squeeze %dma_start3A_164 : memref<1x2500x128xi32, #tpu.memory_space<hbm>> -> memref<2500x128xi32, #tpu.memory_space<hbm>>
      %dma_start3A_166 = arith.constant 0 : i32
      %dma_start3A_167 = tpu.memref_slice %dma_start3A_165[%add3A_4, %dma_start3A_166] : memref<2500x128xi32, #tpu.memory_space<hbm>> -> memref<78x128xi32, #tpu.memory_space<hbm>>
      tpu.enqueue_dma source(%dma_start3A_167 : memref<78x128xi32, #tpu.memory_space<hbm>>) target(%dma_start3A_161 : memref<78x128xi32, #tpu.memory_space<vmem>>) target_semaphore(%run_scoped3A_149 : memref<!tpu.dma_semaphore, #tpu.memory_space<semaphore_mem>>)
      %dma_wait3A_168 = arith.constant 0 : i32
      %dma_wait3A_169 = arith.constant 0 : i32
      %dma_wait3A_170 = tpu.memref_slice %arg12[%dma_wait3A_168, %dma_wait3A_169] : memref<79x128xi32, #tpu.memory_space<vmem>> -> memref<78x128xi32, #tpu.memory_space<vmem>>
      %dma_wait3A_171 = arith.constant 0 : i32
      %dma_wait3A_172 = arith.constant 0 : i32
      %dma_wait3A_173 = tpu.memref_slice %arg3[%run_scoped3A_78, %dma_wait3A_171, %dma_wait3A_172] : memref<2x2500x128xi32, #tpu.memory_space<hbm>> -> memref<1x2500x128xi32, #tpu.memory_space<hbm>>
      %dma_wait3A_174 = tpu.memref_squeeze %dma_wait3A_173 : memref<1x2500x128xi32, #tpu.memory_space<hbm>> -> memref<2500x128xi32, #tpu.memory_space<hbm>>
      %dma_wait3A_175 = arith.constant 0 : i32
      %dma_wait3A_176 = tpu.memref_slice %dma_wait3A_174[%add3A_4, %dma_wait3A_175] : memref<2500x128xi32, #tpu.memory_space<hbm>> -> memref<78x128xi32, #tpu.memory_space<hbm>>
      %dma_wait3A_177 = arith.constant 0 : i32
      %dma_wait3A_178 = arith.constant 0 : i32
      %dma_wait3A_179 = tpu.memref_slice %arg12[%dma_wait3A_177, %dma_wait3A_178] : memref<79x128xi32, #tpu.memory_space<vmem>> -> memref<78x128xi32, #tpu.memory_space<vmem>>
      %dma_wait3A_180 = arith.constant 0 : i32
      %dma_wait3A_181 = arith.constant 0 : i32
      %dma_wait3A_182 = tpu.memref_slice %arg3[%run_scoped3A_78, %dma_wait3A_180, %dma_wait3A_181] : memref<2x2500x128xi32, #tpu.memory_space<hbm>> -> memref<1x2500x128xi32, #tpu.memory_space<hbm>>
      %dma_wait3A_183 = tpu.memref_squeeze %dma_wait3A_182 : memref<1x2500x128xi32, #tpu.memory_space<hbm>> -> memref<2500x128xi32, #tpu.memory_space<hbm>>
      %dma_wait3A_184 = arith.constant 0 : i32
      %dma_wait3A_185 = tpu.memref_slice %dma_wait3A_183[%add3A_4, %dma_wait3A_184] : memref<2500x128xi32, #tpu.memory_space<hbm>> -> memref<78x128xi32, #tpu.memory_space<hbm>>
      tpu.wait_dma2 semaphore(%run_scoped3A_149 : memref<!tpu.dma_semaphore, #tpu.memory_space<semaphore_mem>>) src(%dma_wait3A_185 : memref<78x128xi32, #tpu.memory_space<hbm>>) dst(%dma_wait3A_179 : memref<78x128xi32, #tpu.memory_space<vmem>>)
      tpu.yield
    }) : () -> ()
    %convert_element_type3A_79 = arith.extui %lt3A_5 : i1 to i32
    %cond3A_80 = arith.constant 0 : i32
    %cond3A_81 = arith.constant 0 : i32
    %cond3A_82 = arith.cmpi ne, %convert_element_type3A_79, %cond3A_81 : i32
    scf.if %cond3A_82 {
      %add3A_149 = arith.constant 78 : i32
      %add3A_150 = arith.addi %add3A_4, %add3A_149 : i32
      "tpu.region"() ({
        %run_scoped3A_151 = tpu.sem_alloc : memref<!tpu.dma_semaphore, #tpu.memory_space<semaphore_mem>>
        %dma_start3A_152 = arith.constant 78 : i32
        %dma_start3A_153 = arith.constant 0 : i32
        %dma_start3A_154 = tpu.memref_slice %arg12[%dma_start3A_152, %dma_start3A_153] : memref<79x128xi32, #tpu.memory_space<vmem>> -> memref<1x128xi32, #tpu.memory_space<vmem>>
        %dma_start3A_155 = arith.constant 0 : i32
        %dma_start3A_156 = arith.constant 0 : i32
        %dma_start3A_157 = tpu.memref_slice %arg3[%cond3A_80, %dma_start3A_155, %dma_start3A_156] : memref<2x2500x128xi32, #tpu.memory_space<hbm>> -> memref<1x2500x128xi32, #tpu.memory_space<hbm>>
        %dma_start3A_158 = tpu.memref_squeeze %dma_start3A_157 : memref<1x2500x128xi32, #tpu.memory_space<hbm>> -> memref<2500x128xi32, #tpu.memory_space<hbm>>
        %dma_start3A_159 = arith.constant 0 : i32
        %dma_start3A_160 = tpu.memref_slice %dma_start3A_158[%add3A_150, %dma_start3A_159] : memref<2500x128xi32, #tpu.memory_space<hbm>> -> memref<1x128xi32, #tpu.memory_space<hbm>>
        %dma_start3A_161 = arith.constant 78 : i32
        %dma_start3A_162 = arith.constant 0 : i32
        %dma_start3A_163 = tpu.memref_slice %arg12[%dma_start3A_161, %dma_start3A_162] : memref<79x128xi32, #tpu.memory_space<vmem>> -> memref<1x128xi32, #tpu.memory_space<vmem>>
        %dma_start3A_164 = arith.constant 0 : i32
        %dma_start3A_165 = arith.constant 0 : i32
        %dma_start3A_166 = tpu.memref_slice %arg3[%cond3A_80, %dma_start3A_164, %dma_start3A_165] : memref<2x2500x128xi32, #tpu.memory_space<hbm>> -> memref<1x2500x128xi32, #tpu.memory_space<hbm>>
        %dma_start3A_167 = tpu.memref_squeeze %dma_start3A_166 : memref<1x2500x128xi32, #tpu.memory_space<hbm>> -> memref<2500x128xi32, #tpu.memory_space<hbm>>
        %dma_start3A_168 = arith.constant 0 : i32
        %dma_start3A_169 = tpu.memref_slice %dma_start3A_167[%add3A_150, %dma_start3A_168] : memref<2500x128xi32, #tpu.memory_space<hbm>> -> memref<1x128xi32, #tpu.memory_space<hbm>>
        tpu.enqueue_dma source(%dma_start3A_169 : memref<1x128xi32, #tpu.memory_space<hbm>>) target(%dma_start3A_163 : memref<1x128xi32, #tpu.memory_space<vmem>>) target_semaphore(%run_scoped3A_151 : memref<!tpu.dma_semaphore, #tpu.memory_space<semaphore_mem>>)
        %dma_wait3A_170 = arith.constant 78 : i32
        %dma_wait3A_171 = arith.constant 0 : i32
        %dma_wait3A_172 = tpu.memref_slice %arg12[%dma_wait3A_170, %dma_wait3A_171] : memref<79x128xi32, #tpu.memory_space<vmem>> -> memref<1x128xi32, #tpu.memory_space<vmem>>
        %dma_wait3A_173 = arith.constant 0 : i32
        %dma_wait3A_174 = arith.constant 0 : i32
        %dma_wait3A_175 = tpu.memref_slice %arg3[%cond3A_80, %dma_wait3A_173, %dma_wait3A_174] : memref<2x2500x128xi32, #tpu.memory_space<hbm>> -> memref<1x2500x128xi32, #tpu.memory_space<hbm>>
        %dma_wait3A_176 = tpu.memref_squeeze %dma_wait3A_175 : memref<1x2500x128xi32, #tpu.memory_space<hbm>> -> memref<2500x128xi32, #tpu.memory_space<hbm>>
        %dma_wait3A_177 = arith.constant 0 : i32
        %dma_wait3A_178 = tpu.memref_slice %dma_wait3A_176[%add3A_150, %dma_wait3A_177] : memref<2500x128xi32, #tpu.memory_space<hbm>> -> memref<1x128xi32, #tpu.memory_space<hbm>>
        %dma_wait3A_179 = arith.constant 78 : i32
        %dma_wait3A_180 = arith.constant 0 : i32
        %dma_wait3A_181 = tpu.memref_slice %arg12[%dma_wait3A_179, %dma_wait3A_180] : memref<79x128xi32, #tpu.memory_space<vmem>> -> memref<1x128xi32, #tpu.memory_space<vmem>>
        %dma_wait3A_182 = arith.constant 0 : i32
        %dma_wait3A_183 = arith.constant 0 : i32
        %dma_wait3A_184 = tpu.memref_slice %arg3[%cond3A_80, %dma_wait3A_182, %dma_wait3A_183] : memref<2x2500x128xi32, #tpu.memory_space<hbm>> -> memref<1x2500x128xi32, #tpu.memory_space<hbm>>
        %dma_wait3A_185 = tpu.memref_squeeze %dma_wait3A_184 : memref<1x2500x128xi32, #tpu.memory_space<hbm>> -> memref<2500x128xi32, #tpu.memory_space<hbm>>
        %dma_wait3A_186 = arith.constant 0 : i32
        %dma_wait3A_187 = tpu.memref_slice %dma_wait3A_185[%add3A_150, %dma_wait3A_186] : memref<2500x128xi32, #tpu.memory_space<hbm>> -> memref<1x128xi32, #tpu.memory_space<hbm>>
        tpu.wait_dma2 semaphore(%run_scoped3A_151 : memref<!tpu.dma_semaphore, #tpu.memory_space<semaphore_mem>>) src(%dma_wait3A_187 : memref<1x128xi32, #tpu.memory_space<hbm>>) dst(%dma_wait3A_181 : memref<1x128xi32, #tpu.memory_space<vmem>>)
        tpu.yield
      }) : () -> ()
    } else {
    }
    %run_scoped3A_83 = arith.constant 1 : i32
    "tpu.region"() ({
      %run_scoped3A_149 = tpu.sem_alloc : memref<!tpu.dma_semaphore, #tpu.memory_space<semaphore_mem>>
      %dma_start3A_150 = arith.constant 0 : i32
      %dma_start3A_151 = arith.constant 0 : i32
      %dma_start3A_152 = tpu.memref_slice %arg13[%dma_start3A_150, %dma_start3A_151] : memref<79x128xi32, #tpu.memory_space<vmem>> -> memref<78x128xi32, #tpu.memory_space<vmem>>
      %dma_start3A_153 = arith.constant 0 : i32
      %dma_start3A_154 = arith.constant 0 : i32
      %dma_start3A_155 = tpu.memref_slice %arg3[%run_scoped3A_83, %dma_start3A_153, %dma_start3A_154] : memref<2x2500x128xi32, #tpu.memory_space<hbm>> -> memref<1x2500x128xi32, #tpu.memory_space<hbm>>
      %dma_start3A_156 = tpu.memref_squeeze %dma_start3A_155 : memref<1x2500x128xi32, #tpu.memory_space<hbm>> -> memref<2500x128xi32, #tpu.memory_space<hbm>>
      %dma_start3A_157 = arith.constant 0 : i32
      %dma_start3A_158 = tpu.memref_slice %dma_start3A_156[%add3A_4, %dma_start3A_157] : memref<2500x128xi32, #tpu.memory_space<hbm>> -> memref<78x128xi32, #tpu.memory_space<hbm>>
      %dma_start3A_159 = arith.constant 0 : i32
      %dma_start3A_160 = arith.constant 0 : i32
      %dma_start3A_161 = tpu.memref_slice %arg13[%dma_start3A_159, %dma_start3A_160] : memref<79x128xi32, #tpu.memory_space<vmem>> -> memref<78x128xi32, #tpu.memory_space<vmem>>
      %dma_start3A_162 = arith.constant 0 : i32
      %dma_start3A_163 = arith.constant 0 : i32
      %dma_start3A_164 = tpu.memref_slice %arg3[%run_scoped3A_83, %dma_start3A_162, %dma_start3A_163] : memref<2x2500x128xi32, #tpu.memory_space<hbm>> -> memref<1x2500x128xi32, #tpu.memory_space<hbm>>
      %dma_start3A_165 = tpu.memref_squeeze %dma_start3A_164 : memref<1x2500x128xi32, #tpu.memory_space<hbm>> -> memref<2500x128xi32, #tpu.memory_space<hbm>>
      %dma_start3A_166 = arith.constant 0 : i32
      %dma_start3A_167 = tpu.memref_slice %dma_start3A_165[%add3A_4, %dma_start3A_166] : memref<2500x128xi32, #tpu.memory_space<hbm>> -> memref<78x128xi32, #tpu.memory_space<hbm>>
      tpu.enqueue_dma source(%dma_start3A_167 : memref<78x128xi32, #tpu.memory_space<hbm>>) target(%dma_start3A_161 : memref<78x128xi32, #tpu.memory_space<vmem>>) target_semaphore(%run_scoped3A_149 : memref<!tpu.dma_semaphore, #tpu.memory_space<semaphore_mem>>)
      %dma_wait3A_168 = arith.constant 0 : i32
      %dma_wait3A_169 = arith.constant 0 : i32
      %dma_wait3A_170 = tpu.memref_slice %arg13[%dma_wait3A_168, %dma_wait3A_169] : memref<79x128xi32, #tpu.memory_space<vmem>> -> memref<78x128xi32, #tpu.memory_space<vmem>>
      %dma_wait3A_171 = arith.constant 0 : i32
      %dma_wait3A_172 = arith.constant 0 : i32
      %dma_wait3A_173 = tpu.memref_slice %arg3[%run_scoped3A_83, %dma_wait3A_171, %dma_wait3A_172] : memref<2x2500x128xi32, #tpu.memory_space<hbm>> -> memref<1x2500x128xi32, #tpu.memory_space<hbm>>
      %dma_wait3A_174 = tpu.memref_squeeze %dma_wait3A_173 : memref<1x2500x128xi32, #tpu.memory_space<hbm>> -> memref<2500x128xi32, #tpu.memory_space<hbm>>
      %dma_wait3A_175 = arith.constant 0 : i32
      %dma_wait3A_176 = tpu.memref_slice %dma_wait3A_174[%add3A_4, %dma_wait3A_175] : memref<2500x128xi32, #tpu.memory_space<hbm>> -> memref<78x128xi32, #tpu.memory_space<hbm>>
      %dma_wait3A_177 = arith.constant 0 : i32
      %dma_wait3A_178 = arith.constant 0 : i32
      %dma_wait3A_179 = tpu.memref_slice %arg13[%dma_wait3A_177, %dma_wait3A_178] : memref<79x128xi32, #tpu.memory_space<vmem>> -> memref<78x128xi32, #tpu.memory_space<vmem>>
      %dma_wait3A_180 = arith.constant 0 : i32
      %dma_wait3A_181 = arith.constant 0 : i32
      %dma_wait3A_182 = tpu.memref_slice %arg3[%run_scoped3A_83, %dma_wait3A_180, %dma_wait3A_181] : memref<2x2500x128xi32, #tpu.memory_space<hbm>> -> memref<1x2500x128xi32, #tpu.memory_space<hbm>>
      %dma_wait3A_183 = tpu.memref_squeeze %dma_wait3A_182 : memref<1x2500x128xi32, #tpu.memory_space<hbm>> -> memref<2500x128xi32, #tpu.memory_space<hbm>>
      %dma_wait3A_184 = arith.constant 0 : i32
      %dma_wait3A_185 = tpu.memref_slice %dma_wait3A_183[%add3A_4, %dma_wait3A_184] : memref<2500x128xi32, #tpu.memory_space<hbm>> -> memref<78x128xi32, #tpu.memory_space<hbm>>
      tpu.wait_dma2 semaphore(%run_scoped3A_149 : memref<!tpu.dma_semaphore, #tpu.memory_space<semaphore_mem>>) src(%dma_wait3A_185 : memref<78x128xi32, #tpu.memory_space<hbm>>) dst(%dma_wait3A_179 : memref<78x128xi32, #tpu.memory_space<vmem>>)
      tpu.yield
    }) : () -> ()
    %convert_element_type3A_84 = arith.extui %lt3A_5 : i1 to i32
    %cond3A_85 = arith.constant 1 : i32
    %cond3A_86 = arith.constant 0 : i32
    %cond3A_87 = arith.cmpi ne, %convert_element_type3A_84, %cond3A_86 : i32
    scf.if %cond3A_87 {
      %add3A_149 = arith.constant 78 : i32
      %add3A_150 = arith.addi %add3A_4, %add3A_149 : i32
      "tpu.region"() ({
        %run_scoped3A_151 = tpu.sem_alloc : memref<!tpu.dma_semaphore, #tpu.memory_space<semaphore_mem>>
        %dma_start3A_152 = arith.constant 78 : i32
        %dma_start3A_153 = arith.constant 0 : i32
        %dma_start3A_154 = tpu.memref_slice %arg13[%dma_start3A_152, %dma_start3A_153] : memref<79x128xi32, #tpu.memory_space<vmem>> -> memref<1x128xi32, #tpu.memory_space<vmem>>
        %dma_start3A_155 = arith.constant 0 : i32
        %dma_start3A_156 = arith.constant 0 : i32
        %dma_start3A_157 = tpu.memref_slice %arg3[%cond3A_85, %dma_start3A_155, %dma_start3A_156] : memref<2x2500x128xi32, #tpu.memory_space<hbm>> -> memref<1x2500x128xi32, #tpu.memory_space<hbm>>
        %dma_start3A_158 = tpu.memref_squeeze %dma_start3A_157 : memref<1x2500x128xi32, #tpu.memory_space<hbm>> -> memref<2500x128xi32, #tpu.memory_space<hbm>>
        %dma_start3A_159 = arith.constant 0 : i32
        %dma_start3A_160 = tpu.memref_slice %dma_start3A_158[%add3A_150, %dma_start3A_159] : memref<2500x128xi32, #tpu.memory_space<hbm>> -> memref<1x128xi32, #tpu.memory_space<hbm>>
        %dma_start3A_161 = arith.constant 78 : i32
        %dma_start3A_162 = arith.constant 0 : i32
        %dma_start3A_163 = tpu.memref_slice %arg13[%dma_start3A_161, %dma_start3A_162] : memref<79x128xi32, #tpu.memory_space<vmem>> -> memref<1x128xi32, #tpu.memory_space<vmem>>
        %dma_start3A_164 = arith.constant 0 : i32
        %dma_start3A_165 = arith.constant 0 : i32
        %dma_start3A_166 = tpu.memref_slice %arg3[%cond3A_85, %dma_start3A_164, %dma_start3A_165] : memref<2x2500x128xi32, #tpu.memory_space<hbm>> -> memref<1x2500x128xi32, #tpu.memory_space<hbm>>
        %dma_start3A_167 = tpu.memref_squeeze %dma_start3A_166 : memref<1x2500x128xi32, #tpu.memory_space<hbm>> -> memref<2500x128xi32, #tpu.memory_space<hbm>>
        %dma_start3A_168 = arith.constant 0 : i32
        %dma_start3A_169 = tpu.memref_slice %dma_start3A_167[%add3A_150, %dma_start3A_168] : memref<2500x128xi32, #tpu.memory_space<hbm>> -> memref<1x128xi32, #tpu.memory_space<hbm>>
        tpu.enqueue_dma source(%dma_start3A_169 : memref<1x128xi32, #tpu.memory_space<hbm>>) target(%dma_start3A_163 : memref<1x128xi32, #tpu.memory_space<vmem>>) target_semaphore(%run_scoped3A_151 : memref<!tpu.dma_semaphore, #tpu.memory_space<semaphore_mem>>)
        %dma_wait3A_170 = arith.constant 78 : i32
        %dma_wait3A_171 = arith.constant 0 : i32
        %dma_wait3A_172 = tpu.memref_slice %arg13[%dma_wait3A_170, %dma_wait3A_171] : memref<79x128xi32, #tpu.memory_space<vmem>> -> memref<1x128xi32, #tpu.memory_space<vmem>>
        %dma_wait3A_173 = arith.constant 0 : i32
        %dma_wait3A_174 = arith.constant 0 : i32
        %dma_wait3A_175 = tpu.memref_slice %arg3[%cond3A_85, %dma_wait3A_173, %dma_wait3A_174] : memref<2x2500x128xi32, #tpu.memory_space<hbm>> -> memref<1x2500x128xi32, #tpu.memory_space<hbm>>
        %dma_wait3A_176 = tpu.memref_squeeze %dma_wait3A_175 : memref<1x2500x128xi32, #tpu.memory_space<hbm>> -> memref<2500x128xi32, #tpu.memory_space<hbm>>
        %dma_wait3A_177 = arith.constant 0 : i32
        %dma_wait3A_178 = tpu.memref_slice %dma_wait3A_176[%add3A_150, %dma_wait3A_177] : memref<2500x128xi32, #tpu.memory_space<hbm>> -> memref<1x128xi32, #tpu.memory_space<hbm>>
        %dma_wait3A_179 = arith.constant 78 : i32
        %dma_wait3A_180 = arith.constant 0 : i32
        %dma_wait3A_181 = tpu.memref_slice %arg13[%dma_wait3A_179, %dma_wait3A_180] : memref<79x128xi32, #tpu.memory_space<vmem>> -> memref<1x128xi32, #tpu.memory_space<vmem>>
        %dma_wait3A_182 = arith.constant 0 : i32
        %dma_wait3A_183 = arith.constant 0 : i32
        %dma_wait3A_184 = tpu.memref_slice %arg3[%cond3A_85, %dma_wait3A_182, %dma_wait3A_183] : memref<2x2500x128xi32, #tpu.memory_space<hbm>> -> memref<1x2500x128xi32, #tpu.memory_space<hbm>>
        %dma_wait3A_185 = tpu.memref_squeeze %dma_wait3A_184 : memref<1x2500x128xi32, #tpu.memory_space<hbm>> -> memref<2500x128xi32, #tpu.memory_space<hbm>>
        %dma_wait3A_186 = arith.constant 0 : i32
        %dma_wait3A_187 = tpu.memref_slice %dma_wait3A_185[%add3A_150, %dma_wait3A_186] : memref<2500x128xi32, #tpu.memory_space<hbm>> -> memref<1x128xi32, #tpu.memory_space<hbm>>
        tpu.wait_dma2 semaphore(%run_scoped3A_151 : memref<!tpu.dma_semaphore, #tpu.memory_space<semaphore_mem>>) src(%dma_wait3A_187 : memref<1x128xi32, #tpu.memory_space<hbm>>) dst(%dma_wait3A_181 : memref<1x128xi32, #tpu.memory_space<vmem>>)
        tpu.yield
      }) : () -> ()
    } else {
    }
    %barrier3A = arith.constant 0 : index
    tpu.barrier barrier_id(%barrier3A)
    %dma_start3A = arith.constant 0 : i32
    %dma_start3A_88 = arith.constant 0 : i32
    %dma_start3A_89 = tpu.memref_slice %arg10[%dma_start3A, %dma_start3A_88] : memref<79x128xi32, #tpu.memory_space<vmem>> -> memref<1x128xi32, #tpu.memory_space<vmem>>
    %dma_start3A_90 = tpu.memref_squeeze %dma_start3A_89 : memref<1x128xi32, #tpu.memory_space<vmem>> -> memref<128xi32, #tpu.memory_space<vmem>>
    %dma_start3A_91 = arith.constant 0 : i32
    %dma_start3A_92 = tpu.memref_slice %arg6[%dma_start3A_91] : memref<10000xf32, #tpu.memory_space<vmem_shared>> -> memref<10000xf32, #tpu.memory_space<vmem_shared>>
    tpu.enqueue_indirect_dma source(%arg14 : memref<128xf32, #tpu.memory_space<vmem>>) target(%dma_start3A_92 : memref<10000xf32, #tpu.memory_space<vmem_shared>>) offsets(%dma_start3A_90 : memref<128xi32, #tpu.memory_space<vmem>>) semaphore(%arg15 : memref<!tpu.dma_semaphore, #tpu.memory_space<semaphore_mem>>) {add = true}
    %dma_start3A_93 = arith.constant 0 : i32
    %dma_start3A_94 = arith.constant 0 : i32
    %dma_start3A_95 = tpu.memref_slice %arg11[%dma_start3A_93, %dma_start3A_94] : memref<79x128xi32, #tpu.memory_space<vmem>> -> memref<1x128xi32, #tpu.memory_space<vmem>>
    %dma_start3A_96 = tpu.memref_squeeze %dma_start3A_95 : memref<1x128xi32, #tpu.memory_space<vmem>> -> memref<128xi32, #tpu.memory_space<vmem>>
    %dma_start3A_97 = arith.constant 0 : i32
    %dma_start3A_98 = tpu.memref_slice %arg7[%dma_start3A_97] : memref<10000xf32, #tpu.memory_space<vmem_shared>> -> memref<10000xf32, #tpu.memory_space<vmem_shared>>
    tpu.enqueue_indirect_dma source(%arg14 : memref<128xf32, #tpu.memory_space<vmem>>) target(%dma_start3A_98 : memref<10000xf32, #tpu.memory_space<vmem_shared>>) offsets(%dma_start3A_96 : memref<128xi32, #tpu.memory_space<vmem>>) semaphore(%arg16 : memref<!tpu.dma_semaphore, #tpu.memory_space<semaphore_mem>>) {add = true}
    %dma_start3A_99 = arith.constant 0 : i32
    %dma_start3A_100 = arith.constant 0 : i32
    %dma_start3A_101 = tpu.memref_slice %arg12[%dma_start3A_99, %dma_start3A_100] : memref<79x128xi32, #tpu.memory_space<vmem>> -> memref<1x128xi32, #tpu.memory_space<vmem>>
    %dma_start3A_102 = tpu.memref_squeeze %dma_start3A_101 : memref<1x128xi32, #tpu.memory_space<vmem>> -> memref<128xi32, #tpu.memory_space<vmem>>
    %dma_start3A_103 = arith.constant 0 : i32
    %dma_start3A_104 = tpu.memref_slice %arg8[%dma_start3A_103] : memref<10000xf32, #tpu.memory_space<vmem_shared>> -> memref<10000xf32, #tpu.memory_space<vmem_shared>>
    tpu.enqueue_indirect_dma source(%arg14 : memref<128xf32, #tpu.memory_space<vmem>>) target(%dma_start3A_104 : memref<10000xf32, #tpu.memory_space<vmem_shared>>) offsets(%dma_start3A_102 : memref<128xi32, #tpu.memory_space<vmem>>) semaphore(%arg17 : memref<!tpu.dma_semaphore, #tpu.memory_space<semaphore_mem>>) {add = true}
    %dma_start3A_105 = arith.constant 0 : i32
    %dma_start3A_106 = arith.constant 0 : i32
    %dma_start3A_107 = tpu.memref_slice %arg13[%dma_start3A_105, %dma_start3A_106] : memref<79x128xi32, #tpu.memory_space<vmem>> -> memref<1x128xi32, #tpu.memory_space<vmem>>
    %dma_start3A_108 = tpu.memref_squeeze %dma_start3A_107 : memref<1x128xi32, #tpu.memory_space<vmem>> -> memref<128xi32, #tpu.memory_space<vmem>>
    %dma_start3A_109 = arith.constant 0 : i32
    %dma_start3A_110 = tpu.memref_slice %arg9[%dma_start3A_109] : memref<10000xf32, #tpu.memory_space<vmem_shared>> -> memref<10000xf32, #tpu.memory_space<vmem_shared>>
    tpu.enqueue_indirect_dma source(%arg14 : memref<128xf32, #tpu.memory_space<vmem>>) target(%dma_start3A_110 : memref<10000xf32, #tpu.memory_space<vmem_shared>>) offsets(%dma_start3A_108 : memref<128xi32, #tpu.memory_space<vmem>>) semaphore(%arg18 : memref<!tpu.dma_semaphore, #tpu.memory_space<semaphore_mem>>) {add = true}
    %scan3A = arith.constant 0 : i32
    %scan3A_111 = arith.constant 1 : i32
    %scan3A_112 = arith.constant 77 : i32
    %scan3A_113 = arith.addi %scan3A_111, %scan3A_112 : i32
    %scan3A_114 = arith.constant 1 : i32
    %scan3A_115 = scf.for %scan3A_149 = %scan3A_111 to %scan3A_113 step %scan3A_114 iter_args(%scan3A_150 = %scan3A) -> (i32)  : i32 {
      %sub3A = arith.constant 1 : i32
      %sub3A_151 = arith.subi %scan3A_149, %sub3A : i32
      %dma_wait3A_152 = arith.constant 0 : i32
      %dma_wait3A_153 = tpu.memref_slice %arg10[%sub3A_151, %dma_wait3A_152] : memref<79x128xi32, #tpu.memory_space<vmem>> -> memref<1x128xi32, #tpu.memory_space<vmem>>
      %dma_wait3A_154 = tpu.memref_squeeze %dma_wait3A_153 : memref<1x128xi32, #tpu.memory_space<vmem>> -> memref<128xi32, #tpu.memory_space<vmem>>
      %dma_wait3A_155 = arith.constant 0 : i32
      %dma_wait3A_156 = tpu.memref_slice %arg6[%dma_wait3A_155] : memref<10000xf32, #tpu.memory_space<vmem_shared>> -> memref<10000xf32, #tpu.memory_space<vmem_shared>>
      tpu.wait_indirect_dma semaphore(%arg15 : memref<!tpu.dma_semaphore, #tpu.memory_space<semaphore_mem>>) src(%arg14 : memref<128xf32, #tpu.memory_space<vmem>>) dst(%dma_wait3A_156 : memref<10000xf32, #tpu.memory_space<vmem_shared>>)
      %dma_start3A_157 = arith.constant 0 : i32
      %dma_start3A_158 = tpu.memref_slice %arg10[%scan3A_149, %dma_start3A_157] : memref<79x128xi32, #tpu.memory_space<vmem>> -> memref<1x128xi32, #tpu.memory_space<vmem>>
      %dma_start3A_159 = tpu.memref_squeeze %dma_start3A_158 : memref<1x128xi32, #tpu.memory_space<vmem>> -> memref<128xi32, #tpu.memory_space<vmem>>
      %dma_start3A_160 = arith.constant 0 : i32
      %dma_start3A_161 = tpu.memref_slice %arg6[%dma_start3A_160] : memref<10000xf32, #tpu.memory_space<vmem_shared>> -> memref<10000xf32, #tpu.memory_space<vmem_shared>>
      tpu.enqueue_indirect_dma source(%arg14 : memref<128xf32, #tpu.memory_space<vmem>>) target(%dma_start3A_161 : memref<10000xf32, #tpu.memory_space<vmem_shared>>) offsets(%dma_start3A_159 : memref<128xi32, #tpu.memory_space<vmem>>) semaphore(%arg15 : memref<!tpu.dma_semaphore, #tpu.memory_space<semaphore_mem>>) {add = true}
      %sub3A_162 = arith.constant 1 : i32
      %sub3A_163 = arith.subi %scan3A_149, %sub3A_162 : i32
      %dma_wait3A_164 = arith.constant 0 : i32
      %dma_wait3A_165 = tpu.memref_slice %arg11[%sub3A_163, %dma_wait3A_164] : memref<79x128xi32, #tpu.memory_space<vmem>> -> memref<1x128xi32, #tpu.memory_space<vmem>>
      %dma_wait3A_166 = tpu.memref_squeeze %dma_wait3A_165 : memref<1x128xi32, #tpu.memory_space<vmem>> -> memref<128xi32, #tpu.memory_space<vmem>>
      %dma_wait3A_167 = arith.constant 0 : i32
      %dma_wait3A_168 = tpu.memref_slice %arg7[%dma_wait3A_167] : memref<10000xf32, #tpu.memory_space<vmem_shared>> -> memref<10000xf32, #tpu.memory_space<vmem_shared>>
      tpu.wait_indirect_dma semaphore(%arg16 : memref<!tpu.dma_semaphore, #tpu.memory_space<semaphore_mem>>) src(%arg14 : memref<128xf32, #tpu.memory_space<vmem>>) dst(%dma_wait3A_168 : memref<10000xf32, #tpu.memory_space<vmem_shared>>)
      %dma_start3A_169 = arith.constant 0 : i32
      %dma_start3A_170 = tpu.memref_slice %arg11[%scan3A_149, %dma_start3A_169] : memref<79x128xi32, #tpu.memory_space<vmem>> -> memref<1x128xi32, #tpu.memory_space<vmem>>
      %dma_start3A_171 = tpu.memref_squeeze %dma_start3A_170 : memref<1x128xi32, #tpu.memory_space<vmem>> -> memref<128xi32, #tpu.memory_space<vmem>>
      %dma_start3A_172 = arith.constant 0 : i32
      %dma_start3A_173 = tpu.memref_slice %arg7[%dma_start3A_172] : memref<10000xf32, #tpu.memory_space<vmem_shared>> -> memref<10000xf32, #tpu.memory_space<vmem_shared>>
      tpu.enqueue_indirect_dma source(%arg14 : memref<128xf32, #tpu.memory_space<vmem>>) target(%dma_start3A_173 : memref<10000xf32, #tpu.memory_space<vmem_shared>>) offsets(%dma_start3A_171 : memref<128xi32, #tpu.memory_space<vmem>>) semaphore(%arg16 : memref<!tpu.dma_semaphore, #tpu.memory_space<semaphore_mem>>) {add = true}
      %sub3A_174 = arith.constant 1 : i32
      %sub3A_175 = arith.subi %scan3A_149, %sub3A_174 : i32
      %dma_wait3A_176 = arith.constant 0 : i32
      %dma_wait3A_177 = tpu.memref_slice %arg12[%sub3A_175, %dma_wait3A_176] : memref<79x128xi32, #tpu.memory_space<vmem>> -> memref<1x128xi32, #tpu.memory_space<vmem>>
      %dma_wait3A_178 = tpu.memref_squeeze %dma_wait3A_177 : memref<1x128xi32, #tpu.memory_space<vmem>> -> memref<128xi32, #tpu.memory_space<vmem>>
      %dma_wait3A_179 = arith.constant 0 : i32
      %dma_wait3A_180 = tpu.memref_slice %arg8[%dma_wait3A_179] : memref<10000xf32, #tpu.memory_space<vmem_shared>> -> memref<10000xf32, #tpu.memory_space<vmem_shared>>
      tpu.wait_indirect_dma semaphore(%arg17 : memref<!tpu.dma_semaphore, #tpu.memory_space<semaphore_mem>>) src(%arg14 : memref<128xf32, #tpu.memory_space<vmem>>) dst(%dma_wait3A_180 : memref<10000xf32, #tpu.memory_space<vmem_shared>>)
      %dma_start3A_181 = arith.constant 0 : i32
      %dma_start3A_182 = tpu.memref_slice %arg12[%scan3A_149, %dma_start3A_181] : memref<79x128xi32, #tpu.memory_space<vmem>> -> memref<1x128xi32, #tpu.memory_space<vmem>>
      %dma_start3A_183 = tpu.memref_squeeze %dma_start3A_182 : memref<1x128xi32, #tpu.memory_space<vmem>> -> memref<128xi32, #tpu.memory_space<vmem>>
      %dma_start3A_184 = arith.constant 0 : i32
      %dma_start3A_185 = tpu.memref_slice %arg8[%dma_start3A_184] : memref<10000xf32, #tpu.memory_space<vmem_shared>> -> memref<10000xf32, #tpu.memory_space<vmem_shared>>
      tpu.enqueue_indirect_dma source(%arg14 : memref<128xf32, #tpu.memory_space<vmem>>) target(%dma_start3A_185 : memref<10000xf32, #tpu.memory_space<vmem_shared>>) offsets(%dma_start3A_183 : memref<128xi32, #tpu.memory_space<vmem>>) semaphore(%arg17 : memref<!tpu.dma_semaphore, #tpu.memory_space<semaphore_mem>>) {add = true}
      %sub3A_186 = arith.constant 1 : i32
      %sub3A_187 = arith.subi %scan3A_149, %sub3A_186 : i32
      %dma_wait3A_188 = arith.constant 0 : i32
      %dma_wait3A_189 = tpu.memref_slice %arg13[%sub3A_187, %dma_wait3A_188] : memref<79x128xi32, #tpu.memory_space<vmem>> -> memref<1x128xi32, #tpu.memory_space<vmem>>
      %dma_wait3A_190 = tpu.memref_squeeze %dma_wait3A_189 : memref<1x128xi32, #tpu.memory_space<vmem>> -> memref<128xi32, #tpu.memory_space<vmem>>
      %dma_wait3A_191 = arith.constant 0 : i32
      %dma_wait3A_192 = tpu.memref_slice %arg9[%dma_wait3A_191] : memref<10000xf32, #tpu.memory_space<vmem_shared>> -> memref<10000xf32, #tpu.memory_space<vmem_shared>>
      tpu.wait_indirect_dma semaphore(%arg18 : memref<!tpu.dma_semaphore, #tpu.memory_space<semaphore_mem>>) src(%arg14 : memref<128xf32, #tpu.memory_space<vmem>>) dst(%dma_wait3A_192 : memref<10000xf32, #tpu.memory_space<vmem_shared>>)
      %dma_start3A_193 = arith.constant 0 : i32
      %dma_start3A_194 = tpu.memref_slice %arg13[%scan3A_149, %dma_start3A_193] : memref<79x128xi32, #tpu.memory_space<vmem>> -> memref<1x128xi32, #tpu.memory_space<vmem>>
      %dma_start3A_195 = tpu.memref_squeeze %dma_start3A_194 : memref<1x128xi32, #tpu.memory_space<vmem>> -> memref<128xi32, #tpu.memory_space<vmem>>
      %dma_start3A_196 = arith.constant 0 : i32
      %dma_start3A_197 = tpu.memref_slice %arg9[%dma_start3A_196] : memref<10000xf32, #tpu.memory_space<vmem_shared>> -> memref<10000xf32, #tpu.memory_space<vmem_shared>>
      tpu.enqueue_indirect_dma source(%arg14 : memref<128xf32, #tpu.memory_space<vmem>>) target(%dma_start3A_197 : memref<10000xf32, #tpu.memory_space<vmem_shared>>) offsets(%dma_start3A_195 : memref<128xi32, #tpu.memory_space<vmem>>) semaphore(%arg18 : memref<!tpu.dma_semaphore, #tpu.memory_space<semaphore_mem>>) {add = true}
      %scan3A_198 = arith.constant 0 : i32
      scf.yield %scan3A_198 : i32
    }
    %scan3A_116 = arith.constant 77 : i32
    %dma_wait3A = arith.constant 77 : i32
    %dma_wait3A_117 = arith.constant 0 : i32
    %dma_wait3A_118 = tpu.memref_slice %arg10[%dma_wait3A, %dma_wait3A_117] : memref<79x128xi32, #tpu.memory_space<vmem>> -> memref<1x128xi32, #tpu.memory_space<vmem>>
    %dma_wait3A_119 = tpu.memref_squeeze %dma_wait3A_118 : memref<1x128xi32, #tpu.memory_space<vmem>> -> memref<128xi32, #tpu.memory_space<vmem>>
    %dma_wait3A_120 = arith.constant 0 : i32
    %dma_wait3A_121 = tpu.memref_slice %arg6[%dma_wait3A_120] : memref<10000xf32, #tpu.memory_space<vmem_shared>> -> memref<10000xf32, #tpu.memory_space<vmem_shared>>
    tpu.wait_indirect_dma semaphore(%arg15 : memref<!tpu.dma_semaphore, #tpu.memory_space<semaphore_mem>>) src(%arg14 : memref<128xf32, #tpu.memory_space<vmem>>) dst(%dma_wait3A_121 : memref<10000xf32, #tpu.memory_space<vmem_shared>>)
    %dma_wait3A_122 = arith.constant 77 : i32
    %dma_wait3A_123 = arith.constant 0 : i32
    %dma_wait3A_124 = tpu.memref_slice %arg11[%dma_wait3A_122, %dma_wait3A_123] : memref<79x128xi32, #tpu.memory_space<vmem>> -> memref<1x128xi32, #tpu.memory_space<vmem>>
    %dma_wait3A_125 = tpu.memref_squeeze %dma_wait3A_124 : memref<1x128xi32, #tpu.memory_space<vmem>> -> memref<128xi32, #tpu.memory_space<vmem>>
    %dma_wait3A_126 = arith.constant 0 : i32
    %dma_wait3A_127 = tpu.memref_slice %arg7[%dma_wait3A_126] : memref<10000xf32, #tpu.memory_space<vmem_shared>> -> memref<10000xf32, #tpu.memory_space<vmem_shared>>
    tpu.wait_indirect_dma semaphore(%arg16 : memref<!tpu.dma_semaphore, #tpu.memory_space<semaphore_mem>>) src(%arg14 : memref<128xf32, #tpu.memory_space<vmem>>) dst(%dma_wait3A_127 : memref<10000xf32, #tpu.memory_space<vmem_shared>>)
    %dma_wait3A_128 = arith.constant 77 : i32
    %dma_wait3A_129 = arith.constant 0 : i32
    %dma_wait3A_130 = tpu.memref_slice %arg12[%dma_wait3A_128, %dma_wait3A_129] : memref<79x128xi32, #tpu.memory_space<vmem>> -> memref<1x128xi32, #tpu.memory_space<vmem>>
    %dma_wait3A_131 = tpu.memref_squeeze %dma_wait3A_130 : memref<1x128xi32, #tpu.memory_space<vmem>> -> memref<128xi32, #tpu.memory_space<vmem>>
    %dma_wait3A_132 = arith.constant 0 : i32
    %dma_wait3A_133 = tpu.memref_slice %arg8[%dma_wait3A_132] : memref<10000xf32, #tpu.memory_space<vmem_shared>> -> memref<10000xf32, #tpu.memory_space<vmem_shared>>
    tpu.wait_indirect_dma semaphore(%arg17 : memref<!tpu.dma_semaphore, #tpu.memory_space<semaphore_mem>>) src(%arg14 : memref<128xf32, #tpu.memory_space<vmem>>) dst(%dma_wait3A_133 : memref<10000xf32, #tpu.memory_space<vmem_shared>>)
    %dma_wait3A_134 = arith.constant 77 : i32
    %dma_wait3A_135 = arith.constant 0 : i32
    %dma_wait3A_136 = tpu.memref_slice %arg13[%dma_wait3A_134, %dma_wait3A_135] : memref<79x128xi32, #tpu.memory_space<vmem>> -> memref<1x128xi32, #tpu.memory_space<vmem>>
    %dma_wait3A_137 = tpu.memref_squeeze %dma_wait3A_136 : memref<1x128xi32, #tpu.memory_space<vmem>> -> memref<128xi32, #tpu.memory_space<vmem>>
    %dma_wait3A_138 = arith.constant 0 : i32
    %dma_wait3A_139 = tpu.memref_slice %arg9[%dma_wait3A_138] : memref<10000xf32, #tpu.memory_space<vmem_shared>> -> memref<10000xf32, #tpu.memory_space<vmem_shared>>
    tpu.wait_indirect_dma semaphore(%arg18 : memref<!tpu.dma_semaphore, #tpu.memory_space<semaphore_mem>>) src(%arg14 : memref<128xf32, #tpu.memory_space<vmem>>) dst(%dma_wait3A_139 : memref<10000xf32, #tpu.memory_space<vmem_shared>>)
    %convert_element_type3A_140 = arith.extui %lt3A_5 : i1 to i32
    %cond3A_141 = arith.constant 0 : i32
    %cond3A_142 = arith.cmpi ne, %convert_element_type3A_140, %cond3A_141 : i32
    scf.if %cond3A_142 {
      %dma_start3A_149 = arith.constant 78 : i32
      %dma_start3A_150 = arith.constant 0 : i32
      %dma_start3A_151 = tpu.memref_slice %arg10[%dma_start3A_149, %dma_start3A_150] : memref<79x128xi32, #tpu.memory_space<vmem>> -> memref<1x128xi32, #tpu.memory_space<vmem>>
      %dma_start3A_152 = tpu.memref_squeeze %dma_start3A_151 : memref<1x128xi32, #tpu.memory_space<vmem>> -> memref<128xi32, #tpu.memory_space<vmem>>
      %dma_start3A_153 = arith.constant 0 : i32
      %dma_start3A_154 = tpu.memref_slice %arg6[%dma_start3A_153] : memref<10000xf32, #tpu.memory_space<vmem_shared>> -> memref<10000xf32, #tpu.memory_space<vmem_shared>>
      tpu.enqueue_indirect_dma source(%arg14 : memref<128xf32, #tpu.memory_space<vmem>>) target(%dma_start3A_154 : memref<10000xf32, #tpu.memory_space<vmem_shared>>) offsets(%dma_start3A_152 : memref<128xi32, #tpu.memory_space<vmem>>) semaphore(%arg15 : memref<!tpu.dma_semaphore, #tpu.memory_space<semaphore_mem>>) {add = true}
      %dma_start3A_155 = arith.constant 78 : i32
      %dma_start3A_156 = arith.constant 0 : i32
      %dma_start3A_157 = tpu.memref_slice %arg11[%dma_start3A_155, %dma_start3A_156] : memref<79x128xi32, #tpu.memory_space<vmem>> -> memref<1x128xi32, #tpu.memory_space<vmem>>
      %dma_start3A_158 = tpu.memref_squeeze %dma_start3A_157 : memref<1x128xi32, #tpu.memory_space<vmem>> -> memref<128xi32, #tpu.memory_space<vmem>>
      %dma_start3A_159 = arith.constant 0 : i32
      %dma_start3A_160 = tpu.memref_slice %arg7[%dma_start3A_159] : memref<10000xf32, #tpu.memory_space<vmem_shared>> -> memref<10000xf32, #tpu.memory_space<vmem_shared>>
      tpu.enqueue_indirect_dma source(%arg14 : memref<128xf32, #tpu.memory_space<vmem>>) target(%dma_start3A_160 : memref<10000xf32, #tpu.memory_space<vmem_shared>>) offsets(%dma_start3A_158 : memref<128xi32, #tpu.memory_space<vmem>>) semaphore(%arg16 : memref<!tpu.dma_semaphore, #tpu.memory_space<semaphore_mem>>) {add = true}
      %dma_start3A_161 = arith.constant 78 : i32
      %dma_start3A_162 = arith.constant 0 : i32
      %dma_start3A_163 = tpu.memref_slice %arg12[%dma_start3A_161, %dma_start3A_162] : memref<79x128xi32, #tpu.memory_space<vmem>> -> memref<1x128xi32, #tpu.memory_space<vmem>>
      %dma_start3A_164 = tpu.memref_squeeze %dma_start3A_163 : memref<1x128xi32, #tpu.memory_space<vmem>> -> memref<128xi32, #tpu.memory_space<vmem>>
      %dma_start3A_165 = arith.constant 0 : i32
      %dma_start3A_166 = tpu.memref_slice %arg8[%dma_start3A_165] : memref<10000xf32, #tpu.memory_space<vmem_shared>> -> memref<10000xf32, #tpu.memory_space<vmem_shared>>
      tpu.enqueue_indirect_dma source(%arg14 : memref<128xf32, #tpu.memory_space<vmem>>) target(%dma_start3A_166 : memref<10000xf32, #tpu.memory_space<vmem_shared>>) offsets(%dma_start3A_164 : memref<128xi32, #tpu.memory_space<vmem>>) semaphore(%arg17 : memref<!tpu.dma_semaphore, #tpu.memory_space<semaphore_mem>>) {add = true}
      %dma_start3A_167 = arith.constant 78 : i32
      %dma_start3A_168 = arith.constant 0 : i32
      %dma_start3A_169 = tpu.memref_slice %arg13[%dma_start3A_167, %dma_start3A_168] : memref<79x128xi32, #tpu.memory_space<vmem>> -> memref<1x128xi32, #tpu.memory_space<vmem>>
      %dma_start3A_170 = tpu.memref_squeeze %dma_start3A_169 : memref<1x128xi32, #tpu.memory_space<vmem>> -> memref<128xi32, #tpu.memory_space<vmem>>
      %dma_start3A_171 = arith.constant 0 : i32
      %dma_start3A_172 = tpu.memref_slice %arg9[%dma_start3A_171] : memref<10000xf32, #tpu.memory_space<vmem_shared>> -> memref<10000xf32, #tpu.memory_space<vmem_shared>>
      tpu.enqueue_indirect_dma source(%arg14 : memref<128xf32, #tpu.memory_space<vmem>>) target(%dma_start3A_172 : memref<10000xf32, #tpu.memory_space<vmem_shared>>) offsets(%dma_start3A_170 : memref<128xi32, #tpu.memory_space<vmem>>) semaphore(%arg18 : memref<!tpu.dma_semaphore, #tpu.memory_space<semaphore_mem>>) {add = true}
      %dma_wait3A_173 = arith.constant 78 : i32
      %dma_wait3A_174 = arith.constant 0 : i32
      %dma_wait3A_175 = tpu.memref_slice %arg10[%dma_wait3A_173, %dma_wait3A_174] : memref<79x128xi32, #tpu.memory_space<vmem>> -> memref<1x128xi32, #tpu.memory_space<vmem>>
      %dma_wait3A_176 = tpu.memref_squeeze %dma_wait3A_175 : memref<1x128xi32, #tpu.memory_space<vmem>> -> memref<128xi32, #tpu.memory_space<vmem>>
      %dma_wait3A_177 = arith.constant 0 : i32
      %dma_wait3A_178 = tpu.memref_slice %arg6[%dma_wait3A_177] : memref<10000xf32, #tpu.memory_space<vmem_shared>> -> memref<10000xf32, #tpu.memory_space<vmem_shared>>
      tpu.wait_indirect_dma semaphore(%arg15 : memref<!tpu.dma_semaphore, #tpu.memory_space<semaphore_mem>>) src(%arg14 : memref<128xf32, #tpu.memory_space<vmem>>) dst(%dma_wait3A_178 : memref<10000xf32, #tpu.memory_space<vmem_shared>>)
      %dma_wait3A_179 = arith.constant 78 : i32
      %dma_wait3A_180 = arith.constant 0 : i32
      %dma_wait3A_181 = tpu.memref_slice %arg11[%dma_wait3A_179, %dma_wait3A_180] : memref<79x128xi32, #tpu.memory_space<vmem>> -> memref<1x128xi32, #tpu.memory_space<vmem>>
      %dma_wait3A_182 = tpu.memref_squeeze %dma_wait3A_181 : memref<1x128xi32, #tpu.memory_space<vmem>> -> memref<128xi32, #tpu.memory_space<vmem>>
      %dma_wait3A_183 = arith.constant 0 : i32
      %dma_wait3A_184 = tpu.memref_slice %arg7[%dma_wait3A_183] : memref<10000xf32, #tpu.memory_space<vmem_shared>> -> memref<10000xf32, #tpu.memory_space<vmem_shared>>
      tpu.wait_indirect_dma semaphore(%arg16 : memref<!tpu.dma_semaphore, #tpu.memory_space<semaphore_mem>>) src(%arg14 : memref<128xf32, #tpu.memory_space<vmem>>) dst(%dma_wait3A_184 : memref<10000xf32, #tpu.memory_space<vmem_shared>>)
      %dma_wait3A_185 = arith.constant 78 : i32
      %dma_wait3A_186 = arith.constant 0 : i32
      %dma_wait3A_187 = tpu.memref_slice %arg12[%dma_wait3A_185, %dma_wait3A_186] : memref<79x128xi32, #tpu.memory_space<vmem>> -> memref<1x128xi32, #tpu.memory_space<vmem>>
      %dma_wait3A_188 = tpu.memref_squeeze %dma_wait3A_187 : memref<1x128xi32, #tpu.memory_space<vmem>> -> memref<128xi32, #tpu.memory_space<vmem>>
      %dma_wait3A_189 = arith.constant 0 : i32
      %dma_wait3A_190 = tpu.memref_slice %arg8[%dma_wait3A_189] : memref<10000xf32, #tpu.memory_space<vmem_shared>> -> memref<10000xf32, #tpu.memory_space<vmem_shared>>
      tpu.wait_indirect_dma semaphore(%arg17 : memref<!tpu.dma_semaphore, #tpu.memory_space<semaphore_mem>>) src(%arg14 : memref<128xf32, #tpu.memory_space<vmem>>) dst(%dma_wait3A_190 : memref<10000xf32, #tpu.memory_space<vmem_shared>>)
      %dma_wait3A_191 = arith.constant 78 : i32
      %dma_wait3A_192 = arith.constant 0 : i32
      %dma_wait3A_193 = tpu.memref_slice %arg13[%dma_wait3A_191, %dma_wait3A_192] : memref<79x128xi32, #tpu.memory_space<vmem>> -> memref<1x128xi32, #tpu.memory_space<vmem>>
      %dma_wait3A_194 = tpu.memref_squeeze %dma_wait3A_193 : memref<1x128xi32, #tpu.memory_space<vmem>> -> memref<128xi32, #tpu.memory_space<vmem>>
      %dma_wait3A_195 = arith.constant 0 : i32
      %dma_wait3A_196 = tpu.memref_slice %arg9[%dma_wait3A_195] : memref<10000xf32, #tpu.memory_space<vmem_shared>> -> memref<10000xf32, #tpu.memory_space<vmem_shared>>
      tpu.wait_indirect_dma semaphore(%arg18 : memref<!tpu.dma_semaphore, #tpu.memory_space<semaphore_mem>>) src(%arg14 : memref<128xf32, #tpu.memory_space<vmem>>) dst(%dma_wait3A_196 : memref<10000xf32, #tpu.memory_space<vmem_shared>>)
    } else {
    }
    %barrier3A_143 = arith.constant 0 : index
    tpu.barrier barrier_id(%barrier3A_143)
    %lt3A_144 = arith.constant 10 : i32
    %lt3A_145 = arith.cmpi slt, %arg1, %lt3A_144 : i32
    %convert_element_type3A_146 = arith.extui %lt3A_145 : i1 to i32
    %cond3A_147 = arith.constant 0 : i32
    %cond3A_148 = arith.cmpi ne, %convert_element_type3A_146, %cond3A_147 : i32
    scf.if %cond3A_148 {
      %mul3A_149 = arith.constant 1000 : i32
      %mul3A_150 = arith.muli %arg1, %mul3A_149 : i32
      %multiple_of3A = tpu.assume_multiple %mul3A_150, 8 : i32
      %run_scoped3A_151 = arith.constant 0 : i32
      "tpu.region"() ({
        %run_scoped3A_155 = tpu.sem_alloc : memref<!tpu.dma_semaphore, #tpu.memory_space<semaphore_mem>>
        %dma_start3A_156 = tpu.memref_slice %arg5[%arg0, %run_scoped3A_151, %multiple_of3A] : memref<2x4x10000xf32, #tpu.memory_space<hbm>> -> memref<1x1x1000xf32, #tpu.memory_space<hbm>>
        %dma_start3A_157 = tpu.memref_squeeze %dma_start3A_156 : memref<1x1x1000xf32, #tpu.memory_space<hbm>> -> memref<1000xf32, #tpu.memory_space<hbm>>
        %dma_start3A_158 = tpu.memref_slice %arg6[%multiple_of3A] : memref<10000xf32, #tpu.memory_space<vmem_shared>> -> memref<1000xf32, #tpu.memory_space<vmem_shared>>
        tpu.enqueue_dma source(%dma_start3A_158 : memref<1000xf32, #tpu.memory_space<vmem_shared>>) target(%dma_start3A_157 : memref<1000xf32, #tpu.memory_space<hbm>>) target_semaphore(%run_scoped3A_155 : memref<!tpu.dma_semaphore, #tpu.memory_space<semaphore_mem>>)
        %dma_wait3A_159 = tpu.memref_slice %arg5[%arg0, %run_scoped3A_151, %multiple_of3A] : memref<2x4x10000xf32, #tpu.memory_space<hbm>> -> memref<1x1x1000xf32, #tpu.memory_space<hbm>>
        %dma_wait3A_160 = tpu.memref_squeeze %dma_wait3A_159 : memref<1x1x1000xf32, #tpu.memory_space<hbm>> -> memref<1000xf32, #tpu.memory_space<hbm>>
        %dma_wait3A_161 = tpu.memref_slice %arg6[%multiple_of3A] : memref<10000xf32, #tpu.memory_space<vmem_shared>> -> memref<1000xf32, #tpu.memory_space<vmem_shared>>
        tpu.wait_dma2 semaphore(%run_scoped3A_155 : memref<!tpu.dma_semaphore, #tpu.memory_space<semaphore_mem>>) src(%dma_wait3A_161 : memref<1000xf32, #tpu.memory_space<vmem_shared>>) dst(%dma_wait3A_160 : memref<1000xf32, #tpu.memory_space<hbm>>)
        tpu.yield
      }) : () -> ()
      %run_scoped3A_152 = arith.constant 1 : i32
      "tpu.region"() ({
        %run_scoped3A_155 = tpu.sem_alloc : memref<!tpu.dma_semaphore, #tpu.memory_space<semaphore_mem>>
        %dma_start3A_156 = tpu.memref_slice %arg5[%arg0, %run_scoped3A_152, %multiple_of3A] : memref<2x4x10000xf32, #tpu.memory_space<hbm>> -> memref<1x1x1000xf32, #tpu.memory_space<hbm>>
        %dma_start3A_157 = tpu.memref_squeeze %dma_start3A_156 : memref<1x1x1000xf32, #tpu.memory_space<hbm>> -> memref<1000xf32, #tpu.memory_space<hbm>>
        %dma_start3A_158 = tpu.memref_slice %arg7[%multiple_of3A] : memref<10000xf32, #tpu.memory_space<vmem_shared>> -> memref<1000xf32, #tpu.memory_space<vmem_shared>>
        tpu.enqueue_dma source(%dma_start3A_158 : memref<1000xf32, #tpu.memory_space<vmem_shared>>) target(%dma_start3A_157 : memref<1000xf32, #tpu.memory_space<hbm>>) target_semaphore(%run_scoped3A_155 : memref<!tpu.dma_semaphore, #tpu.memory_space<semaphore_mem>>)
        %dma_wait3A_159 = tpu.memref_slice %arg5[%arg0, %run_scoped3A_152, %multiple_of3A] : memref<2x4x10000xf32, #tpu.memory_space<hbm>> -> memref<1x1x1000xf32, #tpu.memory_space<hbm>>
        %dma_wait3A_160 = tpu.memref_squeeze %dma_wait3A_159 : memref<1x1x1000xf32, #tpu.memory_space<hbm>> -> memref<1000xf32, #tpu.memory_space<hbm>>
        %dma_wait3A_161 = tpu.memref_slice %arg7[%multiple_of3A] : memref<10000xf32, #tpu.memory_space<vmem_shared>> -> memref<1000xf32, #tpu.memory_space<vmem_shared>>
        tpu.wait_dma2 semaphore(%run_scoped3A_155 : memref<!tpu.dma_semaphore, #tpu.memory_space<semaphore_mem>>) src(%dma_wait3A_161 : memref<1000xf32, #tpu.memory_space<vmem_shared>>) dst(%dma_wait3A_160 : memref<1000xf32, #tpu.memory_space<hbm>>)
        tpu.yield
      }) : () -> ()
      %run_scoped3A_153 = arith.constant 2 : i32
      "tpu.region"() ({
        %run_scoped3A_155 = tpu.sem_alloc : memref<!tpu.dma_semaphore, #tpu.memory_space<semaphore_mem>>
        %dma_start3A_156 = tpu.memref_slice %arg5[%arg0, %run_scoped3A_153, %multiple_of3A] : memref<2x4x10000xf32, #tpu.memory_space<hbm>> -> memref<1x1x1000xf32, #tpu.memory_space<hbm>>
        %dma_start3A_157 = tpu.memref_squeeze %dma_start3A_156 : memref<1x1x1000xf32, #tpu.memory_space<hbm>> -> memref<1000xf32, #tpu.memory_space<hbm>>
        %dma_start3A_158 = tpu.memref_slice %arg8[%multiple_of3A] : memref<10000xf32, #tpu.memory_space<vmem_shared>> -> memref<1000xf32, #tpu.memory_space<vmem_shared>>
        tpu.enqueue_dma source(%dma_start3A_158 : memref<1000xf32, #tpu.memory_space<vmem_shared>>) target(%dma_start3A_157 : memref<1000xf32, #tpu.memory_space<hbm>>) target_semaphore(%run_scoped3A_155 : memref<!tpu.dma_semaphore, #tpu.memory_space<semaphore_mem>>)
        %dma_wait3A_159 = tpu.memref_slice %arg5[%arg0, %run_scoped3A_153, %multiple_of3A] : memref<2x4x10000xf32, #tpu.memory_space<hbm>> -> memref<1x1x1000xf32, #tpu.memory_space<hbm>>
        %dma_wait3A_160 = tpu.memref_squeeze %dma_wait3A_159 : memref<1x1x1000xf32, #tpu.memory_space<hbm>> -> memref<1000xf32, #tpu.memory_space<hbm>>
        %dma_wait3A_161 = tpu.memref_slice %arg8[%multiple_of3A] : memref<10000xf32, #tpu.memory_space<vmem_shared>> -> memref<1000xf32, #tpu.memory_space<vmem_shared>>
        tpu.wait_dma2 semaphore(%run_scoped3A_155 : memref<!tpu.dma_semaphore, #tpu.memory_space<semaphore_mem>>) src(%dma_wait3A_161 : memref<1000xf32, #tpu.memory_space<vmem_shared>>) dst(%dma_wait3A_160 : memref<1000xf32, #tpu.memory_space<hbm>>)
        tpu.yield
      }) : () -> ()
      %run_scoped3A_154 = arith.constant 3 : i32
      "tpu.region"() ({
        %run_scoped3A_155 = tpu.sem_alloc : memref<!tpu.dma_semaphore, #tpu.memory_space<semaphore_mem>>
        %dma_start3A_156 = tpu.memref_slice %arg5[%arg0, %run_scoped3A_154, %multiple_of3A] : memref<2x4x10000xf32, #tpu.memory_space<hbm>> -> memref<1x1x1000xf32, #tpu.memory_space<hbm>>
        %dma_start3A_157 = tpu.memref_squeeze %dma_start3A_156 : memref<1x1x1000xf32, #tpu.memory_space<hbm>> -> memref<1000xf32, #tpu.memory_space<hbm>>
        %dma_start3A_158 = tpu.memref_slice %arg9[%multiple_of3A] : memref<10000xf32, #tpu.memory_space<vmem_shared>> -> memref<1000xf32, #tpu.memory_space<vmem_shared>>
        tpu.enqueue_dma source(%dma_start3A_158 : memref<1000xf32, #tpu.memory_space<vmem_shared>>) target(%dma_start3A_157 : memref<1000xf32, #tpu.memory_space<hbm>>) target_semaphore(%run_scoped3A_155 : memref<!tpu.dma_semaphore, #tpu.memory_space<semaphore_mem>>)
        %dma_wait3A_159 = tpu.memref_slice %arg5[%arg0, %run_scoped3A_154, %multiple_of3A] : memref<2x4x10000xf32, #tpu.memory_space<hbm>> -> memref<1x1x1000xf32, #tpu.memory_space<hbm>>
        %dma_wait3A_160 = tpu.memref_squeeze %dma_wait3A_159 : memref<1x1x1000xf32, #tpu.memory_space<hbm>> -> memref<1000xf32, #tpu.memory_space<hbm>>
        %dma_wait3A_161 = tpu.memref_slice %arg9[%multiple_of3A] : memref<10000xf32, #tpu.memory_space<vmem_shared>> -> memref<1000xf32, #tpu.memory_space<vmem_shared>>
        tpu.wait_dma2 semaphore(%run_scoped3A_155 : memref<!tpu.dma_semaphore, #tpu.memory_space<semaphore_mem>>) src(%dma_wait3A_161 : memref<1000xf32, #tpu.memory_space<vmem_shared>>) dst(%dma_wait3A_160 : memref<1000xf32, #tpu.memory_space<hbm>>)
        tpu.yield
      }) : () -> ()
    } else {
    }
    return
  }
}

#map = affine_map<(d0, d1) -> (0, 0)>
#map1 = affine_map<(d0, d1) -> (0, 0, 0)>
module attributes {stable_mosaic.version = 14 : i64} {
  func.func @k(%arg0: i32, %arg1: i32, %arg2: memref<10000x64xf32, #tpu.memory_space<hbm>>, %arg3: memref<2x2500x128xi32, #tpu.memory_space<hbm>>, %arg4: memref<10000x64xf32, #tpu.memory_space<hbm>>, %arg5: memref<2x10000x64xf32, #tpu.memory_space<hbm>>, %arg6: memref<10000x64xf32, #tpu.memory_space<vmem_shared>>, %arg7: memref<10000x64xf32, #tpu.memory_space<vmem_shared>>, %arg8: memref<79x128xi32, #tpu.memory_space<vmem>>, %arg9: memref<79x128xi32, #tpu.memory_space<vmem>>, %arg10: memref<128x64xf32, #tpu.memory_space<vmem>>, %arg11: memref<128x64xf32, #tpu.memory_space<vmem>>, %arg12: memref<!tpu.dma_semaphore, #tpu.memory_space<semaphore_mem>>, %arg13: memref<!tpu.dma_semaphore, #tpu.memory_space<semaphore_mem>>, %arg14: memref<!tpu.dma_semaphore, #tpu.memory_space<semaphore_mem>>, %arg15: memref<!tpu.dma_semaphore, #tpu.memory_space<semaphore_mem>>) attributes {dimension_semantics = [#tpu.dimension_semantics<core_parallel>, #tpu.dimension_semantics<subcore_parallel>], iteration_bounds = array<i64: 2, 16>, scalar_prefetch = 0 : i64, scratch_operands = 10 : i64, tpu.core_type = #tpu.core_type<sc_vector_subcore>, window_params = [{transform_indices = #map}, {transform_indices = #map1}, {transform_indices = #map}, {transform_indices = #map1}]} {
    %mul3A = arith.constant 16 : i32
    %mul3A_0 = arith.muli %arg0, %mul3A : i32
    %add3A = arith.addi %mul3A_0, %arg1 : i32
    %mul3A_1 = arith.constant 78 : i32
    %mul3A_2 = arith.muli %add3A, %mul3A_1 : i32
    %min3A = arith.constant 4 : i32
    %min3A_3 = arith.minsi %add3A, %min3A : i32
    %add3A_4 = arith.addi %mul3A_2, %min3A_3 : i32
    %lt3A = arith.constant 4 : i32
    %lt3A_5 = arith.cmpi slt, %add3A, %lt3A : i32
    %convert_element_type3A = arith.extui %lt3A_5 : i1 to i32
    %add3A_6 = arith.constant 78 : i32
    %add3A_7 = arith.addi %add3A_6, %convert_element_type3A : i32
    %eq3A = arith.constant 0 : i32
    %eq3A_8 = arith.cmpi eq, %arg1, %eq3A : i32
    %convert_element_type3A_9 = arith.extui %eq3A_8 : i1 to i32
    %cond3A = arith.constant 0 : i32
    %cond3A_10 = arith.cmpi ne, %convert_element_type3A_9, %cond3A : i32
    scf.if %cond3A_10 {
      "tpu.region"() ({
        %run_scoped3A_78 = tpu.sem_alloc : memref<!tpu.dma_semaphore, #tpu.memory_space<semaphore_mem>>
        %dma_start3A_79 = arith.constant 0 : i32
        %dma_start3A_80 = arith.constant 0 : i32
        %dma_start3A_81 = tpu.memref_slice %arg6[%dma_start3A_79, %dma_start3A_80] : memref<10000x64xf32, #tpu.memory_space<vmem_shared>> -> memref<2500x64xf32, #tpu.memory_space<vmem_shared>>
        %dma_start3A_82 = arith.constant 0 : i32
        %dma_start3A_83 = arith.constant 0 : i32
        %dma_start3A_84 = tpu.memref_slice %arg4[%dma_start3A_82, %dma_start3A_83] : memref<10000x64xf32, #tpu.memory_space<hbm>> -> memref<2500x64xf32, #tpu.memory_space<hbm>>
        tpu.enqueue_dma source(%dma_start3A_84 : memref<2500x64xf32, #tpu.memory_space<hbm>>) target(%dma_start3A_81 : memref<2500x64xf32, #tpu.memory_space<vmem_shared>>) target_semaphore(%run_scoped3A_78 : memref<!tpu.dma_semaphore, #tpu.memory_space<semaphore_mem>>)
        %dma_wait3A_85 = arith.constant 0 : i32
        %dma_wait3A_86 = arith.constant 0 : i32
        %dma_wait3A_87 = tpu.memref_slice %arg6[%dma_wait3A_85, %dma_wait3A_86] : memref<10000x64xf32, #tpu.memory_space<vmem_shared>> -> memref<2500x64xf32, #tpu.memory_space<vmem_shared>>
        %dma_wait3A_88 = arith.constant 0 : i32
        %dma_wait3A_89 = arith.constant 0 : i32
        %dma_wait3A_90 = tpu.memref_slice %arg4[%dma_wait3A_88, %dma_wait3A_89] : memref<10000x64xf32, #tpu.memory_space<hbm>> -> memref<2500x64xf32, #tpu.memory_space<hbm>>
        tpu.wait_dma2 semaphore(%run_scoped3A_78 : memref<!tpu.dma_semaphore, #tpu.memory_space<semaphore_mem>>) src(%dma_wait3A_90 : memref<2500x64xf32, #tpu.memory_space<hbm>>) dst(%dma_wait3A_87 : memref<2500x64xf32, #tpu.memory_space<vmem_shared>>)
        tpu.yield
      }) : () -> ()
    } else {
    }
    %eq3A_11 = arith.constant 1 : i32
    %eq3A_12 = arith.cmpi eq, %arg1, %eq3A_11 : i32
    %convert_element_type3A_13 = arith.extui %eq3A_12 : i1 to i32
    %cond3A_14 = arith.constant 0 : i32
    %cond3A_15 = arith.cmpi ne, %convert_element_type3A_13, %cond3A_14 : i32
    scf.if %cond3A_15 {
      "tpu.region"() ({
        %run_scoped3A_78 = tpu.sem_alloc : memref<!tpu.dma_semaphore, #tpu.memory_space<semaphore_mem>>
        %dma_start3A_79 = arith.constant 2500 : i32
        %dma_start3A_80 = arith.constant 0 : i32
        %dma_start3A_81 = tpu.memref_slice %arg6[%dma_start3A_79, %dma_start3A_80] : memref<10000x64xf32, #tpu.memory_space<vmem_shared>> -> memref<2500x64xf32, #tpu.memory_space<vmem_shared>>
        %dma_start3A_82 = arith.constant 2500 : i32
        %dma_start3A_83 = arith.constant 0 : i32
        %dma_start3A_84 = tpu.memref_slice %arg4[%dma_start3A_82, %dma_start3A_83] : memref<10000x64xf32, #tpu.memory_space<hbm>> -> memref<2500x64xf32, #tpu.memory_space<hbm>>
        tpu.enqueue_dma source(%dma_start3A_84 : memref<2500x64xf32, #tpu.memory_space<hbm>>) target(%dma_start3A_81 : memref<2500x64xf32, #tpu.memory_space<vmem_shared>>) target_semaphore(%run_scoped3A_78 : memref<!tpu.dma_semaphore, #tpu.memory_space<semaphore_mem>>)
        %dma_wait3A_85 = arith.constant 2500 : i32
        %dma_wait3A_86 = arith.constant 0 : i32
        %dma_wait3A_87 = tpu.memref_slice %arg6[%dma_wait3A_85, %dma_wait3A_86] : memref<10000x64xf32, #tpu.memory_space<vmem_shared>> -> memref<2500x64xf32, #tpu.memory_space<vmem_shared>>
        %dma_wait3A_88 = arith.constant 2500 : i32
        %dma_wait3A_89 = arith.constant 0 : i32
        %dma_wait3A_90 = tpu.memref_slice %arg4[%dma_wait3A_88, %dma_wait3A_89] : memref<10000x64xf32, #tpu.memory_space<hbm>> -> memref<2500x64xf32, #tpu.memory_space<hbm>>
        tpu.wait_dma2 semaphore(%run_scoped3A_78 : memref<!tpu.dma_semaphore, #tpu.memory_space<semaphore_mem>>) src(%dma_wait3A_90 : memref<2500x64xf32, #tpu.memory_space<hbm>>) dst(%dma_wait3A_87 : memref<2500x64xf32, #tpu.memory_space<vmem_shared>>)
        tpu.yield
      }) : () -> ()
    } else {
    }
    %eq3A_16 = arith.constant 2 : i32
    %eq3A_17 = arith.cmpi eq, %arg1, %eq3A_16 : i32
    %convert_element_type3A_18 = arith.extui %eq3A_17 : i1 to i32
    %cond3A_19 = arith.constant 0 : i32
    %cond3A_20 = arith.cmpi ne, %convert_element_type3A_18, %cond3A_19 : i32
    scf.if %cond3A_20 {
      "tpu.region"() ({
        %run_scoped3A_78 = tpu.sem_alloc : memref<!tpu.dma_semaphore, #tpu.memory_space<semaphore_mem>>
        %dma_start3A_79 = arith.constant 5000 : i32
        %dma_start3A_80 = arith.constant 0 : i32
        %dma_start3A_81 = tpu.memref_slice %arg6[%dma_start3A_79, %dma_start3A_80] : memref<10000x64xf32, #tpu.memory_space<vmem_shared>> -> memref<2500x64xf32, #tpu.memory_space<vmem_shared>>
        %dma_start3A_82 = arith.constant 5000 : i32
        %dma_start3A_83 = arith.constant 0 : i32
        %dma_start3A_84 = tpu.memref_slice %arg4[%dma_start3A_82, %dma_start3A_83] : memref<10000x64xf32, #tpu.memory_space<hbm>> -> memref<2500x64xf32, #tpu.memory_space<hbm>>
        tpu.enqueue_dma source(%dma_start3A_84 : memref<2500x64xf32, #tpu.memory_space<hbm>>) target(%dma_start3A_81 : memref<2500x64xf32, #tpu.memory_space<vmem_shared>>) target_semaphore(%run_scoped3A_78 : memref<!tpu.dma_semaphore, #tpu.memory_space<semaphore_mem>>)
        %dma_wait3A_85 = arith.constant 5000 : i32
        %dma_wait3A_86 = arith.constant 0 : i32
        %dma_wait3A_87 = tpu.memref_slice %arg6[%dma_wait3A_85, %dma_wait3A_86] : memref<10000x64xf32, #tpu.memory_space<vmem_shared>> -> memref<2500x64xf32, #tpu.memory_space<vmem_shared>>
        %dma_wait3A_88 = arith.constant 5000 : i32
        %dma_wait3A_89 = arith.constant 0 : i32
        %dma_wait3A_90 = tpu.memref_slice %arg4[%dma_wait3A_88, %dma_wait3A_89] : memref<10000x64xf32, #tpu.memory_space<hbm>> -> memref<2500x64xf32, #tpu.memory_space<hbm>>
        tpu.wait_dma2 semaphore(%run_scoped3A_78 : memref<!tpu.dma_semaphore, #tpu.memory_space<semaphore_mem>>) src(%dma_wait3A_90 : memref<2500x64xf32, #tpu.memory_space<hbm>>) dst(%dma_wait3A_87 : memref<2500x64xf32, #tpu.memory_space<vmem_shared>>)
        tpu.yield
      }) : () -> ()
    } else {
    }
    %eq3A_21 = arith.constant 3 : i32
    %eq3A_22 = arith.cmpi eq, %arg1, %eq3A_21 : i32
    %convert_element_type3A_23 = arith.extui %eq3A_22 : i1 to i32
    %cond3A_24 = arith.constant 0 : i32
    %cond3A_25 = arith.cmpi ne, %convert_element_type3A_23, %cond3A_24 : i32
    scf.if %cond3A_25 {
      "tpu.region"() ({
        %run_scoped3A_78 = tpu.sem_alloc : memref<!tpu.dma_semaphore, #tpu.memory_space<semaphore_mem>>
        %dma_start3A_79 = arith.constant 7500 : i32
        %dma_start3A_80 = arith.constant 0 : i32
        %dma_start3A_81 = tpu.memref_slice %arg6[%dma_start3A_79, %dma_start3A_80] : memref<10000x64xf32, #tpu.memory_space<vmem_shared>> -> memref<2500x64xf32, #tpu.memory_space<vmem_shared>>
        %dma_start3A_82 = arith.constant 7500 : i32
        %dma_start3A_83 = arith.constant 0 : i32
        %dma_start3A_84 = tpu.memref_slice %arg4[%dma_start3A_82, %dma_start3A_83] : memref<10000x64xf32, #tpu.memory_space<hbm>> -> memref<2500x64xf32, #tpu.memory_space<hbm>>
        tpu.enqueue_dma source(%dma_start3A_84 : memref<2500x64xf32, #tpu.memory_space<hbm>>) target(%dma_start3A_81 : memref<2500x64xf32, #tpu.memory_space<vmem_shared>>) target_semaphore(%run_scoped3A_78 : memref<!tpu.dma_semaphore, #tpu.memory_space<semaphore_mem>>)
        %dma_wait3A_85 = arith.constant 7500 : i32
        %dma_wait3A_86 = arith.constant 0 : i32
        %dma_wait3A_87 = tpu.memref_slice %arg6[%dma_wait3A_85, %dma_wait3A_86] : memref<10000x64xf32, #tpu.memory_space<vmem_shared>> -> memref<2500x64xf32, #tpu.memory_space<vmem_shared>>
        %dma_wait3A_88 = arith.constant 7500 : i32
        %dma_wait3A_89 = arith.constant 0 : i32
        %dma_wait3A_90 = tpu.memref_slice %arg4[%dma_wait3A_88, %dma_wait3A_89] : memref<10000x64xf32, #tpu.memory_space<hbm>> -> memref<2500x64xf32, #tpu.memory_space<hbm>>
        tpu.wait_dma2 semaphore(%run_scoped3A_78 : memref<!tpu.dma_semaphore, #tpu.memory_space<semaphore_mem>>) src(%dma_wait3A_90 : memref<2500x64xf32, #tpu.memory_space<hbm>>) dst(%dma_wait3A_87 : memref<2500x64xf32, #tpu.memory_space<vmem_shared>>)
        tpu.yield
      }) : () -> ()
    } else {
    }
    %lt3A_26 = arith.constant 10 : i32
    %lt3A_27 = arith.cmpi slt, %arg1, %lt3A_26 : i32
    %convert_element_type3A_28 = arith.extui %lt3A_27 : i1 to i32
    %cond3A_29 = arith.constant 0 : i32
    %cond3A_30 = arith.cmpi ne, %convert_element_type3A_28, %cond3A_29 : i32
    scf.if %cond3A_30 {
      %mul3A_78 = arith.constant 1000 : i32
      %mul3A_79 = arith.muli %arg1, %mul3A_78 : i32
      %multiple_of3A = tpu.assume_multiple %mul3A_79, 8 : i32
      "tpu.region"() ({
        %run_scoped3A_80 = tpu.sem_alloc : memref<!tpu.dma_semaphore, #tpu.memory_space<semaphore_mem>>
        %dma_start3A_81 = arith.constant 0 : i32
        %dma_start3A_82 = tpu.memref_slice %arg7[%multiple_of3A, %dma_start3A_81] : memref<10000x64xf32, #tpu.memory_space<vmem_shared>> -> memref<1000x64xf32, #tpu.memory_space<vmem_shared>>
        %dma_start3A_83 = arith.constant 0 : i32
        %dma_start3A_84 = tpu.memref_slice %arg2[%multiple_of3A, %dma_start3A_83] : memref<10000x64xf32, #tpu.memory_space<hbm>> -> memref<1000x64xf32, #tpu.memory_space<hbm>>
        tpu.enqueue_dma source(%dma_start3A_84 : memref<1000x64xf32, #tpu.memory_space<hbm>>) target(%dma_start3A_82 : memref<1000x64xf32, #tpu.memory_space<vmem_shared>>) target_semaphore(%run_scoped3A_80 : memref<!tpu.dma_semaphore, #tpu.memory_space<semaphore_mem>>)
        %dma_wait3A_85 = arith.constant 0 : i32
        %dma_wait3A_86 = tpu.memref_slice %arg7[%multiple_of3A, %dma_wait3A_85] : memref<10000x64xf32, #tpu.memory_space<vmem_shared>> -> memref<1000x64xf32, #tpu.memory_space<vmem_shared>>
        %dma_wait3A_87 = arith.constant 0 : i32
        %dma_wait3A_88 = tpu.memref_slice %arg2[%multiple_of3A, %dma_wait3A_87] : memref<10000x64xf32, #tpu.memory_space<hbm>> -> memref<1000x64xf32, #tpu.memory_space<hbm>>
        tpu.wait_dma2 semaphore(%run_scoped3A_80 : memref<!tpu.dma_semaphore, #tpu.memory_space<semaphore_mem>>) src(%dma_wait3A_88 : memref<1000x64xf32, #tpu.memory_space<hbm>>) dst(%dma_wait3A_86 : memref<1000x64xf32, #tpu.memory_space<vmem_shared>>)
        tpu.yield
      }) : () -> ()
    } else {
    }
    %run_scoped3A = arith.constant 0 : i32
    "tpu.region"() ({
      %run_scoped3A_78 = tpu.sem_alloc : memref<!tpu.dma_semaphore, #tpu.memory_space<semaphore_mem>>
      %dma_start3A_79 = arith.constant 0 : i32
      %dma_start3A_80 = arith.constant 0 : i32
      %dma_start3A_81 = tpu.memref_slice %arg8[%dma_start3A_79, %dma_start3A_80] : memref<79x128xi32, #tpu.memory_space<vmem>> -> memref<78x128xi32, #tpu.memory_space<vmem>>
      %dma_start3A_82 = arith.constant 0 : i32
      %dma_start3A_83 = arith.constant 0 : i32
      %dma_start3A_84 = tpu.memref_slice %arg3[%run_scoped3A, %dma_start3A_82, %dma_start3A_83] : memref<2x2500x128xi32, #tpu.memory_space<hbm>> -> memref<1x2500x128xi32, #tpu.memory_space<hbm>>
      %dma_start3A_85 = tpu.memref_squeeze %dma_start3A_84 : memref<1x2500x128xi32, #tpu.memory_space<hbm>> -> memref<2500x128xi32, #tpu.memory_space<hbm>>
      %dma_start3A_86 = arith.constant 0 : i32
      %dma_start3A_87 = tpu.memref_slice %dma_start3A_85[%add3A_4, %dma_start3A_86] : memref<2500x128xi32, #tpu.memory_space<hbm>> -> memref<78x128xi32, #tpu.memory_space<hbm>>
      %dma_start3A_88 = arith.constant 0 : i32
      %dma_start3A_89 = arith.constant 0 : i32
      %dma_start3A_90 = tpu.memref_slice %arg8[%dma_start3A_88, %dma_start3A_89] : memref<79x128xi32, #tpu.memory_space<vmem>> -> memref<78x128xi32, #tpu.memory_space<vmem>>
      %dma_start3A_91 = arith.constant 0 : i32
      %dma_start3A_92 = arith.constant 0 : i32
      %dma_start3A_93 = tpu.memref_slice %arg3[%run_scoped3A, %dma_start3A_91, %dma_start3A_92] : memref<2x2500x128xi32, #tpu.memory_space<hbm>> -> memref<1x2500x128xi32, #tpu.memory_space<hbm>>
      %dma_start3A_94 = tpu.memref_squeeze %dma_start3A_93 : memref<1x2500x128xi32, #tpu.memory_space<hbm>> -> memref<2500x128xi32, #tpu.memory_space<hbm>>
      %dma_start3A_95 = arith.constant 0 : i32
      %dma_start3A_96 = tpu.memref_slice %dma_start3A_94[%add3A_4, %dma_start3A_95] : memref<2500x128xi32, #tpu.memory_space<hbm>> -> memref<78x128xi32, #tpu.memory_space<hbm>>
      tpu.enqueue_dma source(%dma_start3A_96 : memref<78x128xi32, #tpu.memory_space<hbm>>) target(%dma_start3A_90 : memref<78x128xi32, #tpu.memory_space<vmem>>) target_semaphore(%run_scoped3A_78 : memref<!tpu.dma_semaphore, #tpu.memory_space<semaphore_mem>>)
      %dma_wait3A_97 = arith.constant 0 : i32
      %dma_wait3A_98 = arith.constant 0 : i32
      %dma_wait3A_99 = tpu.memref_slice %arg8[%dma_wait3A_97, %dma_wait3A_98] : memref<79x128xi32, #tpu.memory_space<vmem>> -> memref<78x128xi32, #tpu.memory_space<vmem>>
      %dma_wait3A_100 = arith.constant 0 : i32
      %dma_wait3A_101 = arith.constant 0 : i32
      %dma_wait3A_102 = tpu.memref_slice %arg3[%run_scoped3A, %dma_wait3A_100, %dma_wait3A_101] : memref<2x2500x128xi32, #tpu.memory_space<hbm>> -> memref<1x2500x128xi32, #tpu.memory_space<hbm>>
      %dma_wait3A_103 = tpu.memref_squeeze %dma_wait3A_102 : memref<1x2500x128xi32, #tpu.memory_space<hbm>> -> memref<2500x128xi32, #tpu.memory_space<hbm>>
      %dma_wait3A_104 = arith.constant 0 : i32
      %dma_wait3A_105 = tpu.memref_slice %dma_wait3A_103[%add3A_4, %dma_wait3A_104] : memref<2500x128xi32, #tpu.memory_space<hbm>> -> memref<78x128xi32, #tpu.memory_space<hbm>>
      %dma_wait3A_106 = arith.constant 0 : i32
      %dma_wait3A_107 = arith.constant 0 : i32
      %dma_wait3A_108 = tpu.memref_slice %arg8[%dma_wait3A_106, %dma_wait3A_107] : memref<79x128xi32, #tpu.memory_space<vmem>> -> memref<78x128xi32, #tpu.memory_space<vmem>>
      %dma_wait3A_109 = arith.constant 0 : i32
      %dma_wait3A_110 = arith.constant 0 : i32
      %dma_wait3A_111 = tpu.memref_slice %arg3[%run_scoped3A, %dma_wait3A_109, %dma_wait3A_110] : memref<2x2500x128xi32, #tpu.memory_space<hbm>> -> memref<1x2500x128xi32, #tpu.memory_space<hbm>>
      %dma_wait3A_112 = tpu.memref_squeeze %dma_wait3A_111 : memref<1x2500x128xi32, #tpu.memory_space<hbm>> -> memref<2500x128xi32, #tpu.memory_space<hbm>>
      %dma_wait3A_113 = arith.constant 0 : i32
      %dma_wait3A_114 = tpu.memref_slice %dma_wait3A_112[%add3A_4, %dma_wait3A_113] : memref<2500x128xi32, #tpu.memory_space<hbm>> -> memref<78x128xi32, #tpu.memory_space<hbm>>
      tpu.wait_dma2 semaphore(%run_scoped3A_78 : memref<!tpu.dma_semaphore, #tpu.memory_space<semaphore_mem>>) src(%dma_wait3A_114 : memref<78x128xi32, #tpu.memory_space<hbm>>) dst(%dma_wait3A_108 : memref<78x128xi32, #tpu.memory_space<vmem>>)
      tpu.yield
    }) : () -> ()
    %convert_element_type3A_31 = arith.extui %lt3A_5 : i1 to i32
    %cond3A_32 = arith.constant 0 : i32
    %cond3A_33 = arith.constant 0 : i32
    %cond3A_34 = arith.cmpi ne, %convert_element_type3A_31, %cond3A_33 : i32
    scf.if %cond3A_34 {
      %add3A_78 = arith.constant 78 : i32
      %add3A_79 = arith.addi %add3A_4, %add3A_78 : i32
      "tpu.region"() ({
        %run_scoped3A_80 = tpu.sem_alloc : memref<!tpu.dma_semaphore, #tpu.memory_space<semaphore_mem>>
        %dma_start3A_81 = arith.constant 78 : i32
        %dma_start3A_82 = arith.constant 0 : i32
        %dma_start3A_83 = tpu.memref_slice %arg8[%dma_start3A_81, %dma_start3A_82] : memref<79x128xi32, #tpu.memory_space<vmem>> -> memref<1x128xi32, #tpu.memory_space<vmem>>
        %dma_start3A_84 = arith.constant 0 : i32
        %dma_start3A_85 = arith.constant 0 : i32
        %dma_start3A_86 = tpu.memref_slice %arg3[%cond3A_32, %dma_start3A_84, %dma_start3A_85] : memref<2x2500x128xi32, #tpu.memory_space<hbm>> -> memref<1x2500x128xi32, #tpu.memory_space<hbm>>
        %dma_start3A_87 = tpu.memref_squeeze %dma_start3A_86 : memref<1x2500x128xi32, #tpu.memory_space<hbm>> -> memref<2500x128xi32, #tpu.memory_space<hbm>>
        %dma_start3A_88 = arith.constant 0 : i32
        %dma_start3A_89 = tpu.memref_slice %dma_start3A_87[%add3A_79, %dma_start3A_88] : memref<2500x128xi32, #tpu.memory_space<hbm>> -> memref<1x128xi32, #tpu.memory_space<hbm>>
        %dma_start3A_90 = arith.constant 78 : i32
        %dma_start3A_91 = arith.constant 0 : i32
        %dma_start3A_92 = tpu.memref_slice %arg8[%dma_start3A_90, %dma_start3A_91] : memref<79x128xi32, #tpu.memory_space<vmem>> -> memref<1x128xi32, #tpu.memory_space<vmem>>
        %dma_start3A_93 = arith.constant 0 : i32
        %dma_start3A_94 = arith.constant 0 : i32
        %dma_start3A_95 = tpu.memref_slice %arg3[%cond3A_32, %dma_start3A_93, %dma_start3A_94] : memref<2x2500x128xi32, #tpu.memory_space<hbm>> -> memref<1x2500x128xi32, #tpu.memory_space<hbm>>
        %dma_start3A_96 = tpu.memref_squeeze %dma_start3A_95 : memref<1x2500x128xi32, #tpu.memory_space<hbm>> -> memref<2500x128xi32, #tpu.memory_space<hbm>>
        %dma_start3A_97 = arith.constant 0 : i32
        %dma_start3A_98 = tpu.memref_slice %dma_start3A_96[%add3A_79, %dma_start3A_97] : memref<2500x128xi32, #tpu.memory_space<hbm>> -> memref<1x128xi32, #tpu.memory_space<hbm>>
        tpu.enqueue_dma source(%dma_start3A_98 : memref<1x128xi32, #tpu.memory_space<hbm>>) target(%dma_start3A_92 : memref<1x128xi32, #tpu.memory_space<vmem>>) target_semaphore(%run_scoped3A_80 : memref<!tpu.dma_semaphore, #tpu.memory_space<semaphore_mem>>)
        %dma_wait3A_99 = arith.constant 78 : i32
        %dma_wait3A_100 = arith.constant 0 : i32
        %dma_wait3A_101 = tpu.memref_slice %arg8[%dma_wait3A_99, %dma_wait3A_100] : memref<79x128xi32, #tpu.memory_space<vmem>> -> memref<1x128xi32, #tpu.memory_space<vmem>>
        %dma_wait3A_102 = arith.constant 0 : i32
        %dma_wait3A_103 = arith.constant 0 : i32
        %dma_wait3A_104 = tpu.memref_slice %arg3[%cond3A_32, %dma_wait3A_102, %dma_wait3A_103] : memref<2x2500x128xi32, #tpu.memory_space<hbm>> -> memref<1x2500x128xi32, #tpu.memory_space<hbm>>
        %dma_wait3A_105 = tpu.memref_squeeze %dma_wait3A_104 : memref<1x2500x128xi32, #tpu.memory_space<hbm>> -> memref<2500x128xi32, #tpu.memory_space<hbm>>
        %dma_wait3A_106 = arith.constant 0 : i32
        %dma_wait3A_107 = tpu.memref_slice %dma_wait3A_105[%add3A_79, %dma_wait3A_106] : memref<2500x128xi32, #tpu.memory_space<hbm>> -> memref<1x128xi32, #tpu.memory_space<hbm>>
        %dma_wait3A_108 = arith.constant 78 : i32
        %dma_wait3A_109 = arith.constant 0 : i32
        %dma_wait3A_110 = tpu.memref_slice %arg8[%dma_wait3A_108, %dma_wait3A_109] : memref<79x128xi32, #tpu.memory_space<vmem>> -> memref<1x128xi32, #tpu.memory_space<vmem>>
        %dma_wait3A_111 = arith.constant 0 : i32
        %dma_wait3A_112 = arith.constant 0 : i32
        %dma_wait3A_113 = tpu.memref_slice %arg3[%cond3A_32, %dma_wait3A_111, %dma_wait3A_112] : memref<2x2500x128xi32, #tpu.memory_space<hbm>> -> memref<1x2500x128xi32, #tpu.memory_space<hbm>>
        %dma_wait3A_114 = tpu.memref_squeeze %dma_wait3A_113 : memref<1x2500x128xi32, #tpu.memory_space<hbm>> -> memref<2500x128xi32, #tpu.memory_space<hbm>>
        %dma_wait3A_115 = arith.constant 0 : i32
        %dma_wait3A_116 = tpu.memref_slice %dma_wait3A_114[%add3A_79, %dma_wait3A_115] : memref<2500x128xi32, #tpu.memory_space<hbm>> -> memref<1x128xi32, #tpu.memory_space<hbm>>
        tpu.wait_dma2 semaphore(%run_scoped3A_80 : memref<!tpu.dma_semaphore, #tpu.memory_space<semaphore_mem>>) src(%dma_wait3A_116 : memref<1x128xi32, #tpu.memory_space<hbm>>) dst(%dma_wait3A_110 : memref<1x128xi32, #tpu.memory_space<vmem>>)
        tpu.yield
      }) : () -> ()
    } else {
    }
    %run_scoped3A_35 = arith.constant 1 : i32
    "tpu.region"() ({
      %run_scoped3A_78 = tpu.sem_alloc : memref<!tpu.dma_semaphore, #tpu.memory_space<semaphore_mem>>
      %dma_start3A_79 = arith.constant 0 : i32
      %dma_start3A_80 = arith.constant 0 : i32
      %dma_start3A_81 = tpu.memref_slice %arg9[%dma_start3A_79, %dma_start3A_80] : memref<79x128xi32, #tpu.memory_space<vmem>> -> memref<78x128xi32, #tpu.memory_space<vmem>>
      %dma_start3A_82 = arith.constant 0 : i32
      %dma_start3A_83 = arith.constant 0 : i32
      %dma_start3A_84 = tpu.memref_slice %arg3[%run_scoped3A_35, %dma_start3A_82, %dma_start3A_83] : memref<2x2500x128xi32, #tpu.memory_space<hbm>> -> memref<1x2500x128xi32, #tpu.memory_space<hbm>>
      %dma_start3A_85 = tpu.memref_squeeze %dma_start3A_84 : memref<1x2500x128xi32, #tpu.memory_space<hbm>> -> memref<2500x128xi32, #tpu.memory_space<hbm>>
      %dma_start3A_86 = arith.constant 0 : i32
      %dma_start3A_87 = tpu.memref_slice %dma_start3A_85[%add3A_4, %dma_start3A_86] : memref<2500x128xi32, #tpu.memory_space<hbm>> -> memref<78x128xi32, #tpu.memory_space<hbm>>
      %dma_start3A_88 = arith.constant 0 : i32
      %dma_start3A_89 = arith.constant 0 : i32
      %dma_start3A_90 = tpu.memref_slice %arg9[%dma_start3A_88, %dma_start3A_89] : memref<79x128xi32, #tpu.memory_space<vmem>> -> memref<78x128xi32, #tpu.memory_space<vmem>>
      %dma_start3A_91 = arith.constant 0 : i32
      %dma_start3A_92 = arith.constant 0 : i32
      %dma_start3A_93 = tpu.memref_slice %arg3[%run_scoped3A_35, %dma_start3A_91, %dma_start3A_92] : memref<2x2500x128xi32, #tpu.memory_space<hbm>> -> memref<1x2500x128xi32, #tpu.memory_space<hbm>>
      %dma_start3A_94 = tpu.memref_squeeze %dma_start3A_93 : memref<1x2500x128xi32, #tpu.memory_space<hbm>> -> memref<2500x128xi32, #tpu.memory_space<hbm>>
      %dma_start3A_95 = arith.constant 0 : i32
      %dma_start3A_96 = tpu.memref_slice %dma_start3A_94[%add3A_4, %dma_start3A_95] : memref<2500x128xi32, #tpu.memory_space<hbm>> -> memref<78x128xi32, #tpu.memory_space<hbm>>
      tpu.enqueue_dma source(%dma_start3A_96 : memref<78x128xi32, #tpu.memory_space<hbm>>) target(%dma_start3A_90 : memref<78x128xi32, #tpu.memory_space<vmem>>) target_semaphore(%run_scoped3A_78 : memref<!tpu.dma_semaphore, #tpu.memory_space<semaphore_mem>>)
      %dma_wait3A_97 = arith.constant 0 : i32
      %dma_wait3A_98 = arith.constant 0 : i32
      %dma_wait3A_99 = tpu.memref_slice %arg9[%dma_wait3A_97, %dma_wait3A_98] : memref<79x128xi32, #tpu.memory_space<vmem>> -> memref<78x128xi32, #tpu.memory_space<vmem>>
      %dma_wait3A_100 = arith.constant 0 : i32
      %dma_wait3A_101 = arith.constant 0 : i32
      %dma_wait3A_102 = tpu.memref_slice %arg3[%run_scoped3A_35, %dma_wait3A_100, %dma_wait3A_101] : memref<2x2500x128xi32, #tpu.memory_space<hbm>> -> memref<1x2500x128xi32, #tpu.memory_space<hbm>>
      %dma_wait3A_103 = tpu.memref_squeeze %dma_wait3A_102 : memref<1x2500x128xi32, #tpu.memory_space<hbm>> -> memref<2500x128xi32, #tpu.memory_space<hbm>>
      %dma_wait3A_104 = arith.constant 0 : i32
      %dma_wait3A_105 = tpu.memref_slice %dma_wait3A_103[%add3A_4, %dma_wait3A_104] : memref<2500x128xi32, #tpu.memory_space<hbm>> -> memref<78x128xi32, #tpu.memory_space<hbm>>
      %dma_wait3A_106 = arith.constant 0 : i32
      %dma_wait3A_107 = arith.constant 0 : i32
      %dma_wait3A_108 = tpu.memref_slice %arg9[%dma_wait3A_106, %dma_wait3A_107] : memref<79x128xi32, #tpu.memory_space<vmem>> -> memref<78x128xi32, #tpu.memory_space<vmem>>
      %dma_wait3A_109 = arith.constant 0 : i32
      %dma_wait3A_110 = arith.constant 0 : i32
      %dma_wait3A_111 = tpu.memref_slice %arg3[%run_scoped3A_35, %dma_wait3A_109, %dma_wait3A_110] : memref<2x2500x128xi32, #tpu.memory_space<hbm>> -> memref<1x2500x128xi32, #tpu.memory_space<hbm>>
      %dma_wait3A_112 = tpu.memref_squeeze %dma_wait3A_111 : memref<1x2500x128xi32, #tpu.memory_space<hbm>> -> memref<2500x128xi32, #tpu.memory_space<hbm>>
      %dma_wait3A_113 = arith.constant 0 : i32
      %dma_wait3A_114 = tpu.memref_slice %dma_wait3A_112[%add3A_4, %dma_wait3A_113] : memref<2500x128xi32, #tpu.memory_space<hbm>> -> memref<78x128xi32, #tpu.memory_space<hbm>>
      tpu.wait_dma2 semaphore(%run_scoped3A_78 : memref<!tpu.dma_semaphore, #tpu.memory_space<semaphore_mem>>) src(%dma_wait3A_114 : memref<78x128xi32, #tpu.memory_space<hbm>>) dst(%dma_wait3A_108 : memref<78x128xi32, #tpu.memory_space<vmem>>)
      tpu.yield
    }) : () -> ()
    %convert_element_type3A_36 = arith.extui %lt3A_5 : i1 to i32
    %cond3A_37 = arith.constant 1 : i32
    %cond3A_38 = arith.constant 0 : i32
    %cond3A_39 = arith.cmpi ne, %convert_element_type3A_36, %cond3A_38 : i32
    scf.if %cond3A_39 {
      %add3A_78 = arith.constant 78 : i32
      %add3A_79 = arith.addi %add3A_4, %add3A_78 : i32
      "tpu.region"() ({
        %run_scoped3A_80 = tpu.sem_alloc : memref<!tpu.dma_semaphore, #tpu.memory_space<semaphore_mem>>
        %dma_start3A_81 = arith.constant 78 : i32
        %dma_start3A_82 = arith.constant 0 : i32
        %dma_start3A_83 = tpu.memref_slice %arg9[%dma_start3A_81, %dma_start3A_82] : memref<79x128xi32, #tpu.memory_space<vmem>> -> memref<1x128xi32, #tpu.memory_space<vmem>>
        %dma_start3A_84 = arith.constant 0 : i32
        %dma_start3A_85 = arith.constant 0 : i32
        %dma_start3A_86 = tpu.memref_slice %arg3[%cond3A_37, %dma_start3A_84, %dma_start3A_85] : memref<2x2500x128xi32, #tpu.memory_space<hbm>> -> memref<1x2500x128xi32, #tpu.memory_space<hbm>>
        %dma_start3A_87 = tpu.memref_squeeze %dma_start3A_86 : memref<1x2500x128xi32, #tpu.memory_space<hbm>> -> memref<2500x128xi32, #tpu.memory_space<hbm>>
        %dma_start3A_88 = arith.constant 0 : i32
        %dma_start3A_89 = tpu.memref_slice %dma_start3A_87[%add3A_79, %dma_start3A_88] : memref<2500x128xi32, #tpu.memory_space<hbm>> -> memref<1x128xi32, #tpu.memory_space<hbm>>
        %dma_start3A_90 = arith.constant 78 : i32
        %dma_start3A_91 = arith.constant 0 : i32
        %dma_start3A_92 = tpu.memref_slice %arg9[%dma_start3A_90, %dma_start3A_91] : memref<79x128xi32, #tpu.memory_space<vmem>> -> memref<1x128xi32, #tpu.memory_space<vmem>>
        %dma_start3A_93 = arith.constant 0 : i32
        %dma_start3A_94 = arith.constant 0 : i32
        %dma_start3A_95 = tpu.memref_slice %arg3[%cond3A_37, %dma_start3A_93, %dma_start3A_94] : memref<2x2500x128xi32, #tpu.memory_space<hbm>> -> memref<1x2500x128xi32, #tpu.memory_space<hbm>>
        %dma_start3A_96 = tpu.memref_squeeze %dma_start3A_95 : memref<1x2500x128xi32, #tpu.memory_space<hbm>> -> memref<2500x128xi32, #tpu.memory_space<hbm>>
        %dma_start3A_97 = arith.constant 0 : i32
        %dma_start3A_98 = tpu.memref_slice %dma_start3A_96[%add3A_79, %dma_start3A_97] : memref<2500x128xi32, #tpu.memory_space<hbm>> -> memref<1x128xi32, #tpu.memory_space<hbm>>
        tpu.enqueue_dma source(%dma_start3A_98 : memref<1x128xi32, #tpu.memory_space<hbm>>) target(%dma_start3A_92 : memref<1x128xi32, #tpu.memory_space<vmem>>) target_semaphore(%run_scoped3A_80 : memref<!tpu.dma_semaphore, #tpu.memory_space<semaphore_mem>>)
        %dma_wait3A_99 = arith.constant 78 : i32
        %dma_wait3A_100 = arith.constant 0 : i32
        %dma_wait3A_101 = tpu.memref_slice %arg9[%dma_wait3A_99, %dma_wait3A_100] : memref<79x128xi32, #tpu.memory_space<vmem>> -> memref<1x128xi32, #tpu.memory_space<vmem>>
        %dma_wait3A_102 = arith.constant 0 : i32
        %dma_wait3A_103 = arith.constant 0 : i32
        %dma_wait3A_104 = tpu.memref_slice %arg3[%cond3A_37, %dma_wait3A_102, %dma_wait3A_103] : memref<2x2500x128xi32, #tpu.memory_space<hbm>> -> memref<1x2500x128xi32, #tpu.memory_space<hbm>>
        %dma_wait3A_105 = tpu.memref_squeeze %dma_wait3A_104 : memref<1x2500x128xi32, #tpu.memory_space<hbm>> -> memref<2500x128xi32, #tpu.memory_space<hbm>>
        %dma_wait3A_106 = arith.constant 0 : i32
        %dma_wait3A_107 = tpu.memref_slice %dma_wait3A_105[%add3A_79, %dma_wait3A_106] : memref<2500x128xi32, #tpu.memory_space<hbm>> -> memref<1x128xi32, #tpu.memory_space<hbm>>
        %dma_wait3A_108 = arith.constant 78 : i32
        %dma_wait3A_109 = arith.constant 0 : i32
        %dma_wait3A_110 = tpu.memref_slice %arg9[%dma_wait3A_108, %dma_wait3A_109] : memref<79x128xi32, #tpu.memory_space<vmem>> -> memref<1x128xi32, #tpu.memory_space<vmem>>
        %dma_wait3A_111 = arith.constant 0 : i32
        %dma_wait3A_112 = arith.constant 0 : i32
        %dma_wait3A_113 = tpu.memref_slice %arg3[%cond3A_37, %dma_wait3A_111, %dma_wait3A_112] : memref<2x2500x128xi32, #tpu.memory_space<hbm>> -> memref<1x2500x128xi32, #tpu.memory_space<hbm>>
        %dma_wait3A_114 = tpu.memref_squeeze %dma_wait3A_113 : memref<1x2500x128xi32, #tpu.memory_space<hbm>> -> memref<2500x128xi32, #tpu.memory_space<hbm>>
        %dma_wait3A_115 = arith.constant 0 : i32
        %dma_wait3A_116 = tpu.memref_slice %dma_wait3A_114[%add3A_79, %dma_wait3A_115] : memref<2500x128xi32, #tpu.memory_space<hbm>> -> memref<1x128xi32, #tpu.memory_space<hbm>>
        tpu.wait_dma2 semaphore(%run_scoped3A_80 : memref<!tpu.dma_semaphore, #tpu.memory_space<semaphore_mem>>) src(%dma_wait3A_116 : memref<1x128xi32, #tpu.memory_space<hbm>>) dst(%dma_wait3A_110 : memref<1x128xi32, #tpu.memory_space<vmem>>)
        tpu.yield
      }) : () -> ()
    } else {
    }
    %barrier3A = arith.constant 0 : index
    tpu.barrier barrier_id(%barrier3A)
    %dma_start3A = arith.constant 0 : i32
    %dma_start3A_40 = arith.constant 0 : i32
    %dma_start3A_41 = tpu.memref_slice %arg8[%dma_start3A, %dma_start3A_40] : memref<79x128xi32, #tpu.memory_space<vmem>> -> memref<1x128xi32, #tpu.memory_space<vmem>>
    %dma_start3A_42 = tpu.memref_squeeze %dma_start3A_41 : memref<1x128xi32, #tpu.memory_space<vmem>> -> memref<128xi32, #tpu.memory_space<vmem>>
    %dma_start3A_43 = arith.constant 0 : i32
    %dma_start3A_44 = arith.constant 0 : i32
    %dma_start3A_45 = tpu.memref_slice %arg7[%dma_start3A_43, %dma_start3A_44] : memref<10000x64xf32, #tpu.memory_space<vmem_shared>> -> memref<10000x64xf32, #tpu.memory_space<vmem_shared>>
    tpu.enqueue_indirect_dma source(%dma_start3A_45 : memref<10000x64xf32, #tpu.memory_space<vmem_shared>>) target(%arg10 : memref<128x64xf32, #tpu.memory_space<vmem>>) offsets(%dma_start3A_42 : memref<128xi32, #tpu.memory_space<vmem>>) semaphore(%arg12 : memref<!tpu.dma_semaphore, #tpu.memory_space<semaphore_mem>>)
    %dma_start3A_46 = arith.constant 1 : i32
    %dma_start3A_47 = arith.constant 0 : i32
    %dma_start3A_48 = tpu.memref_slice %arg8[%dma_start3A_46, %dma_start3A_47] : memref<79x128xi32, #tpu.memory_space<vmem>> -> memref<1x128xi32, #tpu.memory_space<vmem>>
    %dma_start3A_49 = tpu.memref_squeeze %dma_start3A_48 : memref<1x128xi32, #tpu.memory_space<vmem>> -> memref<128xi32, #tpu.memory_space<vmem>>
    %dma_start3A_50 = arith.constant 0 : i32
    %dma_start3A_51 = arith.constant 0 : i32
    %dma_start3A_52 = tpu.memref_slice %arg7[%dma_start3A_50, %dma_start3A_51] : memref<10000x64xf32, #tpu.memory_space<vmem_shared>> -> memref<10000x64xf32, #tpu.memory_space<vmem_shared>>
    tpu.enqueue_indirect_dma source(%dma_start3A_52 : memref<10000x64xf32, #tpu.memory_space<vmem_shared>>) target(%arg11 : memref<128x64xf32, #tpu.memory_space<vmem>>) offsets(%dma_start3A_49 : memref<128xi32, #tpu.memory_space<vmem>>) semaphore(%arg13 : memref<!tpu.dma_semaphore, #tpu.memory_space<semaphore_mem>>)
    %scan3A = arith.constant 0 : i32
    %scan3A_53 = arith.constant 0 : i32
    %scan3A_54 = arith.constant 39 : i32
    %scan3A_55 = arith.addi %scan3A_53, %scan3A_54 : i32
    %scan3A_56 = arith.constant 1 : i32
    %scan3A_57 = scf.for %scan3A_78 = %scan3A_53 to %scan3A_55 step %scan3A_56 iter_args(%scan3A_79 = %scan3A) -> (i32)  : i32 {
      %mul3A_80 = arith.constant 2 : i32
      %mul3A_81 = arith.muli %scan3A_78, %mul3A_80 : i32
      %add3A_82 = arith.constant 0 : i32
      %add3A_83 = arith.addi %mul3A_81, %add3A_82 : i32
      %dma_wait3A_84 = arith.constant 0 : i32
      %dma_wait3A_85 = tpu.memref_slice %arg8[%add3A_83, %dma_wait3A_84] : memref<79x128xi32, #tpu.memory_space<vmem>> -> memref<1x128xi32, #tpu.memory_space<vmem>>
      %dma_wait3A_86 = tpu.memref_squeeze %dma_wait3A_85 : memref<1x128xi32, #tpu.memory_space<vmem>> -> memref<128xi32, #tpu.memory_space<vmem>>
      %dma_wait3A_87 = arith.constant 0 : i32
      %dma_wait3A_88 = arith.constant 0 : i32
      %dma_wait3A_89 = tpu.memref_slice %arg7[%dma_wait3A_87, %dma_wait3A_88] : memref<10000x64xf32, #tpu.memory_space<vmem_shared>> -> memref<10000x64xf32, #tpu.memory_space<vmem_shared>>
      tpu.wait_indirect_dma semaphore(%arg12 : memref<!tpu.dma_semaphore, #tpu.memory_space<semaphore_mem>>) src(%dma_wait3A_89 : memref<10000x64xf32, #tpu.memory_space<vmem_shared>>) dst(%arg10 : memref<128x64xf32, #tpu.memory_space<vmem>>)
      %add3A_90 = arith.constant 0 : i32
      %add3A_91 = arith.addi %mul3A_81, %add3A_90 : i32
      %dma_start3A_92 = arith.constant 0 : i32
      %dma_start3A_93 = tpu.memref_slice %arg9[%add3A_91, %dma_start3A_92] : memref<79x128xi32, #tpu.memory_space<vmem>> -> memref<1x128xi32, #tpu.memory_space<vmem>>
      %dma_start3A_94 = tpu.memref_squeeze %dma_start3A_93 : memref<1x128xi32, #tpu.memory_space<vmem>> -> memref<128xi32, #tpu.memory_space<vmem>>
      %dma_start3A_95 = arith.constant 0 : i32
      %dma_start3A_96 = arith.constant 0 : i32
      %dma_start3A_97 = tpu.memref_slice %arg6[%dma_start3A_95, %dma_start3A_96] : memref<10000x64xf32, #tpu.memory_space<vmem_shared>> -> memref<10000x64xf32, #tpu.memory_space<vmem_shared>>
      tpu.enqueue_indirect_dma source(%arg10 : memref<128x64xf32, #tpu.memory_space<vmem>>) target(%dma_start3A_97 : memref<10000x64xf32, #tpu.memory_space<vmem_shared>>) offsets(%dma_start3A_94 : memref<128xi32, #tpu.memory_space<vmem>>) semaphore(%arg14 : memref<!tpu.dma_semaphore, #tpu.memory_space<semaphore_mem>>) {add = true}
      %add3A_98 = arith.constant 1 : i32
      %add3A_99 = arith.addi %mul3A_81, %add3A_98 : i32
      %dma_wait3A_100 = arith.constant 0 : i32
      %dma_wait3A_101 = tpu.memref_slice %arg8[%add3A_99, %dma_wait3A_100] : memref<79x128xi32, #tpu.memory_space<vmem>> -> memref<1x128xi32, #tpu.memory_space<vmem>>
      %dma_wait3A_102 = tpu.memref_squeeze %dma_wait3A_101 : memref<1x128xi32, #tpu.memory_space<vmem>> -> memref<128xi32, #tpu.memory_space<vmem>>
      %dma_wait3A_103 = arith.constant 0 : i32
      %dma_wait3A_104 = arith.constant 0 : i32
      %dma_wait3A_105 = tpu.memref_slice %arg7[%dma_wait3A_103, %dma_wait3A_104] : memref<10000x64xf32, #tpu.memory_space<vmem_shared>> -> memref<10000x64xf32, #tpu.memory_space<vmem_shared>>
      tpu.wait_indirect_dma semaphore(%arg13 : memref<!tpu.dma_semaphore, #tpu.memory_space<semaphore_mem>>) src(%dma_wait3A_105 : memref<10000x64xf32, #tpu.memory_space<vmem_shared>>) dst(%arg11 : memref<128x64xf32, #tpu.memory_space<vmem>>)
      %add3A_106 = arith.constant 1 : i32
      %add3A_107 = arith.addi %mul3A_81, %add3A_106 : i32
      %dma_start3A_108 = arith.constant 0 : i32
      %dma_start3A_109 = tpu.memref_slice %arg9[%add3A_107, %dma_start3A_108] : memref<79x128xi32, #tpu.memory_space<vmem>> -> memref<1x128xi32, #tpu.memory_space<vmem>>
      %dma_start3A_110 = tpu.memref_squeeze %dma_start3A_109 : memref<1x128xi32, #tpu.memory_space<vmem>> -> memref<128xi32, #tpu.memory_space<vmem>>
      %dma_start3A_111 = arith.constant 0 : i32
      %dma_start3A_112 = arith.constant 0 : i32
      %dma_start3A_113 = tpu.memref_slice %arg6[%dma_start3A_111, %dma_start3A_112] : memref<10000x64xf32, #tpu.memory_space<vmem_shared>> -> memref<10000x64xf32, #tpu.memory_space<vmem_shared>>
      tpu.enqueue_indirect_dma source(%arg11 : memref<128x64xf32, #tpu.memory_space<vmem>>) target(%dma_start3A_113 : memref<10000x64xf32, #tpu.memory_space<vmem_shared>>) offsets(%dma_start3A_110 : memref<128xi32, #tpu.memory_space<vmem>>) semaphore(%arg15 : memref<!tpu.dma_semaphore, #tpu.memory_space<semaphore_mem>>) {add = true}
      %add3A_114 = arith.constant 0 : i32
      %add3A_115 = arith.addi %mul3A_81, %add3A_114 : i32
      %add3A_116 = arith.constant 2 : i32
      %add3A_117 = arith.addi %add3A_115, %add3A_116 : i32
      %lt3A_118 = arith.cmpi slt, %add3A_117, %add3A_7 : i32
      %convert_element_type3A_119 = arith.extui %lt3A_118 : i1 to i32
      %cond3A_120 = arith.constant 0 : i32
      %cond3A_121 = arith.cmpi ne, %convert_element_type3A_119, %cond3A_120 : i32
      scf.if %cond3A_121 {
        %add3A_131 = arith.constant 0 : i32
        %add3A_132 = arith.addi %mul3A_81, %add3A_131 : i32
        %dma_wait3A_133 = arith.constant 0 : i32
        %dma_wait3A_134 = tpu.memref_slice %arg9[%add3A_132, %dma_wait3A_133] : memref<79x128xi32, #tpu.memory_space<vmem>> -> memref<1x128xi32, #tpu.memory_space<vmem>>
        %dma_wait3A_135 = tpu.memref_squeeze %dma_wait3A_134 : memref<1x128xi32, #tpu.memory_space<vmem>> -> memref<128xi32, #tpu.memory_space<vmem>>
        %dma_wait3A_136 = arith.constant 0 : i32
        %dma_wait3A_137 = arith.constant 0 : i32
        %dma_wait3A_138 = tpu.memref_slice %arg6[%dma_wait3A_136, %dma_wait3A_137] : memref<10000x64xf32, #tpu.memory_space<vmem_shared>> -> memref<10000x64xf32, #tpu.memory_space<vmem_shared>>
        tpu.wait_indirect_dma semaphore(%arg14 : memref<!tpu.dma_semaphore, #tpu.memory_space<semaphore_mem>>) src(%arg10 : memref<128x64xf32, #tpu.memory_space<vmem>>) dst(%dma_wait3A_138 : memref<10000x64xf32, #tpu.memory_space<vmem_shared>>)
        %add3A_139 = arith.constant 0 : i32
        %add3A_140 = arith.addi %mul3A_81, %add3A_139 : i32
        %add3A_141 = arith.constant 2 : i32
        %add3A_142 = arith.addi %add3A_140, %add3A_141 : i32
        %dma_start3A_143 = arith.constant 0 : i32
        %dma_start3A_144 = tpu.memref_slice %arg8[%add3A_142, %dma_start3A_143] : memref<79x128xi32, #tpu.memory_space<vmem>> -> memref<1x128xi32, #tpu.memory_space<vmem>>
        %dma_start3A_145 = tpu.memref_squeeze %dma_start3A_144 : memref<1x128xi32, #tpu.memory_space<vmem>> -> memref<128xi32, #tpu.memory_space<vmem>>
        %dma_start3A_146 = arith.constant 0 : i32
        %dma_start3A_147 = arith.constant 0 : i32
        %dma_start3A_148 = tpu.memref_slice %arg7[%dma_start3A_146, %dma_start3A_147] : memref<10000x64xf32, #tpu.memory_space<vmem_shared>> -> memref<10000x64xf32, #tpu.memory_space<vmem_shared>>
        tpu.enqueue_indirect_dma source(%dma_start3A_148 : memref<10000x64xf32, #tpu.memory_space<vmem_shared>>) target(%arg10 : memref<128x64xf32, #tpu.memory_space<vmem>>) offsets(%dma_start3A_145 : memref<128xi32, #tpu.memory_space<vmem>>) semaphore(%arg12 : memref<!tpu.dma_semaphore, #tpu.memory_space<semaphore_mem>>)
      } else {
      }
      %add3A_122 = arith.constant 1 : i32
      %add3A_123 = arith.addi %mul3A_81, %add3A_122 : i32
      %add3A_124 = arith.constant 2 : i32
      %add3A_125 = arith.addi %add3A_123, %add3A_124 : i32
      %lt3A_126 = arith.cmpi slt, %add3A_125, %add3A_7 : i32
      %convert_element_type3A_127 = arith.extui %lt3A_126 : i1 to i32
      %cond3A_128 = arith.constant 0 : i32
      %cond3A_129 = arith.cmpi ne, %convert_element_type3A_127, %cond3A_128 : i32
      scf.if %cond3A_129 {
        %add3A_131 = arith.constant 1 : i32
        %add3A_132 = arith.addi %mul3A_81, %add3A_131 : i32
        %dma_wait3A_133 = arith.constant 0 : i32
        %dma_wait3A_134 = tpu.memref_slice %arg9[%add3A_132, %dma_wait3A_133] : memref<79x128xi32, #tpu.memory_space<vmem>> -> memref<1x128xi32, #tpu.memory_space<vmem>>
        %dma_wait3A_135 = tpu.memref_squeeze %dma_wait3A_134 : memref<1x128xi32, #tpu.memory_space<vmem>> -> memref<128xi32, #tpu.memory_space<vmem>>
        %dma_wait3A_136 = arith.constant 0 : i32
        %dma_wait3A_137 = arith.constant 0 : i32
        %dma_wait3A_138 = tpu.memref_slice %arg6[%dma_wait3A_136, %dma_wait3A_137] : memref<10000x64xf32, #tpu.memory_space<vmem_shared>> -> memref<10000x64xf32, #tpu.memory_space<vmem_shared>>
        tpu.wait_indirect_dma semaphore(%arg15 : memref<!tpu.dma_semaphore, #tpu.memory_space<semaphore_mem>>) src(%arg11 : memref<128x64xf32, #tpu.memory_space<vmem>>) dst(%dma_wait3A_138 : memref<10000x64xf32, #tpu.memory_space<vmem_shared>>)
        %add3A_139 = arith.constant 1 : i32
        %add3A_140 = arith.addi %mul3A_81, %add3A_139 : i32
        %add3A_141 = arith.constant 2 : i32
        %add3A_142 = arith.addi %add3A_140, %add3A_141 : i32
        %dma_start3A_143 = arith.constant 0 : i32
        %dma_start3A_144 = tpu.memref_slice %arg8[%add3A_142, %dma_start3A_143] : memref<79x128xi32, #tpu.memory_space<vmem>> -> memref<1x128xi32, #tpu.memory_space<vmem>>
        %dma_start3A_145 = tpu.memref_squeeze %dma_start3A_144 : memref<1x128xi32, #tpu.memory_space<vmem>> -> memref<128xi32, #tpu.memory_space<vmem>>
        %dma_start3A_146 = arith.constant 0 : i32
        %dma_start3A_147 = arith.constant 0 : i32
        %dma_start3A_148 = tpu.memref_slice %arg7[%dma_start3A_146, %dma_start3A_147] : memref<10000x64xf32, #tpu.memory_space<vmem_shared>> -> memref<10000x64xf32, #tpu.memory_space<vmem_shared>>
        tpu.enqueue_indirect_dma source(%dma_start3A_148 : memref<10000x64xf32, #tpu.memory_space<vmem_shared>>) target(%arg11 : memref<128x64xf32, #tpu.memory_space<vmem>>) offsets(%dma_start3A_145 : memref<128xi32, #tpu.memory_space<vmem>>) semaphore(%arg13 : memref<!tpu.dma_semaphore, #tpu.memory_space<semaphore_mem>>)
      } else {
      }
      %scan3A_130 = arith.constant 0 : i32
      scf.yield %scan3A_130 : i32
    }
    %scan3A_58 = arith.constant 39 : i32
    %convert_element_type3A_59 = arith.extui %lt3A_5 : i1 to i32
    %cond3A_60 = arith.constant 0 : i32
    %cond3A_61 = arith.cmpi ne, %convert_element_type3A_59, %cond3A_60 : i32
    scf.if %cond3A_61 {
      %dma_wait3A_78 = arith.constant 78 : i32
      %dma_wait3A_79 = arith.constant 0 : i32
      %dma_wait3A_80 = tpu.memref_slice %arg8[%dma_wait3A_78, %dma_wait3A_79] : memref<79x128xi32, #tpu.memory_space<vmem>> -> memref<1x128xi32, #tpu.memory_space<vmem>>
      %dma_wait3A_81 = tpu.memref_squeeze %dma_wait3A_80 : memref<1x128xi32, #tpu.memory_space<vmem>> -> memref<128xi32, #tpu.memory_space<vmem>>
      %dma_wait3A_82 = arith.constant 0 : i32
      %dma_wait3A_83 = arith.constant 0 : i32
      %dma_wait3A_84 = tpu.memref_slice %arg7[%dma_wait3A_82, %dma_wait3A_83] : memref<10000x64xf32, #tpu.memory_space<vmem_shared>> -> memref<10000x64xf32, #tpu.memory_space<vmem_shared>>
      tpu.wait_indirect_dma semaphore(%arg12 : memref<!tpu.dma_semaphore, #tpu.memory_space<semaphore_mem>>) src(%dma_wait3A_84 : memref<10000x64xf32, #tpu.memory_space<vmem_shared>>) dst(%arg10 : memref<128x64xf32, #tpu.memory_space<vmem>>)
      %dma_start3A_85 = arith.constant 78 : i32
      %dma_start3A_86 = arith.constant 0 : i32
      %dma_start3A_87 = tpu.memref_slice %arg9[%dma_start3A_85, %dma_start3A_86] : memref<79x128xi32, #tpu.memory_space<vmem>> -> memref<1x128xi32, #tpu.memory_space<vmem>>
      %dma_start3A_88 = tpu.memref_squeeze %dma_start3A_87 : memref<1x128xi32, #tpu.memory_space<vmem>> -> memref<128xi32, #tpu.memory_space<vmem>>
      %dma_start3A_89 = arith.constant 0 : i32
      %dma_start3A_90 = arith.constant 0 : i32
      %dma_start3A_91 = tpu.memref_slice %arg6[%dma_start3A_89, %dma_start3A_90] : memref<10000x64xf32, #tpu.memory_space<vmem_shared>> -> memref<10000x64xf32, #tpu.memory_space<vmem_shared>>
      tpu.enqueue_indirect_dma source(%arg10 : memref<128x64xf32, #tpu.memory_space<vmem>>) target(%dma_start3A_91 : memref<10000x64xf32, #tpu.memory_space<vmem_shared>>) offsets(%dma_start3A_88 : memref<128xi32, #tpu.memory_space<vmem>>) semaphore(%arg14 : memref<!tpu.dma_semaphore, #tpu.memory_space<semaphore_mem>>) {add = true}
      %dma_wait3A_92 = arith.constant 78 : i32
      %dma_wait3A_93 = arith.constant 0 : i32
      %dma_wait3A_94 = tpu.memref_slice %arg9[%dma_wait3A_92, %dma_wait3A_93] : memref<79x128xi32, #tpu.memory_space<vmem>> -> memref<1x128xi32, #tpu.memory_space<vmem>>
      %dma_wait3A_95 = tpu.memref_squeeze %dma_wait3A_94 : memref<1x128xi32, #tpu.memory_space<vmem>> -> memref<128xi32, #tpu.memory_space<vmem>>
      %dma_wait3A_96 = arith.constant 0 : i32
      %dma_wait3A_97 = arith.constant 0 : i32
      %dma_wait3A_98 = tpu.memref_slice %arg6[%dma_wait3A_96, %dma_wait3A_97] : memref<10000x64xf32, #tpu.memory_space<vmem_shared>> -> memref<10000x64xf32, #tpu.memory_space<vmem_shared>>
      tpu.wait_indirect_dma semaphore(%arg14 : memref<!tpu.dma_semaphore, #tpu.memory_space<semaphore_mem>>) src(%arg10 : memref<128x64xf32, #tpu.memory_space<vmem>>) dst(%dma_wait3A_98 : memref<10000x64xf32, #tpu.memory_space<vmem_shared>>)
    } else {
    }
    %not3A = arith.constant true
    %not3A_62 = arith.xori %lt3A_5, %not3A : i1
    %convert_element_type3A_63 = arith.extui %not3A_62 : i1 to i32
    %cond3A_64 = arith.constant 0 : i32
    %cond3A_65 = arith.cmpi ne, %convert_element_type3A_63, %cond3A_64 : i32
    scf.if %cond3A_65 {
      %dma_wait3A_78 = arith.constant 76 : i32
      %dma_wait3A_79 = arith.constant 0 : i32
      %dma_wait3A_80 = tpu.memref_slice %arg9[%dma_wait3A_78, %dma_wait3A_79] : memref<79x128xi32, #tpu.memory_space<vmem>> -> memref<1x128xi32, #tpu.memory_space<vmem>>
      %dma_wait3A_81 = tpu.memref_squeeze %dma_wait3A_80 : memref<1x128xi32, #tpu.memory_space<vmem>> -> memref<128xi32, #tpu.memory_space<vmem>>
      %dma_wait3A_82 = arith.constant 0 : i32
      %dma_wait3A_83 = arith.constant 0 : i32
      %dma_wait3A_84 = tpu.memref_slice %arg6[%dma_wait3A_82, %dma_wait3A_83] : memref<10000x64xf32, #tpu.memory_space<vmem_shared>> -> memref<10000x64xf32, #tpu.memory_space<vmem_shared>>
      tpu.wait_indirect_dma semaphore(%arg14 : memref<!tpu.dma_semaphore, #tpu.memory_space<semaphore_mem>>) src(%arg10 : memref<128x64xf32, #tpu.memory_space<vmem>>) dst(%dma_wait3A_84 : memref<10000x64xf32, #tpu.memory_space<vmem_shared>>)
    } else {
    }
    %dma_wait3A = arith.constant 77 : i32
    %dma_wait3A_66 = arith.constant 0 : i32
    %dma_wait3A_67 = tpu.memref_slice %arg9[%dma_wait3A, %dma_wait3A_66] : memref<79x128xi32, #tpu.memory_space<vmem>> -> memref<1x128xi32, #tpu.memory_space<vmem>>
    %dma_wait3A_68 = tpu.memref_squeeze %dma_wait3A_67 : memref<1x128xi32, #tpu.memory_space<vmem>> -> memref<128xi32, #tpu.memory_space<vmem>>
    %dma_wait3A_69 = arith.constant 0 : i32
    %dma_wait3A_70 = arith.constant 0 : i32
    %dma_wait3A_71 = tpu.memref_slice %arg6[%dma_wait3A_69, %dma_wait3A_70] : memref<10000x64xf32, #tpu.memory_space<vmem_shared>> -> memref<10000x64xf32, #tpu.memory_space<vmem_shared>>
    tpu.wait_indirect_dma semaphore(%arg15 : memref<!tpu.dma_semaphore, #tpu.memory_space<semaphore_mem>>) src(%arg11 : memref<128x64xf32, #tpu.memory_space<vmem>>) dst(%dma_wait3A_71 : memref<10000x64xf32, #tpu.memory_space<vmem_shared>>)
    %barrier3A_72 = arith.constant 0 : index
    tpu.barrier barrier_id(%barrier3A_72)
    %lt3A_73 = arith.constant 10 : i32
    %lt3A_74 = arith.cmpi slt, %arg1, %lt3A_73 : i32
    %convert_element_type3A_75 = arith.extui %lt3A_74 : i1 to i32
    %cond3A_76 = arith.constant 0 : i32
    %cond3A_77 = arith.cmpi ne, %convert_element_type3A_75, %cond3A_76 : i32
    scf.if %cond3A_77 {
      %mul3A_78 = arith.constant 1000 : i32
      %mul3A_79 = arith.muli %arg1, %mul3A_78 : i32
      %multiple_of3A = tpu.assume_multiple %mul3A_79, 8 : i32
      "tpu.region"() ({
        %run_scoped3A_80 = tpu.sem_alloc : memref<!tpu.dma_semaphore, #tpu.memory_space<semaphore_mem>>
        %dma_start3A_81 = arith.constant 0 : i32
        %dma_start3A_82 = tpu.memref_slice %arg5[%arg0, %multiple_of3A, %dma_start3A_81] : memref<2x10000x64xf32, #tpu.memory_space<hbm>> -> memref<1x1000x64xf32, #tpu.memory_space<hbm>>
        %dma_start3A_83 = tpu.memref_squeeze %dma_start3A_82 : memref<1x1000x64xf32, #tpu.memory_space<hbm>> -> memref<1000x64xf32, #tpu.memory_space<hbm>>
        %dma_start3A_84 = arith.constant 0 : i32
        %dma_start3A_85 = tpu.memref_slice %arg6[%multiple_of3A, %dma_start3A_84] : memref<10000x64xf32, #tpu.memory_space<vmem_shared>> -> memref<1000x64xf32, #tpu.memory_space<vmem_shared>>
        tpu.enqueue_dma source(%dma_start3A_85 : memref<1000x64xf32, #tpu.memory_space<vmem_shared>>) target(%dma_start3A_83 : memref<1000x64xf32, #tpu.memory_space<hbm>>) target_semaphore(%run_scoped3A_80 : memref<!tpu.dma_semaphore, #tpu.memory_space<semaphore_mem>>)
        %dma_wait3A_86 = arith.constant 0 : i32
        %dma_wait3A_87 = tpu.memref_slice %arg5[%arg0, %multiple_of3A, %dma_wait3A_86] : memref<2x10000x64xf32, #tpu.memory_space<hbm>> -> memref<1x1000x64xf32, #tpu.memory_space<hbm>>
        %dma_wait3A_88 = tpu.memref_squeeze %dma_wait3A_87 : memref<1x1000x64xf32, #tpu.memory_space<hbm>> -> memref<1000x64xf32, #tpu.memory_space<hbm>>
        %dma_wait3A_89 = arith.constant 0 : i32
        %dma_wait3A_90 = tpu.memref_slice %arg6[%multiple_of3A, %dma_wait3A_89] : memref<10000x64xf32, #tpu.memory_space<vmem_shared>> -> memref<1000x64xf32, #tpu.memory_space<vmem_shared>>
        tpu.wait_dma2 semaphore(%run_scoped3A_80 : memref<!tpu.dma_semaphore, #tpu.memory_space<semaphore_mem>>) src(%dma_wait3A_90 : memref<1000x64xf32, #tpu.memory_space<vmem_shared>>) dst(%dma_wait3A_88 : memref<1000x64xf32, #tpu.memory_space<hbm>>)
        tpu.yield
      }) : () -> ()
    } else {
    }
    return
  }
}

module attributes {stable_mosaic.version = 14 : i64} {
  func.func @body(%arg0: memref<10000x64xf32, #tpu.memory_space<vmem>>, %arg1: memref<10000x64xf32, #tpu.memory_space<vmem>>, %arg2: memref<2x4x10000xf32, #tpu.memory_space<vmem>>, %arg3: memref<10000x64xf32, #tpu.memory_space<vmem>>, %arg4: memref<10000x64xf32, #tpu.memory_space<vmem>>, %arg5: memref<10000x2xf32, #tpu.memory_space<vmem>>) attributes {dimension_semantics = [], scalar_prefetch = 0 : i64, scratch_operands = 0 : i64, tpu.core_type = #tpu.core_type<tc>} {
    %get3A = arith.constant 0 : index
    %get3A_0 = arith.constant 0 : index
    %get3A_1 = arith.constant 0 : index
    %get3A_2 = vector.load %arg2[%get3A, %get3A_0, %get3A_1] : memref<2x4x10000xf32, #tpu.memory_space<vmem>>, vector<1x1x10000xf32>
    %get3A_3 = vector.shape_cast %get3A_2 : vector<1x1x10000xf32> to vector<1x10000xf32>
    %get3A_4 = arith.constant 1 : index
    %get3A_5 = arith.constant 0 : index
    %get3A_6 = arith.constant 0 : index
    %get3A_7 = vector.load %arg2[%get3A_4, %get3A_5, %get3A_6] : memref<2x4x10000xf32, #tpu.memory_space<vmem>>, vector<1x1x10000xf32>
    %get3A_8 = vector.shape_cast %get3A_7 : vector<1x1x10000xf32> to vector<1x10000xf32>
    %add3A = arith.addf %get3A_3, %get3A_8 : vector<1x10000xf32>
    %max3A = arith.constant 1.000000e+00 : f32
    %max3A_9 = vector.broadcast %max3A : f32 to vector<1x10000xf32>
    %max3A_10 = arith.maximumf %add3A, %max3A_9 : vector<1x10000xf32>
    %rsqrt3A = math.rsqrt %max3A_10 : vector<1x10000xf32>
    %transpose3A = tpu.transpose %rsqrt3A, [1, 0] : vector<1x10000xf32> -> vector<10000x1xf32>
    %get3A_11 = arith.constant 0 : index
    %get3A_12 = arith.constant 0 : index
    %get3A_13 = vector.load %arg0[%get3A_11, %get3A_12] : memref<10000x64xf32, #tpu.memory_space<vmem>>, vector<10000x64xf32>
    %mul3A = vector.broadcast %transpose3A : vector<10000x1xf32> to vector<10000x64xf32>
    %mul3A_14 = arith.mulf %get3A_13, %mul3A : vector<10000x64xf32>
    %swap3A = arith.constant 0 : index
    %swap3A_15 = arith.constant 0 : index
    %swap3A_16 = vector.load %arg3[%swap3A, %swap3A_15] : memref<10000x64xf32, #tpu.memory_space<vmem>>, vector<10000x64xf32>
    tpu.vector_store %arg3[%swap3A, %swap3A_15], %mul3A_14 {strides = array<i32>} : memref<10000x64xf32, #tpu.memory_space<vmem>>, vector<10000x64xf32>,
    %get3A_17 = arith.constant 0 : index
    %get3A_18 = arith.constant 1 : index
    %get3A_19 = arith.constant 0 : index
    %get3A_20 = vector.load %arg2[%get3A_17, %get3A_18, %get3A_19] : memref<2x4x10000xf32, #tpu.memory_space<vmem>>, vector<1x1x10000xf32>
    %get3A_21 = vector.shape_cast %get3A_20 : vector<1x1x10000xf32> to vector<1x10000xf32>
    %get3A_22 = arith.constant 1 : index
    %get3A_23 = arith.constant 1 : index
    %get3A_24 = arith.constant 0 : index
    %get3A_25 = vector.load %arg2[%get3A_22, %get3A_23, %get3A_24] : memref<2x4x10000xf32, #tpu.memory_space<vmem>>, vector<1x1x10000xf32>
    %get3A_26 = vector.shape_cast %get3A_25 : vector<1x1x10000xf32> to vector<1x10000xf32>
    %add3A_27 = arith.addf %get3A_21, %get3A_26 : vector<1x10000xf32>
    %max3A_28 = arith.constant 1.000000e+00 : f32
    %max3A_29 = vector.broadcast %max3A_28 : f32 to vector<1x10000xf32>
    %max3A_30 = arith.maximumf %add3A_27, %max3A_29 : vector<1x10000xf32>
    %rsqrt3A_31 = math.rsqrt %max3A_30 : vector<1x10000xf32>
    %transpose3A_32 = tpu.transpose %rsqrt3A_31, [1, 0] : vector<1x10000xf32> -> vector<10000x1xf32>
    %swap3A_33 = arith.constant 0 : index
    %swap3A_34 = arith.constant 0 : index
    %swap3A_35 = vector.load %arg5[%swap3A_33, %swap3A_34] : memref<10000x2xf32, #tpu.memory_space<vmem>>, vector<10000x1xf32>
    tpu.vector_store %arg5[%swap3A_33, %swap3A_34], %transpose3A_32 {strides = array<i32>} : memref<10000x2xf32, #tpu.memory_space<vmem>>, vector<10000x1xf32>,
    %get3A_36 = arith.constant 0 : index
    %get3A_37 = arith.constant 2 : index
    %get3A_38 = arith.constant 0 : index
    %get3A_39 = vector.load %arg2[%get3A_36, %get3A_37, %get3A_38] : memref<2x4x10000xf32, #tpu.memory_space<vmem>>, vector<1x1x10000xf32>
    %get3A_40 = vector.shape_cast %get3A_39 : vector<1x1x10000xf32> to vector<1x10000xf32>
    %get3A_41 = arith.constant 1 : index
    %get3A_42 = arith.constant 2 : index
    %get3A_43 = arith.constant 0 : index
    %get3A_44 = vector.load %arg2[%get3A_41, %get3A_42, %get3A_43] : memref<2x4x10000xf32, #tpu.memory_space<vmem>>, vector<1x1x10000xf32>
    %get3A_45 = vector.shape_cast %get3A_44 : vector<1x1x10000xf32> to vector<1x10000xf32>
    %add3A_46 = arith.addf %get3A_40, %get3A_45 : vector<1x10000xf32>
    %max3A_47 = arith.constant 1.000000e+00 : f32
    %max3A_48 = vector.broadcast %max3A_47 : f32 to vector<1x10000xf32>
    %max3A_49 = arith.maximumf %add3A_46, %max3A_48 : vector<1x10000xf32>
    %rsqrt3A_50 = math.rsqrt %max3A_49 : vector<1x10000xf32>
    %transpose3A_51 = tpu.transpose %rsqrt3A_50, [1, 0] : vector<1x10000xf32> -> vector<10000x1xf32>
    %get3A_52 = arith.constant 0 : index
    %get3A_53 = arith.constant 0 : index
    %get3A_54 = vector.load %arg1[%get3A_52, %get3A_53] : memref<10000x64xf32, #tpu.memory_space<vmem>>, vector<10000x64xf32>
    %mul3A_55 = vector.broadcast %transpose3A_51 : vector<10000x1xf32> to vector<10000x64xf32>
    %mul3A_56 = arith.mulf %get3A_54, %mul3A_55 : vector<10000x64xf32>
    %swap3A_57 = arith.constant 0 : index
    %swap3A_58 = arith.constant 0 : index
    %swap3A_59 = vector.load %arg4[%swap3A_57, %swap3A_58] : memref<10000x64xf32, #tpu.memory_space<vmem>>, vector<10000x64xf32>
    tpu.vector_store %arg4[%swap3A_57, %swap3A_58], %mul3A_56 {strides = array<i32>} : memref<10000x64xf32, #tpu.memory_space<vmem>>, vector<10000x64xf32>,
    %get3A_60 = arith.constant 0 : index
    %get3A_61 = arith.constant 3 : index
    %get3A_62 = arith.constant 0 : index
    %get3A_63 = vector.load %arg2[%get3A_60, %get3A_61, %get3A_62] : memref<2x4x10000xf32, #tpu.memory_space<vmem>>, vector<1x1x10000xf32>
    %get3A_64 = vector.shape_cast %get3A_63 : vector<1x1x10000xf32> to vector<1x10000xf32>
    %get3A_65 = arith.constant 1 : index
    %get3A_66 = arith.constant 3 : index
    %get3A_67 = arith.constant 0 : index
    %get3A_68 = vector.load %arg2[%get3A_65, %get3A_66, %get3A_67] : memref<2x4x10000xf32, #tpu.memory_space<vmem>>, vector<1x1x10000xf32>
    %get3A_69 = vector.shape_cast %get3A_68 : vector<1x1x10000xf32> to vector<1x10000xf32>
    %add3A_70 = arith.addf %get3A_64, %get3A_69 : vector<1x10000xf32>
    %max3A_71 = arith.constant 1.000000e+00 : f32
    %max3A_72 = vector.broadcast %max3A_71 : f32 to vector<1x10000xf32>
    %max3A_73 = arith.maximumf %add3A_70, %max3A_72 : vector<1x10000xf32>
    %rsqrt3A_74 = math.rsqrt %max3A_73 : vector<1x10000xf32>
    %transpose3A_75 = tpu.transpose %rsqrt3A_74, [1, 0] : vector<1x10000xf32> -> vector<10000x1xf32>
    %swap3A_76 = arith.constant 0 : index
    %swap3A_77 = arith.constant 1 : index
    %swap3A_78 = vector.load %arg5[%swap3A_76, %swap3A_77] : memref<10000x2xf32, #tpu.memory_space<vmem>>, vector<10000x1xf32>
    tpu.vector_store %arg5[%swap3A_76, %swap3A_77], %transpose3A_75 {strides = array<i32>} : memref<10000x2xf32, #tpu.memory_space<vmem>>, vector<10000x1xf32>,
    return
  }
}

module attributes {stable_mosaic.version = 14 : i64} {
  func.func @body(%arg0: memref<2x10000x64xf32, #tpu.memory_space<vmem>>, %arg1: memref<10000x2xf32, #tpu.memory_space<vmem>>, %arg2: memref<64x128xf32, #tpu.memory_space<vmem>>, %arg3: memref<1x128xf32, #tpu.memory_space<vmem>>, %arg4: memref<10000x128xf32, #tpu.memory_space<vmem>>) attributes {dimension_semantics = [], scalar_prefetch = 0 : i64, scratch_operands = 0 : i64, tpu.core_type = #tpu.core_type<tc>} {
    %get3A = arith.constant 0 : index
    %get3A_0 = arith.constant 0 : index
    %get3A_1 = arith.constant 0 : index
    %get3A_2 = vector.load %arg0[%get3A, %get3A_0, %get3A_1] : memref<2x10000x64xf32, #tpu.memory_space<vmem>>, vector<1x10000x64xf32>
    %get3A_3 = vector.shape_cast %get3A_2 : vector<1x10000x64xf32> to vector<10000x64xf32>
    %get3A_4 = arith.constant 1 : index
    %get3A_5 = arith.constant 0 : index
    %get3A_6 = arith.constant 0 : index
    %get3A_7 = vector.load %arg0[%get3A_4, %get3A_5, %get3A_6] : memref<2x10000x64xf32, #tpu.memory_space<vmem>>, vector<1x10000x64xf32>
    %get3A_8 = vector.shape_cast %get3A_7 : vector<1x10000x64xf32> to vector<10000x64xf32>
    %add3A = arith.addf %get3A_3, %get3A_8 : vector<10000x64xf32>
    %get3A_9 = arith.constant 0 : index
    %get3A_10 = arith.constant 1 : index
    %get3A_11 = vector.load %arg1[%get3A_9, %get3A_10] : memref<10000x2xf32, #tpu.memory_space<vmem>>, vector<10000x1xf32>
    %mul3A = vector.broadcast %get3A_11 : vector<10000x1xf32> to vector<10000x64xf32>
    %mul3A_12 = arith.mulf %add3A, %mul3A : vector<10000x64xf32>
    %get3A_13 = arith.constant 0 : index
    %get3A_14 = arith.constant 0 : index
    %get3A_15 = vector.load %arg2[%get3A_13, %get3A_14] : memref<64x128xf32, #tpu.memory_space<vmem>>, vector<64x128xf32>
    %dot_general3A = arith.constant dense<0.000000e+00> : vector<10000x128xf32>
    %dot_general3A_16 = tpu.matmul %mul3A_12, %get3A_15, %dot_general3A {dimension_numbers = #tpu.dot_dimension_numbers<[1], [0], [0], [1], [0, 0, 1, 1], [], []>, transpose_lhs_hint = false} : vector<10000x64xf32>, vector<64x128xf32>, vector<10000x128xf32> -> vector<10000x128xf32>
    %get3A_17 = arith.constant 0 : index
    %get3A_18 = arith.constant 0 : index
    %get3A_19 = vector.load %arg3[%get3A_17, %get3A_18] : memref<1x128xf32, #tpu.memory_space<vmem>>, vector<1x128xf32>
    %add3A_20 = vector.broadcast %get3A_19 : vector<1x128xf32> to vector<10000x128xf32>
    %add3A_21 = arith.addf %dot_general3A_16, %add3A_20 : vector<10000x128xf32>
    %swap3A = arith.constant 0 : index
    %swap3A_22 = arith.constant 0 : index
    %swap3A_23 = vector.load %arg4[%swap3A, %swap3A_22] : memref<10000x128xf32, #tpu.memory_space<vmem>>, vector<10000x128xf32>
    tpu.vector_store %arg4[%swap3A, %swap3A_22], %add3A_21 {strides = array<i32>} : memref<10000x128xf32, #tpu.memory_space<vmem>>, vector<10000x128xf32>,
    return
  }
}

module attributes {stable_mosaic.version = 14 : i64} {
  func.func @body(%arg0: memref<2x10000x64xf32, #tpu.memory_space<vmem>>, %arg1: memref<10000x2xf32, #tpu.memory_space<vmem>>, %arg2: memref<64x128xf32, #tpu.memory_space<vmem>>, %arg3: memref<1x128xf32, #tpu.memory_space<vmem>>, %arg4: memref<10000x128xf32, #tpu.memory_space<vmem>>) attributes {dimension_semantics = [], scalar_prefetch = 0 : i64, scratch_operands = 0 : i64, tpu.core_type = #tpu.core_type<tc>} {
    %get3A = arith.constant 0 : index
    %get3A_0 = arith.constant 0 : index
    %get3A_1 = arith.constant 0 : index
    %get3A_2 = vector.load %arg0[%get3A, %get3A_0, %get3A_1] : memref<2x10000x64xf32, #tpu.memory_space<vmem>>, vector<1x10000x64xf32>
    %get3A_3 = vector.shape_cast %get3A_2 : vector<1x10000x64xf32> to vector<10000x64xf32>
    %get3A_4 = arith.constant 1 : index
    %get3A_5 = arith.constant 0 : index
    %get3A_6 = arith.constant 0 : index
    %get3A_7 = vector.load %arg0[%get3A_4, %get3A_5, %get3A_6] : memref<2x10000x64xf32, #tpu.memory_space<vmem>>, vector<1x10000x64xf32>
    %get3A_8 = vector.shape_cast %get3A_7 : vector<1x10000x64xf32> to vector<10000x64xf32>
    %add3A = arith.addf %get3A_3, %get3A_8 : vector<10000x64xf32>
    %get3A_9 = arith.constant 0 : index
    %get3A_10 = arith.constant 0 : index
    %get3A_11 = vector.load %arg1[%get3A_9, %get3A_10] : memref<10000x2xf32, #tpu.memory_space<vmem>>, vector<10000x1xf32>
    %mul3A = vector.broadcast %get3A_11 : vector<10000x1xf32> to vector<10000x64xf32>
    %mul3A_12 = arith.mulf %add3A, %mul3A : vector<10000x64xf32>
    %get3A_13 = arith.constant 0 : index
    %get3A_14 = arith.constant 0 : index
    %get3A_15 = vector.load %arg2[%get3A_13, %get3A_14] : memref<64x128xf32, #tpu.memory_space<vmem>>, vector<64x128xf32>
    %dot_general3A = arith.constant dense<0.000000e+00> : vector<10000x128xf32>
    %dot_general3A_16 = tpu.matmul %mul3A_12, %get3A_15, %dot_general3A {dimension_numbers = #tpu.dot_dimension_numbers<[1], [0], [0], [1], [0, 0, 1, 1], [], []>, transpose_lhs_hint = false} : vector<10000x64xf32>, vector<64x128xf32>, vector<10000x128xf32> -> vector<10000x128xf32>
    %get3A_17 = arith.constant 0 : index
    %get3A_18 = arith.constant 0 : index
    %get3A_19 = vector.load %arg3[%get3A_17, %get3A_18] : memref<1x128xf32, #tpu.memory_space<vmem>>, vector<1x128xf32>
    %add3A_20 = vector.broadcast %get3A_19 : vector<1x128xf32> to vector<10000x128xf32>
    %add3A_21 = arith.addf %dot_general3A_16, %add3A_20 : vector<10000x128xf32>
    %swap3A = arith.constant 0 : index
    %swap3A_22 = arith.constant 0 : index
    %swap3A_23 = vector.load %arg4[%swap3A, %swap3A_22] : memref<10000x128xf32, #tpu.memory_space<vmem>>, vector<10000x128xf32>
    tpu.vector_store %arg4[%swap3A, %swap3A_22], %add3A_21 {strides = array<i32>} : memref<10000x128xf32, #tpu.memory_space<vmem>>, vector<10000x128xf32>,
    return
  }
}

</mosaic_0001>

<sc_bundles>
// kernel: kernel.11.cloned.1.call-start
scs
__scs_entry_jumppad:
0x0: {  	(pc) =	sbr.rel $0x88, $3  }
0x1: {  	(tag) =	ssettag $0x0;
	lr =	simm.s32 $0x1  }
0x2: {  	[smem:$0x3F9B] =	sst lr;
	_ =	strace $0xD0000000  }
0x3: {  	_ = 	snop  }
0x4: {  	_ = 	snop  }
0x5: {  	_ = 	snop  }
0x6: {  	_ = 	snop  }
0x7: {  	_ = 	snop  }
__scs_overlays_trampoline_lowered:
0x8: {  	[smem:$0x3FAA] =	sst s0  }
0x9: {  	[smem:$0x3FAB] =	sst s1  }
0xa: {  	[smem:$0x3FAC] =	sst s2  }
0xb: {  	[smem:$0x3FAD] =	sst s3  }
0xc: {  	[smem:$0x3FAE] =	sst s4  }
0xd: {  	[smem:$0x3FAF] =	sst s5  }
0xe: {  	[smem:$0x3FB0] =	sst s6  }
0xf: {  	[smem:$0x3FB1] =	sst s7  }
0x10: {  	[smem:$0x3FB2] =	sst s8  }
0x11: {  	[smem:$0x3FB3] =	sst s9;
	s0 =	simm.s32 @!p0 $0x0  }
0x12: {  	s1 =	sld [smem:$0x3F99];
	s0 =	simm.s32 @p0 $0x1  }
0x13: {  	[smem:$0x3FB4] =	sst s0;
	s0 =	simm.s32 @!p1 $0x0  }
0x14: {  	s2 =	sld [smem:$0x3F98];
	s0 =	simm.s32 @p1 $0x1  }
0x15: {  	[smem:$0x3FB5] =	sst s0;
	s0 =	simm.s32 @!p2 $0x0  }
0x16: {  	s3 =	sld [smem:$0x3FDB];
	s0 =	simm.s32 @p2 $0x1  }
0x17: {  	s4 =	simm.s32 $0x1BF5;
	[smem:$0x3FB7] =	sst s0  }
0x18: {  	s0 =	sld [smem:$0x3F9A];
	_ =	swait.ge [sflag:s4], $0x0  }
0x19: {  	s7 =	sld [smem:$0x3F9B]  }
0x1a: {  	s8 =	sadd.s32 $0xFFFFE003, lr  }
0x1b: {  	s9 =	sadd.s32 $0xFFFFFEF7, lr;
	s5 =	simm.s32 $0xFFFFFFFF;
	p2 =	slt.u32 s8, $0xFFFFF086  }
0x1c: {  	p1 =	slt.u32 s9, $0xF7A;
	s5 =	simm.s32 @!p2 $0x0  }
0x1d: {  	s5 =	simm.s32 @p1 $0x1;
	p0 =	seq.s32 s7, s2  }
0x1e: {  	s7 =	smul.u32 @!p0 $0xF7A, s2;
	p2 =	seq.s32 @!p0 s5, $0x0  }
0x1f: {  	s9 =	smul.u32 $0xF7A, s1;
	s8 =	simm.s32 @!p0 $0x1BF5;
	p2 =	por !p2, p0  }
0x20: {  	[sflag:s8] =	ssyncset.s32 @!p0 $0xFFFFF086;
	s6 =	sadd.s32 @!p0 s3, s7;
	s7 =	simm.s32 @!p0 $0x108  }
0x21: {  	s3 =	sadd.s32 s3, s9;
	s6 =	sadd.s32 @!p0 $0x88, s6;
	s7 =	simm.s32 @p2 $0x1082  }
0x22: {  	[simem:s7], [sflag:s8] =	dma.local @!p0 [hbm:s6], $0xF7A  }
0x23: {  	s9 =	sor.u32 $0xD0000000, s2;
	s6 =	simm.s32 $0x108;
	_ =	swait.ge @!p0 [sflag:s8], $0x0  }
0x24: {  	s3 =	sadd.s32 $0x88, s3;
	s6 =	simm.s32 @!p1 $0x1082;
	[sflag:s4] =	ssyncset.s32 $0xFFFFF086  }
0x25: {  	[simem:s6], [sflag:s4] =	dma.local [hbm:s3], $0xF7A  }
0x26: {  	[smem:$0x3F9B] =	sst s1;
	(tag) =	ssettag s2;
	_ =	strace s9  }
0x27: {  	s1 =	sld [smem:$0x3FAB]  }
0x28: {  	s2 =	sld [smem:$0x3FAC]  }
0x29: {  	s4 =	sld [smem:$0x3FAE]  }
0x2a: {  	p0 =	seq.s32 s5, $0x0;
	s5 =	sld [smem:$0x3FAF]  }
0x2b: {  	s6 =	sld [smem:$0x3FB0]  }
0x2c: {  	s7 =	sld [smem:$0x3FB1]  }
0x2d: {  	s3 =	simm.s32 $0x108;
	s8 =	sld [smem:$0x3FB2]  }
0x2e: {  	s3 =	simm.s32 @!p0 $0x1082;
	s9 =	sld [smem:$0x3FB3]  }
0x2f: {  	lr =	sadd.s32 s0, s3;
	s0 =	sld [smem:$0x3FAA]  }
0x30: {  	s3 =	sld [smem:$0x3FAD]  }
0x31: {  	[smem:$0x3FB6] =	sst s10  }
0x32: {  	s10 =	sld [smem:$0x3FB4];
	_ =	sdelay $0x3  }
0x33: {  	p0 =	seq.s32 s10, $0x1;
	s10 =	sld [smem:$0x3FB6];
	_ =	sdelay $0x3  }
0x34: {  	[smem:$0x3FB6] =	sst s10  }
0x35: {  	s10 =	sld [smem:$0x3FB5];
	_ =	sdelay $0x3  }
0x36: {  	p1 =	seq.s32 s10, $0x1;
	s10 =	sld [smem:$0x3FB6];
	_ =	sdelay $0x3  }
0x37: {  	[smem:$0x3FB6] =	sst s10  }
0x38: {  	s10 =	sld [smem:$0x3FB7]  }
0x39: {  	_ = 	snop;
	(pc) =	sbr.ind lr, $3  }
0x3a: {  	_ = 	snop  }
0x3b: {  	_ = 	snop  }
0x3c: {  	p2 =	seq.s32 s10, $0x1;
	s10 =	sld [smem:$0x3FB6]  }
0x3d: {  	_ =	shalt  }
0x3e: {  	_ =	shalt  }
0x3f: {  	_ =	shalt  }
0x40: {  	_ =	shalt  }
0x41: {  	_ =	shalt  }
0x42: {  	_ =	shalt  }
0x43: {  	_ =	shalt  }
0x44: {  	_ =	shalt  }
0x45: {  	_ =	shalt  }
0x46: {  	_ =	shalt  }
0x47: {  	_ =	shalt  }
0x48: {  	_ =	shalt  }
0x49: {  	_ =	shalt  }
0x4a: {  	_ =	shalt  }
0x4b: {  	_ =	shalt  }
0x4c: {  	_ =	shalt  }
0x4d: {  	_ =	shalt  }
0x4e: {  	_ =	shalt  }
0x4f: {  	_ =	shalt  }
0x50: {  	_ =	shalt  }
0x51: {  	_ =	shalt  }
0x52: {  	_ =	shalt  }
0x53: {  	_ =	shalt  }
0x54: {  	_ =	shalt  }
0x55: {  	_ =	shalt  }
0x56: {  	_ =	shalt  }
0x57: {  	_ =	shalt  }
0x58: {  	_ =	shalt  }
0x59: {  	_ =	shalt  }
0x5a: {  	_ =	shalt  }
0x5b: {  	_ =	shalt  }
0x5c: {  	_ =	shalt  }
0x5d: {  	_ =	shalt  }
0x5e: {  	_ =	shalt  }
0x5f: {  	_ =	shalt  }
0x60: {  	_ =	shalt  }
0x61: {  	_ =	shalt  }
0x62: {  	_ =	shalt  }
0x63: {  	_ =	shalt  }
0x64: {  	_ =	shalt  }
0x65: {  	_ =	shalt  }
0x66: {  	_ =	shalt  }
0x67: {  	_ =	shalt  }
0x68: {  	_ =	shalt  }
0x69: {  	_ =	shalt  }
0x6a: {  	_ =	shalt  }
0x6b: {  	_ =	shalt  }
0x6c: {  	_ =	shalt  }
0x6d: {  	_ =	shalt  }
0x6e: {  	_ =	shalt  }
0x6f: {  	_ =	shalt  }
0x70: {  	_ =	shalt  }
0x71: {  	_ =	shalt  }
0x72: {  	_ =	shalt  }
0x73: {  	_ =	shalt  }
0x74: {  	_ =	shalt  }
0x75: {  	_ =	shalt  }
0x76: {  	_ =	shalt  }
0x77: {  	_ =	shalt  }
0x78: {  	_ =	shalt  }
0x79: {  	_ =	shalt  }
0x7a: {  	_ =	shalt  }
0x7b: {  	_ =	shalt  }
0x7c: {  	_ =	shalt  }
0x7d: {  	_ =	shalt  }
0x7e: {  	_ =	shalt  }
0x7f: {  	_ =	shalt  }
0x80: {  	_ =	shalt  }
0x81: {  	_ =	shalt  }
0x82: {  	_ =	shalt  }
0x83: {  	_ =	shalt  }
0x84: {  	_ =	shalt  }
0x85: {  	_ =	shalt  }
0x86: {  	_ =	shalt  }
0x87: {  	_ =	shalt  }
.Lfunc_end0:
.L_simem_size_0:
called_computation.1_lowered:
.L_overlay_start_0:
0x88: {  	s2 =	sld [smem:$0x3FD9]  }
0x89: {  	s3 =	sld [smem:$0x3FFE];
	_ =	sdelay $0x1  }
0x8a: {  	s1 =	srdreg.scid  }
0x8b: {  	s0 =	sand.u32 $0x1, s1  }
0x8c: {  	s15 =	sshll.u32 s0, $0xA;
	s2 =	sadd.s32 s3, s2  }
0x8d: {  	s2 =	sadd.s32 s2, s15  }
0x8e: {  	[smem:$0x3FC2] =	sst s2  }
0x8f: {  	_ = 	snop  }
0x90: {  	s2 =	sld [smem:$0x3FD0];
	_ =	sdelay $0x2  }
0x91: {  	s16 =	simm.s32 $0xB;
	s4 =	simm.s32 $0x10  }
0x92: {  	[smem:s4], [sflag:s16] =	dma.local [hbm:s2], $0x1  }
0x93: {  	_ =	swait.eq [sflag:s16], $0x1  }
0x94: {  	[sflag:s16] =	ssyncset.done $0x0  }
0x95: {  	[sflag:s16] =	ssyncadd.s32 $0xFFFFFFFF  }
0x96: {  	s17 =	sld [smem:$0x11];
	(tm) =	ssettm $0x1  }
0x97: {  	s18 =	sld [smem:$0x3FFB];
	_ =	sdelay $0x3  }
0x98: {  	_ =	strace s18  }
0x99: {  	s2 =	sld [smem:$0x3FFC];
	_ =	sdelay $0x3  }
0x9a: {  	_ =	strace s2  }
0x9b: {  	s2 =	sld [smem:$0x3FFD];
	_ =	sdelay $0x3  }
0x9c: {  	_ =	strace s2  }
0x9d: {  	_ =	strace $0x8FFFFFFF  }
0x9e: {  	s19 =	sld [smem:$0x3FDB];
	_ =	sdelay $0x1  }
0x9f: {  	s20 =	simm.s32 $_scs_section_size  }
0xa0: {  	s5 =	simm.s32 $_size__tile_overlayer_lowered;
	s6 =	simm.s32 $_tile_overlayer_lowered  }
0xa1: {  	s7 =	simm.s32 $0x1BFF;
	s21 =	sshll.u32 s6, $0x1;
	s4 =	sadd.s32 s20, s19  }
0xa2: {  	s22 =	simm.s32 $0x0;
	s5 =	sshll.u32 s5, $0x1;
	s6 =	sadd.s32 s21, s4  }
0xa3: {  	[timem:s22], [sflag:s7] =	dma.local [hbm:s6], s5  }
0xa4: {  	_ =	swait.ge [sflag:s7], s5  }
0xa5: {  	s5 =	ssub.s32 $0x0, s5;
	[sflag:s7] =	ssyncset.done $0x0  }
0xa6: {  	[sflag:s7] =	ssyncadd.s32 s5;
	_ =	sdelay $0x1  }
0xa7: {  	s23 =	simm.s32 $0x1B8B  }
0xa8: {  	_ =	swait.ge [sflag:s23], $0x1  }
0xa9: {  	[sflag:s23] =	ssyncset.done $0x0  }
0xaa: {  	[sflag:s23] =	ssyncadd.s32 $0xFFFFFFFF  }
0xab: {  	s5 =	sld [smem:$0x0]  }
0xac: {  	s6 =	sand.u32 $0xFFFFFFFE, s1  }
0xad: {  	p0 =	sne.s32 s1, s6  }
0xae: {  	s6 =	sshll.u32 @p0 s6, $0xE  }
0xaf: {  	s6 =	sadd.s32 @p0 $0x11B8D, s6;
	s7 =	sshll.u32 @p0 s5, $0x11  }
0xb0: {  	s6 =	sor.u32 @p0 s7, s6  }
0xb1: {  	[sflag:s6] =	ssyncadd.remote.s32 @p0 $0x1;
	_ =	sdelay $0x1  }
0xb2: {  	s6 =	simm.s32 @p0 $0x1B8D  }
0xb3: {  	_ =	swait.eq @p0 [sflag:s6], $0x1  }
0xb4: {  	[sflag:s6] =	ssyncadd.s32 @p0 $0xFFFFFFFF  }
0xb5: {  	s7 =	sshll.u32 @!p0 s1, $0xE  }
0xb6: {  	s7 =	sor.u32 @!p0 $0x4000, s7;
	s6 =	simm.s32 @!p0 $0x1B8D  }
0xb7: {  	s5 =	sshll.u32 @!p0 s5, $0x11;
	s7 =	sadd.s32 @!p0 $0x11B8D, s7;
	_ =	swait.eq @!p0 [sflag:s6], $0x1  }
0xb8: {  	s5 =	sor.u32 @!p0 s5, s7;
	[sflag:s6] =	ssyncadd.s32 @!p0 $0xFFFFFFFF  }
0xb9: {  	s25 =	simm.s32 $0x1B8E;
	s24 =	sld [smem:$0x3FFE];
	[sflag:s5] =	ssyncadd.remote.s32 @!p0 $0x1  }
0xba: {  	s26 =	simm.s32 $execute0_lowered;
	[smem:$0x3FD2] =	sst s25  }
0xbb: {  	s6 =	sshll.u32 s26, $0x1;
	_ =	strace $0x8000004C;
	[dreg:$0x1] =	wrdreg $0xFFFFFFFF  }
0xbc: {  	s28 =	simm.s32 $_size_execute0_lowered;
	s4 =	sadd.s32 s4, s6;
	[dreg:$0x0] =	wrdreg $0x0  }
0xbd: {  	s6 =	sshll.u32 s28, $0x1;
	[dreg:$0x2] =	wrdreg s4  }
0xbe: {  	[dreg:$0x3] =	wrdreg s6  }
0xbf: {  	[dreg:$0x4] =	wrdreg $0xC0  }
0xc0: {  	_ =	task [dreg:s22], $0x5FFFF  }
0xc1: {  	[dreg:$0x1] =	wrdreg $0xFFFFFFFF  }
0xc2: {  	[dreg:$0x0] =	wrdreg $0x60  }
0xc3: {  	[dreg:$0x2] =	wrdreg s24  }
0xc4: {  	[dreg:$0x3] =	wrdreg s17  }
0xc5: {  	[dreg:$0x4] =	wrdreg $0x0  }
0xc6: {  	[dreg:$0x5] =	wrdreg $0x9C400  }
0xc7: {  	[dreg:$0x6] =	wrdreg $0x9  }
0xc8: {  	_ =	task.clear_ibuf [dreg:s22], $0x7FFFF;
	_ =	strace $0x9000004C  }
0xc9: {  	s29 =	simm.s32 $0x9;
	_ =	strace $0x8000004E  }
0xca: {  	_ =	swait.ge [sflag:s29], $0x1  }
0xcb: {  	[sflag:s29] =	ssyncadd.s32 $0xFFFFFFFF  }
0xcc: {  	_ =	strace $0x9000004E  }
0xcd: {  	_ =	sfence  }
0xce: {  	s30 =	sld [smem:$0x0];
	_ =	sdelay $0x2  }
0xcf: {  	s31 =	sshll.u32 s1, $0xD;
	s1 =	sshrl.u32 s1, $0x2  }
0xd0: {  	s4 =	sand.u32 $0x4000, s31;
	s1 =	sadd.s32 s1, s30  }
0xd1: {  	s0 =	sor.u32 s4, s0;
	s1 =	sshll.u32 s1, $0x11  }
0xd2: {  	s0 =	sor.u32 s1, s0  }
0xd3: {  	s0 =	sadd.s32 $0x8F2B, s0  }
0xd4: {  	[sflag:s0] =	ssyncadd.remote.s32 $0x1  }
0xd5: {  	_ =	sfence.sel $0xFFFF  }
0xd6: {  	[dreg:$0x0] =	wrdreg $0xFFFFFFFF;
	(pc) =	sbr.abs _section_cstart, $3  }
0xd7: {  	[dreg:$0x1] =	wrdreg $0xFFFFFFFF  }
0xd8: {  	_ =	task.clear_ibuf [dreg:s22], $0x2FFFF;
	_ =	strace $0x9FFFFFFF  }
0xd9: {  	(tm) =	ssettm $0x7FFFFFFF  }
tec
execute0_lowered:
.L_overlay_start_1:
0x0: {  	(tag) =	ssettag $0x1  }
0x1: {  	s0 =	rddreg [dreg:$0x0]  }
0x2: {  	s5 =	rddreg [dreg:$0x1]  }
0x3: {  	s2 =	rddreg [dreg:$0x2]  }
0x4: {  	s3 =	rddreg [dreg:$0x3]  }
0x5: {  	s1 =	stileid.u32;
	s6 =	srdreg.scid  }
0x6: {  	s4 =	simm.s32 $0x0;
	s28 =	simm.s32 $0x80;
	s29 =	simm.s32 $0x18780  }
0x7: {  	s30 =	simm.s32 $0x13900;
	s31 =	simm.s32 $0x1A780;
	s7 =	smul.u32 $0xFA00, s1  }
0x8: {  	s6 =	sand.u32 $0x1, s6;
	[smem:$0x7FF] =	sst s4;
	s13 =	sadd.s32 $0x15200, s0  }
0x9: {  	s15 =	sadd.s32 $0x3C600, s0;
	s18 =	sadd.s32 $0x75300, s2;
	s20 =	sadd.s32 $0x4B060, s0  }
0xa: {  	s19 =	sadd.s32 $0x4E200, s2;
	s21 =	sadd.s32 $0x46240, s0;
	s22 =	sadd.s32 $0x41420, s0  }
0xb: {  	p0 =	sgt.s32 s1, $0x1;
	p1 =	seq.s32 s1, $0x0;
	s23 =	sshrl.u32 s2, $0x3  }
0xc: {  	p2 =	seq.s32 s1, $0x1;
	_ =	strace $0x8000004D;
	[dreg:$0x5] =	wrdreg s15  }
0xd: {  	p5 =	seq.s32 s1, $0x2;
	p6 =	seq.s32 s1, $0x3;
	[dreg:$0x6] =	wrdreg s20  }
0xe: {  	s8 =	sshll.u32 s6, $0x4;
	s26 =	ssub.s32 $0x2, s6;
	[dreg:$0x7] =	wrdreg s21  }
0xf: {  	s20 =	sadd.s32 $0x27100, s2;
	s6 =	smul.u32 $0x9C400, s6;
	[dreg:$0x8] =	wrdreg s22  }
0x10: {  	[dreg:$0x9] =	wrdreg s23;
	s22 =	simm.s32 $0x5;
	s25 =	sshrl.u32 s19, $0x3  }
0x11: {  	s19 =	simm.s32 $0x2;
	s9 =	sshrl.u32 s7, $0x3;
	s8 =	sor.u32 s1, s8  }
0x12: {  	s12 =	sshrl.u32 s26, $0x1;
	s21 =	sadd.s32 s7, s3;
	s24 =	sshrl.u32 s20, $0x3  }
0x13: {  	[dreg:$0xb] =	wrdreg s25;
	s10 =	sadd.s32 s9, s0;
	s11 =	smul.u32 $0x4E, s8  }
0x14: {  	s14 =	smin.u32 s8, $0x4;
	s17 =	ssub.s32 s26, s12;
	s6 =	sadd.s32 s7, s6  }
0x15: {  	[dreg:$0xa] =	wrdreg s24;
	p3 =	sgt.u32 s8, $0x3;
	s23 =	sshrl.u32 s21, $0x3  }
0x16: {  	s26 =	sshrl.u32 s18, $0x3;
	s21 =	simm.s32 $0x3;
	s8 =	simm.s32 $0x0  }
0x17: {  	s10 =	sadd.s32 $0x50000, s10;
	s6 =	sshrl.u32 s6, $0x3;
	s17 =	smax.u32 s17, $0x1  }
0x18: {  	[dreg:$0xc] =	wrdreg s26;
	s26 =	simm.s32 $0x13880;
	s16 =	sadd.s32 s14, s11  }
0x19: {  	s14 =	sadd.s32 $0x1EE40, s0;
	s15 =	sadd.s32 s5, s6;
	s0 =	simm.s32 @!p2 $0x0  }
0x1a: {  	s5 =	simm.s32 $0x4;
	s6 =	simm.s32 $0x18600;
	s9 =	sshll.u32 s16, $0x4  }
0x1b: {  	s16 =	sadd.s32 s7, s2;
	s0 =	simm.s32 @p2 $0x1;
	p2 =	slt.u32 s1, $0xA  }
0x1c: {  	s7 =	simm.s32 $0x18680;
	[smem:$0x7FC] =	sst s0;
	s0 =	simm.s32 @!p2 $0x0  }
0x1d: {  	s11 =	sadd.s32 $0x4E0, s9;
	s12 =	sadd.s32 s13, s9;
	s0 =	simm.s32 @p2 $0x1  }
0x1e: {  	s13 =	sadd.s32 s13, s11;
	[smem:$0x7FD] =	sst s0;
	s0 =	simm.s32 $0x1  }
.LBB2_1:
.Ltmp0:
0x1f: {  	(pc) =	sbr.rel @p0 .LBB2_5-.Ltmp0, $1  }
0x20: {  	_ =	sdelay $0x3  }
.Ltmp1:
0x21: {  	(pc) =	sbr.rel @p1 .LBB2_9-.Ltmp1, $1  }
0x22: {  	_ =	sdelay $0x3  }
0x23: {  	s18 =	sld [smem:$0x7FC];
	_ =	sdelay $0x2  }
0x24: {  	p2 =	seq.s32 s18, $0x1  }
.Ltmp2:
0x25: {  	_ = 	snop;
	(pc) =	sbr.rel @!p2 .LBB2_8-.Ltmp2, $1  }
0x26: {  	_ =	sdelay $0x3  }
.Ltmp3:
0x27: {  	(pc) =	sbr.rel .LBB2_10-.Ltmp3, $4  }
0x28: {  	_ = 	snop  }
0x29: {  	s18 =	rddreg [dreg:$0x8]  }
0x2a: {  	s20 =	rddreg [dreg:$0xa];
	s24 =	simm.s32 $0x1C45  }
0x2b: {  	[spmem:s20], [sflag:s24] =	dma.local [hbm:s18], $0x4E20  }
.LBB2_5:
.Ltmp4:
0x2c: {  	(pc) =	sbr.rel @p5 .LBB2_16-.Ltmp4, $1  }
0x2d: {  	_ =	sdelay $0x3  }
.Ltmp5:
0x2e: {  	(pc) =	sbr.rel @!p6 .LBB2_8-.Ltmp5, $1  }
0x2f: {  	_ =	sdelay $0x3  }
.Ltmp6:
0x30: {  	(pc) =	sbr.rel .LBB2_10-.Ltmp6, $4  }
0x31: {  	_ = 	snop  }
0x32: {  	s18 =	rddreg [dreg:$0x6]  }
0x33: {  	s20 =	rddreg [dreg:$0xc];
	s24 =	simm.s32 $0x1CC5  }
0x34: {  	[spmem:s20], [sflag:s24] =	dma.local [hbm:s18], $0x4E20  }
.LBB2_8:
0x35: {  	s18 =	sld [smem:$0x7FD];
	_ =	sdelay $0x2  }
0x36: {  	p2 =	seq.s32 s18, $0x1  }
.Ltmp7:
0x37: {  	_ = 	snop;
	(pc) =	sbr.rel @p2 .LBB2_11-.Ltmp7, $4  }
.Ltmp8:
0x38: {  	_ = 	snop;
	(pc) =	sbr.rel @!p2 .LBB2_12-.Ltmp8, $4  }
0x39: {  	_ = 	snop  }
0x3a: {  	_ = 	snop  }
0x3b: {  	p4 =	por $0x0, $0x0  }
0x3c: {  	_ = 	snop  }
.LBB2_9:
.Ltmp9:
0x3d: {  	(pc) =	sbr.rel .LBB2_10-.Ltmp9, $4  }
0x3e: {  	_ = 	snop  }
0x3f: {  	s18 =	rddreg [dreg:$0x5]  }
0x40: {  	s20 =	rddreg [dreg:$0x9];
	s24 =	simm.s32 $0x1C05  }
0x41: {  	[spmem:s20], [sflag:s24] =	dma.local [hbm:s18], $0x4E20  }
.LBB2_16:
0x42: {  	s18 =	rddreg [dreg:$0x7]  }
0x43: {  	s20 =	rddreg [dreg:$0xb];
	s24 =	simm.s32 $0x1C85  }
0x44: {  	[spmem:s20], [sflag:s24] =	dma.local [hbm:s18], $0x4E20  }
.LBB2_10:
0x45: {  	_ =	swait.ge [sflag:s22], $0x4E20  }
0x46: {  	[sflag:s22] =	ssyncset.done $0x0  }
0x47: {  	[sflag:s22] =	ssyncadd.s32 $0xFFFFB1E0  }
.LBB2_11:
0x48: {  	s18 =	sshll.u32 s1, $0x6  }
0x49: {  	s18 =	sor.u32 $0x1C05, s18  }
0x4a: {  	[spmem:s23], [sflag:s18] =	dma.local [hbm:s10], $0x1F40  }
0x4b: {  	_ =	swait.ge [sflag:s22], $0x1F40  }
0x4c: {  	[sflag:s22] =	ssyncset.done $0x0  }
0x4d: {  	p4 =	por $0x1, $0x1;
	[sflag:s22] =	ssyncadd.s32 $0xFFFFE0C0  }
.LBB2_12:
0x4e: {  	[tilespmem:s26], [sflag:$0x5] =	stream.linear.gather [hbm4b:s12+s4], $0x2700, $0x38;
	[tilespmem:$0x1C780] =	vst v63  }
0x4f: {  	_ =	swait.ge [sflag:s22], $0x2700  }
0x50: {  	s18 =	sadd.s32 @p3 s9, s14;
	[sflag:s22] =	ssyncset.done $0x0  }
0x51: {  	s20 =	simm.s32 @p3 $0x0;
	s24 =	simm.s32 @p3 $0x16000;
	[sflag:s22] =	ssyncadd.s32 $0xFFFFD900  }
0x52: {  	[tilespmem:s24], [sflag:$0x5] =	stream.linear.gather @p3 [hbm4b:s18+s20], $0x2700, $0x38;
	[tilespmem:$0x1C780] =	vst v63  }
0x53: {  	s18 =	simm.s32 @p3 $0x5  }
0x54: {  	_ =	swait.ge @p3 [sflag:s18], $0x2700  }
0x55: {  	[sflag:s18] =	ssyncset.done @p3 $0x0  }
0x56: {  	s20 =	simm.s32 @!p3 $0x15F80;
	[sflag:s18] =	ssyncadd.s32 @p3 $0xFFFFD900;
	s18 =	simm.s32 @!p3 $0x0  }
0x57: {  	[tilespmem:s20], [sflag:$0x5] =	stream.linear.gather @!p3 [hbm4b:s13+s18], $0x80, $0x38;
	[tilespmem:$0x1C780] =	vst v63  }
0x58: {  	s20 =	simm.s32 @!p3 $0x5  }
0x59: {  	_ =	swait.ge @!p3 [sflag:s20], $0x80  }
0x5a: {  	[sflag:s20] =	ssyncset.done @!p3 $0x0  }
0x5b: {  	s25 =	simm.s32 @!p3 $0x16000;
	s24 =	sadd.s32 @!p3 s9, s14;
	[sflag:s20] =	ssyncadd.s32 @!p3 $0xFFFFFF80  }
0x5c: {  	[tilespmem:s25], [sflag:$0x5] =	stream.linear.gather @!p3 [hbm4b:s24+s18], $0x2700, $0x38;
	[tilespmem:$0x1C780] =	vst v63  }
0x5d: {  	_ =	swait.ge @!p3 [sflag:s20], $0x2700  }
0x5e: {  	[sflag:s20] =	ssyncset.done @!p3 $0x0  }
0x5f: {  	s24 =	sadd.s32 @!p3 s14, s11;
	s25 =	simm.s32 @!p3 $0x18700;
	[sflag:s20] =	ssyncadd.s32 @!p3 $0xFFFFD900  }
0x60: {  	[tilespmem:s25], [sflag:$0x5] =	stream.linear.gather @!p3 [hbm4b:s24+s18], $0x80, $0x38;
	[tilespmem:$0x1C780] =	vst v63  }
0x61: {  	_ =	swait.ge @!p3 [sflag:s20], $0x80  }
0x62: {  	[sflag:s20] =	ssyncset.done @!p3 $0x0  }
0x63: {  	[sflag:s20] =	ssyncadd.s32 @!p3 $0xFFFFFF80  }
0x64: {  	[bflag:$0x0] =	sbarrier.arrive $0xFFFF  }
0x65: {  	[tilespmem:s29], [sflag:$0x1] =	stream.indirect.gather [spmem:s3], $0x40, s26, s28, $0xb8;
	[tilespmem:$0x1C780] =	vst v63  }
0x66: {  	_ = 	snop  }
0x67: {  	[tilespmem:s31], [sflag:$0x2] =	stream.indirect.gather [spmem:s3], $0x40, s30, s28, $0xb8;
	[tilespmem:$0x1C780] =	vst v63  }
0x68: {  	_ =	swait.ge [sflag:s0], $0x2000  }
0x69: {  	[sflag:s0] =	ssyncset.done $0x0  }
0x6a: {  	s20 =	simm.s32 $0x16000;
	[sflag:s0] =	ssyncadd.s32 $0xFFFFE000  }
0x6b: {  	[spmem:s2] =	stream.indirect.scatter.add.f32 [tilespmem:s29], [sflag:$0x3], $0x40, s20, s28, $0xb8;
	[tilespmem:$0x1C780] =	vst v63  }
0x6c: {  	_ =	swait.ge [sflag:s19], $0x2000  }
0x6d: {  	[sflag:s19] =	ssyncset.done $0x0  }
0x6e: {  	s24 =	simm.s32 $0x16080;
	[sflag:s19] =	ssyncadd.s32 $0xFFFFE000  }
0x6f: {  	[spmem:s2] =	stream.indirect.scatter.add.f32 [tilespmem:s31], [sflag:$0x4], $0x40, s24, s28, $0xb8;
	[tilespmem:$0x1C780] =	vst v63  }
0x70: {  	_ =	swait.ge [sflag:s21], $0x2000  }
0x71: {  	[sflag:s21] =	ssyncset.done $0x0  }
0x72: {  	s25 =	simm.s32 $0x13980;
	[sflag:s21] =	ssyncadd.s32 $0xFFFFE000  }
0x73: {  	[tilespmem:s29], [sflag:$0x1] =	stream.indirect.gather [spmem:s3], $0x40, s25, s28, $0xb8;
	[tilespmem:$0x1C780] =	vst v63  }
0x74: {  	_ =	swait.ge [sflag:s5], $0x2000  }
0x75: {  	[sflag:s5] =	ssyncset.done $0x0  }
0x76: {  	s18 =	simm.s32 $0x400;
	s20 =	simm.s32 $0x13A00;
	[sflag:s5] =	ssyncadd.s32 $0xFFFFE000  }
.LBB2_13:
0x77: {  	[tilespmem:s31], [sflag:$0x2] =	stream.indirect.gather [spmem:s3], $0x40, s20, s28, $0xb8;
	[tilespmem:$0x1C780] =	vst v63  }
0x78: {  	s20 =	smov.u32 s18  }
0x79: {  	p2 =	sne.s32 s18, $0x9400;
	s18 =	sadd.s32 $0x400, s18;
	_ =	swait.ge [sflag:s0], $0x2000  }
0x7a: {  	s20 =	sshra.s32 s20, $0x2;
	[sflag:s0] =	ssyncset.done $0x0  }
0x7b: {  	s24 =	sadd.s32 $0x16000, s20;
	[sflag:s0] =	ssyncadd.s32 $0xFFFFE000  }
0x7c: {  	[spmem:s2] =	stream.indirect.scatter.add.f32 [tilespmem:s29], [sflag:$0x3], $0x40, s24, s28, $0xb8;
	[tilespmem:$0x1C780] =	vst v63  }
0x7d: {  	_ =	swait.ge [sflag:s19], $0x2000  }
0x7e: {  	[sflag:s19] =	ssyncset.done $0x0  }
0x7f: {  	s24 =	sadd.s32 $0x16080, s20;
	[sflag:s19] =	ssyncadd.s32 $0xFFFFE000  }
0x80: {  	[spmem:s2] =	stream.indirect.scatter.add.f32 [tilespmem:s31], [sflag:$0x4], $0x40, s24, s28, $0xb8;
	[tilespmem:$0x1C780] =	vst v63  }
0x81: {  	_ =	swait.ge [sflag:s21], $0x2000  }
0x82: {  	[sflag:s21] =	ssyncset.done $0x0  }
.Ltmp10:
0x83: {  	s24 =	sadd.s32 $0x13980, s20;
	[sflag:s21] =	ssyncadd.s32 $0xFFFFE000;
	(pc) =	sbr.rel @p2 .LBB2_13-.Ltmp10, $4  }
0x84: {  	[tilespmem:s29], [sflag:$0x1] =	stream.indirect.gather [spmem:s3], $0x40, s24, s28, $0xb8;
	[tilespmem:$0x1C780] =	vst v63  }
0x85: {  	_ =	swait.ge [sflag:s5], $0x2000  }
0x86: {  	[sflag:s5] =	ssyncset.done $0x0  }
0x87: {  	s20 =	sadd.s32 $0x13A00, s20;
	[sflag:s5] =	ssyncadd.s32 $0xFFFFE000  }
0x88: {  	[tilespmem:s31], [sflag:$0x2] =	stream.indirect.gather [spmem:s3], $0x40, s20, s28, $0xb8;
	[tilespmem:$0x1C780] =	vst v63  }
0x89: {  	_ =	swait.ge [sflag:s0], $0x2000  }
0x8a: {  	[sflag:s0] =	ssyncset.done $0x0  }
0x8b: {  	[sflag:s0] =	ssyncadd.s32 $0xFFFFE000  }
0x8c: {  	[spmem:s2] =	stream.indirect.scatter.add.f32 [tilespmem:s29], [sflag:$0x3], $0x40, s6, s28, $0xb8;
	[tilespmem:$0x1C780] =	vst v63  }
0x8d: {  	_ =	swait.ge [sflag:s19], $0x2000  }
0x8e: {  	[sflag:s19] =	ssyncset.done $0x0  }
0x8f: {  	[sflag:s19] =	ssyncadd.s32 $0xFFFFE000  }
0x90: {  	[spmem:s2] =	stream.indirect.scatter.add.f32 [tilespmem:s31], [sflag:$0x4], $0x40, s7, s28, $0xb8;
	[tilespmem:$0x1C780] =	vst v63  }
0x91: {  	_ =	swait.ge [sflag:s21], $0x2000  }
0x92: {  	s18 =	simm.s32 @!p3 $0x80;
	[sflag:s21] =	ssyncset.done $0x0  }
0x93: {  	s20 =	simm.s32 @!p3 $0x15F80;
	s24 =	simm.s32 @!p3 $0x18780;
	[sflag:s21] =	ssyncadd.s32 $0xFFFFE000  }
0x94: {  	[tilespmem:s24], [sflag:$0x1] =	stream.indirect.gather @!p3 [spmem:s3], $0x40, s20, s18, $0xb8;
	[tilespmem:$0x1C780] =	vst v63  }
0x95: {  	s20 =	simm.s32 @!p3 $0x1  }
0x96: {  	_ =	swait.ge @!p3 [sflag:s20], $0x2000  }
0x97: {  	[sflag:s20] =	ssyncset.done @!p3 $0x0  }
0x98: {  	[sflag:s20] =	ssyncadd.s32 @!p3 $0xFFFFE000;
	s20 =	simm.s32 @!p3 $0x18700  }
0x99: {  	[spmem:s2] =	stream.indirect.scatter.add.f32 @!p3 [tilespmem:s24], [sflag:$0x3], $0x40, s20, s18, $0xb8;
	[tilespmem:$0x1C780] =	vst v63  }
0x9a: {  	s18 =	simm.s32 @!p3 $0x3  }
0x9b: {  	_ =	swait.ge @!p3 [sflag:s18], $0x2000  }
0x9c: {  	[sflag:s18] =	ssyncset.done @!p3 $0x0  }
0x9d: {  	[sflag:s18] =	ssyncadd.s32 @!p3 $0xFFFFE000  }
0x9e: {  	_ =	swait.ge [sflag:s5], $0x2000  }
0x9f: {  	s8 =	sadd.s32 $0x1, s8;
	[sflag:s5] =	ssyncset.done $0x0  }
0xa0: {  	p2 =	sne.s32 s8, s17;
	s18 =	sshll.u32 @p4 s1, $0x6;
	[sflag:s5] =	ssyncadd.s32 $0xFFFFE000  }
0xa1: {  	s20 =	sshrl.u32 @p4 s16, $0x3;
	s18 =	sor.u32 @p4 $0x1C05, s18;
	[bflag:$0x0] =	sbarrier.arrive $0xFFFF  }
0xa2: {  	[hbm:s15], [sflag:s18] =	dma.local @p4 [spmem:s20], $0x1F40  }
.Ltmp11:
0xa3: {  	_ = 	snop;
	(pc) =	sbr.rel @p2 .LBB2_1-.Ltmp11, $4  }
0xa4: {  	s18 =	simm.s32 @p4 $0x5  }
0xa5: {  	_ =	swait.ge @p4 [sflag:s18], $0x1F40  }
0xa6: {  	[sflag:s18] =	ssyncset.done @p4 $0x0  }
0xa7: {  	[sflag:s18] =	ssyncadd.s32 @p4 $0xFFFFE0C0  }
0xa8: {  	_ =	sfence.sel $0x180000  }
0xa9: {  	[bflag:$0x0] =	sbarrier.arrive $0xFFFF  }
0xaa: {  	_ =	strace $0x9000004D  }
0xab: {  	[bflag:$0x2] =	sbarrier.arrive $0xFFFF  }
0xac: {  	p0 =	sne.s32 s1, $0x0;
	s0 =	rddreg [dreg:$0x4]  }
0xad: {  	s0 =	sadd.s32 @!p0 $0x100000, s0  }
0xae: {  	[sflag:s0] =	ssyncadd.tile.s32 @!p0 $0x1;
	_ =	shalt  }
.Lfunc_end2:
_tile_overlayer_lowered:
.L_overlay_start_2:
0xaf: {  	(tag) =	ssettag $0x2  }
0xb0: {  	s0 =	rddreg [dreg:$0x0];
	s2 =	stileid.u32  }
0xb1: {  	s1 =	rddreg [dreg:$0x1];
	p0 =	sne.s32 s2, $0x0  }
0xb2: {  	s3 =	rddreg [dreg:$0x2];
	[bflag:$0x3] =	sbarrier.arrive $0xFFFF;
	s2 =	simm.s32 @!p0 $0x1C05  }
0xb3: {  	[timem:s3], [sflag:s2] =	dma.local @!p0 [hbm:s0], s1  }
0xb4: {  	s0 =	simm.s32 @!p0 $0x5  }
0xb5: {  	_ =	swait.ge @!p0 [sflag:s0], s1  }
0xb6: {  	s1 =	ssub.s32 @!p0 $0x0, s1;
	[sflag:s0] =	ssyncset.done @!p0 $0x0  }
0xb7: {  	[sflag:s0] =	ssyncadd.s32 @!p0 s1  }
0xb8: {  	[bflag:$0x3] =	sbarrier.arrive $0xFFFF  }
0xb9: {  	_ =	shalt  }

// kernel: kernel.14.cloned.1.call-start
scs
__scs_entry_jumppad:
0x0: {  	(pc) =	sbr.rel $0x88, $3  }
0x1: {  	(tag) =	ssettag $0x0;
	lr =	simm.s32 $0x1  }
0x2: {  	[smem:$0x3F9B] =	sst lr;
	_ =	strace $0xD0000000  }
0x3: {  	_ = 	snop  }
0x4: {  	_ = 	snop  }
0x5: {  	_ = 	snop  }
0x6: {  	_ = 	snop  }
0x7: {  	_ = 	snop  }
__scs_overlays_trampoline_lowered:
0x8: {  	[smem:$0x3FAA] =	sst s0  }
0x9: {  	[smem:$0x3FAB] =	sst s1  }
0xa: {  	[smem:$0x3FAC] =	sst s2  }
0xb: {  	[smem:$0x3FAD] =	sst s3  }
0xc: {  	[smem:$0x3FAE] =	sst s4  }
0xd: {  	[smem:$0x3FAF] =	sst s5  }
0xe: {  	[smem:$0x3FB0] =	sst s6  }
0xf: {  	[smem:$0x3FB1] =	sst s7  }
0x10: {  	[smem:$0x3FB2] =	sst s8  }
0x11: {  	[smem:$0x3FB3] =	sst s9;
	s0 =	simm.s32 @!p0 $0x0  }
0x12: {  	s1 =	sld [smem:$0x3F99];
	s0 =	simm.s32 @p0 $0x1  }
0x13: {  	[smem:$0x3FB4] =	sst s0;
	s0 =	simm.s32 @!p1 $0x0  }
0x14: {  	s2 =	sld [smem:$0x3F98];
	s0 =	simm.s32 @p1 $0x1  }
0x15: {  	[smem:$0x3FB5] =	sst s0;
	s0 =	simm.s32 @!p2 $0x0  }
0x16: {  	s3 =	sld [smem:$0x3FDB];
	s0 =	simm.s32 @p2 $0x1  }
0x17: {  	s4 =	simm.s32 $0x1BF5;
	[smem:$0x3FB7] =	sst s0  }
0x18: {  	s0 =	sld [smem:$0x3F9A];
	_ =	swait.ge [sflag:s4], $0x0  }
0x19: {  	s7 =	sld [smem:$0x3F9B]  }
0x1a: {  	s8 =	sadd.s32 $0xFFFFE003, lr  }
0x1b: {  	s9 =	sadd.s32 $0xFFFFFEF7, lr;
	s5 =	simm.s32 $0xFFFFFFFF;
	p2 =	slt.u32 s8, $0xFFFFF086  }
0x1c: {  	p1 =	slt.u32 s9, $0xF7A;
	s5 =	simm.s32 @!p2 $0x0  }
0x1d: {  	s5 =	simm.s32 @p1 $0x1;
	p0 =	seq.s32 s7, s2  }
0x1e: {  	s7 =	smul.u32 @!p0 $0xF7A, s2;
	p2 =	seq.s32 @!p0 s5, $0x0  }
0x1f: {  	s9 =	smul.u32 $0xF7A, s1;
	s8 =	simm.s32 @!p0 $0x1BF5;
	p2 =	por !p2, p0  }
0x20: {  	[sflag:s8] =	ssyncset.s32 @!p0 $0xFFFFF086;
	s6 =	sadd.s32 @!p0 s3, s7;
	s7 =	simm.s32 @!p0 $0x108  }
0x21: {  	s3 =	sadd.s32 s3, s9;
	s6 =	sadd.s32 @!p0 $0x88, s6;
	s7 =	simm.s32 @p2 $0x1082  }
0x22: {  	[simem:s7], [sflag:s8] =	dma.local @!p0 [hbm:s6], $0xF7A  }
0x23: {  	s9 =	sor.u32 $0xD0000000, s2;
	s6 =	simm.s32 $0x108;
	_ =	swait.ge @!p0 [sflag:s8], $0x0  }
0x24: {  	s3 =	sadd.s32 $0x88, s3;
	s6 =	simm.s32 @!p1 $0x1082;
	[sflag:s4] =	ssyncset.s32 $0xFFFFF086  }
0x25: {  	[simem:s6], [sflag:s4] =	dma.local [hbm:s3], $0xF7A  }
0x26: {  	[smem:$0x3F9B] =	sst s1;
	(tag) =	ssettag s2;
	_ =	strace s9  }
0x27: {  	s1 =	sld [smem:$0x3FAB]  }
0x28: {  	s2 =	sld [smem:$0x3FAC]  }
0x29: {  	s4 =	sld [smem:$0x3FAE]  }
0x2a: {  	p0 =	seq.s32 s5, $0x0;
	s5 =	sld [smem:$0x3FAF]  }
0x2b: {  	s6 =	sld [smem:$0x3FB0]  }
0x2c: {  	s7 =	sld [smem:$0x3FB1]  }
0x2d: {  	s3 =	simm.s32 $0x108;
	s8 =	sld [smem:$0x3FB2]  }
0x2e: {  	s3 =	simm.s32 @!p0 $0x1082;
	s9 =	sld [smem:$0x3FB3]  }
0x2f: {  	lr =	sadd.s32 s0, s3;
	s0 =	sld [smem:$0x3FAA]  }
0x30: {  	s3 =	sld [smem:$0x3FAD]  }
0x31: {  	[smem:$0x3FB6] =	sst s10  }
0x32: {  	s10 =	sld [smem:$0x3FB4];
	_ =	sdelay $0x3  }
0x33: {  	p0 =	seq.s32 s10, $0x1;
	s10 =	sld [smem:$0x3FB6];
	_ =	sdelay $0x3  }
0x34: {  	[smem:$0x3FB6] =	sst s10  }
0x35: {  	s10 =	sld [smem:$0x3FB5];
	_ =	sdelay $0x3  }
0x36: {  	p1 =	seq.s32 s10, $0x1;
	s10 =	sld [smem:$0x3FB6];
	_ =	sdelay $0x3  }
0x37: {  	[smem:$0x3FB6] =	sst s10  }
0x38: {  	s10 =	sld [smem:$0x3FB7]  }
0x39: {  	_ = 	snop;
	(pc) =	sbr.ind lr, $3  }
0x3a: {  	_ = 	snop  }
0x3b: {  	_ = 	snop  }
0x3c: {  	p2 =	seq.s32 s10, $0x1;
	s10 =	sld [smem:$0x3FB6]  }
0x3d: {  	_ =	shalt  }
0x3e: {  	_ =	shalt  }
0x3f: {  	_ =	shalt  }
0x40: {  	_ =	shalt  }
0x41: {  	_ =	shalt  }
0x42: {  	_ =	shalt  }
0x43: {  	_ =	shalt  }
0x44: {  	_ =	shalt  }
0x45: {  	_ =	shalt  }
0x46: {  	_ =	shalt  }
0x47: {  	_ =	shalt  }
0x48: {  	_ =	shalt  }
0x49: {  	_ =	shalt  }
0x4a: {  	_ =	shalt  }
0x4b: {  	_ =	shalt  }
0x4c: {  	_ =	shalt  }
0x4d: {  	_ =	shalt  }
0x4e: {  	_ =	shalt  }
0x4f: {  	_ =	shalt  }
0x50: {  	_ =	shalt  }
0x51: {  	_ =	shalt  }
0x52: {  	_ =	shalt  }
0x53: {  	_ =	shalt  }
0x54: {  	_ =	shalt  }
0x55: {  	_ =	shalt  }
0x56: {  	_ =	shalt  }
0x57: {  	_ =	shalt  }
0x58: {  	_ =	shalt  }
0x59: {  	_ =	shalt  }
0x5a: {  	_ =	shalt  }
0x5b: {  	_ =	shalt  }
0x5c: {  	_ =	shalt  }
0x5d: {  	_ =	shalt  }
0x5e: {  	_ =	shalt  }
0x5f: {  	_ =	shalt  }
0x60: {  	_ =	shalt  }
0x61: {  	_ =	shalt  }
0x62: {  	_ =	shalt  }
0x63: {  	_ =	shalt  }
0x64: {  	_ =	shalt  }
0x65: {  	_ =	shalt  }
0x66: {  	_ =	shalt  }
0x67: {  	_ =	shalt  }
0x68: {  	_ =	shalt  }
0x69: {  	_ =	shalt  }
0x6a: {  	_ =	shalt  }
0x6b: {  	_ =	shalt  }
0x6c: {  	_ =	shalt  }
0x6d: {  	_ =	shalt  }
0x6e: {  	_ =	shalt  }
0x6f: {  	_ =	shalt  }
0x70: {  	_ =	shalt  }
0x71: {  	_ =	shalt  }
0x72: {  	_ =	shalt  }
0x73: {  	_ =	shalt  }
0x74: {  	_ =	shalt  }
0x75: {  	_ =	shalt  }
0x76: {  	_ =	shalt  }
0x77: {  	_ =	shalt  }
0x78: {  	_ =	shalt  }
0x79: {  	_ =	shalt  }
0x7a: {  	_ =	shalt  }
0x7b: {  	_ =	shalt  }
0x7c: {  	_ =	shalt  }
0x7d: {  	_ =	shalt  }
0x7e: {  	_ =	shalt  }
0x7f: {  	_ =	shalt  }
0x80: {  	_ =	shalt  }
0x81: {  	_ =	shalt  }
0x82: {  	_ =	shalt  }
0x83: {  	_ =	shalt  }
0x84: {  	_ =	shalt  }
0x85: {  	_ =	shalt  }
0x86: {  	_ =	shalt  }
0x87: {  	_ =	shalt  }
.Lfunc_end0:
.L_simem_size_0:
called_computation.2_lowered:
.L_overlay_start_0:
0x88: {  	s2 =	sld [smem:$0x3FD9]  }
0x89: {  	s3 =	sld [smem:$0x3FFE];
	_ =	sdelay $0x1  }
0x8a: {  	s1 =	srdreg.scid  }
0x8b: {  	s0 =	sand.u32 $0x1, s1  }
0x8c: {  	s14 =	sshll.u32 s0, $0xA;
	s2 =	sadd.s32 s3, s2  }
0x8d: {  	s2 =	sadd.s32 s2, s14  }
0x8e: {  	[smem:$0x3FC2] =	sst s2  }
0x8f: {  	_ = 	snop  }
0x90: {  	s2 =	sld [smem:$0x3FD0];
	_ =	sdelay $0x2  }
0x91: {  	s15 =	simm.s32 $0xB;
	s4 =	simm.s32 $0x10  }
0x92: {  	[smem:s4], [sflag:s15] =	dma.local [hbm:s2], $0x1  }
0x93: {  	_ =	swait.eq [sflag:s15], $0x1  }
0x94: {  	[sflag:s15] =	ssyncset.done $0x0  }
0x95: {  	[sflag:s15] =	ssyncadd.s32 $0xFFFFFFFF  }
0x96: {  	s16 =	sld [smem:$0x10];
	(tm) =	ssettm $0x1  }
0x97: {  	s17 =	sld [smem:$0x3FFB];
	_ =	sdelay $0x3  }
0x98: {  	_ =	strace s17  }
0x99: {  	s3 =	sld [smem:$0x3FFC];
	_ =	sdelay $0x3  }
0x9a: {  	_ =	strace s3  }
0x9b: {  	s3 =	sld [smem:$0x3FFD];
	_ =	sdelay $0x3  }
0x9c: {  	_ =	strace s3  }
0x9d: {  	_ =	strace $0x8FFFFFFF  }
0x9e: {  	s18 =	sld [smem:$0x3FDB];
	_ =	sdelay $0x1  }
0x9f: {  	s19 =	simm.s32 $_scs_section_size  }
0xa0: {  	s5 =	simm.s32 $_size__tile_overlayer_lowered;
	s6 =	simm.s32 $_tile_overlayer_lowered  }
0xa1: {  	s22 =	simm.s32 $0x1BFF;
	s21 =	sshll.u32 s6, $0x1;
	s3 =	sadd.s32 s19, s18  }
0xa2: {  	s7 =	simm.s32 $0x0;
	s20 =	sshll.u32 s5, $0x1;
	s5 =	sadd.s32 s21, s3  }
0xa3: {  	[timem:s7], [sflag:s22] =	dma.local [hbm:s5], s20  }
0xa4: {  	_ =	swait.ge [sflag:s22], s20  }
0xa5: {  	s4 =	ssub.s32 $0x0, s20;
	[sflag:s22] =	ssyncset.done $0x0  }
0xa6: {  	[sflag:s22] =	ssyncadd.s32 s4;
	_ =	sdelay $0x1  }
0xa7: {  	s23 =	simm.s32 $0x1B8B  }
0xa8: {  	_ =	swait.ge [sflag:s23], $0x1  }
0xa9: {  	[sflag:s23] =	ssyncset.done $0x0  }
0xaa: {  	s25 =	simm.s32 $0x1B8E;
	s24 =	sld [smem:$0x3FFE];
	[sflag:s23] =	ssyncadd.s32 $0xFFFFFFFF  }
0xab: {  	s26 =	simm.s32 $execute0_lowered;
	[smem:$0x3FD2] =	sst s25  }
0xac: {  	s5 =	sshll.u32 s26, $0x1;
	_ =	strace $0x80000049;
	[dreg:$0x1] =	wrdreg $0xFFFFFFFF  }
0xad: {  	s28 =	simm.s32 $_size_execute0_lowered;
	s3 =	sadd.s32 s3, s5;
	[dreg:$0x0] =	wrdreg $0x0  }
0xae: {  	s5 =	sshll.u32 s28, $0x1;
	[dreg:$0x2] =	wrdreg s3  }
0xaf: {  	[dreg:$0x3] =	wrdreg s5  }
0xb0: {  	[dreg:$0x4] =	wrdreg $0xC0  }
0xb1: {  	_ =	task [dreg:s7], $0x5FFFF  }
0xb2: {  	[dreg:$0x1] =	wrdreg $0xFFFFFFFF  }
0xb3: {  	[dreg:$0x0] =	wrdreg $0x60  }
0xb4: {  	[dreg:$0x2] =	wrdreg s24  }
0xb5: {  	[dreg:$0x3] =	wrdreg s16  }
0xb6: {  	[dreg:$0x4] =	wrdreg $0x0  }
0xb7: {  	[dreg:$0x5] =	wrdreg $0x9C400  }
0xb8: {  	[dreg:$0x6] =	wrdreg $0xA  }
0xb9: {  	_ =	task.clear_ibuf [dreg:s7], $0x7FFFF;
	_ =	strace $0x90000049  }
0xba: {  	s29 =	simm.s32 $0xA;
	_ =	strace $0x8000004B  }
0xbb: {  	_ =	swait.ge [sflag:s29], $0x1  }
0xbc: {  	[sflag:s29] =	ssyncadd.s32 $0xFFFFFFFF  }
0xbd: {  	_ =	strace $0x9000004B  }
0xbe: {  	_ =	sfence  }
0xbf: {  	s30 =	sld [smem:$0x0];
	_ =	sdelay $0x2  }
0xc0: {  	s31 =	sshll.u32 s1, $0xD;
	s1 =	sshrl.u32 s1, $0x2  }
0xc1: {  	s3 =	sand.u32 $0x4000, s31;
	s1 =	sadd.s32 s1, s30  }
0xc2: {  	s0 =	sor.u32 s3, s0;
	s1 =	sshll.u32 s1, $0x11  }
0xc3: {  	s0 =	sor.u32 s1, s0  }
0xc4: {  	s0 =	sadd.s32 $0x8F2B, s0  }
0xc5: {  	[sflag:s0] =	ssyncadd.remote.s32 $0x1  }
0xc6: {  	_ =	sfence.sel $0xFFFF  }
0xc7: {  	[dreg:$0x0] =	wrdreg $0xFFFFFFFF;
	(pc) =	sbr.abs _section_cstart, $3  }
0xc8: {  	[dreg:$0x1] =	wrdreg $0xFFFFFFFF  }
0xc9: {  	_ =	task.clear_ibuf [dreg:s7], $0x2FFFF;
	_ =	strace $0x9FFFFFFF  }
0xca: {  	(tm) =	ssettm $0x7FFFFFFF  }
0xcb: {  	_ =	shalt  }
tec
execute0_lowered:
.L_overlay_start_1:
0x0: {  	(tag) =	ssettag $0x1  }
0x1: {  	s0 =	rddreg [dreg:$0x0]  }
0x2: {  	s5 =	rddreg [dreg:$0x1]  }
0x3: {  	s2 =	rddreg [dreg:$0x2]  }
0x4: {  	s3 =	rddreg [dreg:$0x3]  }
0x5: {  	s1 =	stileid.u32;
	s6 =	srdreg.scid  }
0x6: {  	s4 =	simm.s32 $0x0;
	s28 =	simm.s32 $0x80;
	s29 =	simm.s32 $0x18780  }
0x7: {  	s30 =	simm.s32 $0x13900;
	s31 =	simm.s32 $0x1A780;
	s7 =	smul.u32 $0xFA00, s1  }
0x8: {  	s6 =	sand.u32 $0x1, s6;
	[smem:$0x7FF] =	sst s4;
	s13 =	sadd.s32 $0x1800, s0  }
0x9: {  	s15 =	sadd.s32 $0x3C600, s0;
	s18 =	sadd.s32 $0x75300, s2;
	s20 =	sadd.s32 $0x4B060, s0  }
0xa: {  	s19 =	sadd.s32 $0x4E200, s2;
	s21 =	sadd.s32 $0x46240, s0;
	s22 =	sadd.s32 $0x41420, s0  }
0xb: {  	p0 =	sgt.s32 s1, $0x1;
	p1 =	seq.s32 s1, $0x0;
	s23 =	sshrl.u32 s2, $0x3  }
0xc: {  	p2 =	seq.s32 s1, $0x1;
	_ =	strace $0x8000004A;
	[dreg:$0x5] =	wrdreg s15  }
0xd: {  	p5 =	seq.s32 s1, $0x2;
	p6 =	seq.s32 s1, $0x3;
	[dreg:$0x6] =	wrdreg s20  }
0xe: {  	s8 =	sshll.u32 s6, $0x4;
	s26 =	ssub.s32 $0x2, s6;
	[dreg:$0x7] =	wrdreg s21  }
0xf: {  	s20 =	sadd.s32 $0x27100, s2;
	s6 =	smul.u32 $0x9C400, s6;
	[dreg:$0x8] =	wrdreg s22  }
0x10: {  	[dreg:$0x9] =	wrdreg s23;
	s22 =	simm.s32 $0x5;
	s25 =	sshrl.u32 s19, $0x3  }
0x11: {  	s19 =	simm.s32 $0x2;
	s9 =	sshrl.u32 s7, $0x3;
	s8 =	sor.u32 s1, s8  }
0x12: {  	s12 =	sshrl.u32 s26, $0x1;
	s21 =	sadd.s32 s7, s3;
	s24 =	sshrl.u32 s20, $0x3  }
0x13: {  	[dreg:$0xb] =	wrdreg s25;
	s10 =	sadd.s32 s9, s0;
	s11 =	smul.u32 $0x4E, s8  }
0x14: {  	s14 =	smin.u32 s8, $0x4;
	s17 =	ssub.s32 s26, s12;
	s6 =	sadd.s32 s7, s6  }
0x15: {  	[dreg:$0xa] =	wrdreg s24;
	p3 =	sgt.u32 s8, $0x3;
	s23 =	sshrl.u32 s21, $0x3  }
0x16: {  	s26 =	sshrl.u32 s18, $0x3;
	s21 =	simm.s32 $0x3;
	s8 =	simm.s32 $0x0  }
0x17: {  	s10 =	sadd.s32 $0x28C00, s10;
	s6 =	sshrl.u32 s6, $0x3;
	s17 =	smax.u32 s17, $0x1  }
0x18: {  	[dreg:$0xc] =	wrdreg s26;
	s26 =	simm.s32 $0x13880;
	s16 =	sadd.s32 s14, s11  }
0x19: {  	s14 =	sadd.s32 $0xB440, s0;
	s15 =	sadd.s32 s5, s6;
	s0 =	simm.s32 @!p2 $0x0  }
0x1a: {  	s5 =	simm.s32 $0x4;
	s6 =	simm.s32 $0x18600;
	s9 =	sshll.u32 s16, $0x4  }
0x1b: {  	s16 =	sadd.s32 s7, s2;
	s0 =	simm.s32 @p2 $0x1;
	p2 =	slt.u32 s1, $0xA  }
0x1c: {  	s7 =	simm.s32 $0x18680;
	[smem:$0x7FC] =	sst s0;
	s0 =	simm.s32 @!p2 $0x0  }
0x1d: {  	s11 =	sadd.s32 $0x4E0, s9;
	s12 =	sadd.s32 s13, s9;
	s0 =	simm.s32 @p2 $0x1  }
0x1e: {  	s13 =	sadd.s32 s13, s11;
	[smem:$0x7FD] =	sst s0;
	s0 =	simm.s32 $0x1  }
.LBB2_1:
.Ltmp0:
0x1f: {  	(pc) =	sbr.rel @p0 .LBB2_5-.Ltmp0, $1  }
0x20: {  	_ =	sdelay $0x3  }
.Ltmp1:
0x21: {  	(pc) =	sbr.rel @p1 .LBB2_9-.Ltmp1, $1  }
0x22: {  	_ =	sdelay $0x3  }
0x23: {  	s18 =	sld [smem:$0x7FC];
	_ =	sdelay $0x2  }
0x24: {  	p2 =	seq.s32 s18, $0x1  }
.Ltmp2:
0x25: {  	_ = 	snop;
	(pc) =	sbr.rel @!p2 .LBB2_8-.Ltmp2, $1  }
0x26: {  	_ =	sdelay $0x3  }
.Ltmp3:
0x27: {  	(pc) =	sbr.rel .LBB2_10-.Ltmp3, $4  }
0x28: {  	_ = 	snop  }
0x29: {  	s18 =	rddreg [dreg:$0x8]  }
0x2a: {  	s20 =	rddreg [dreg:$0xa];
	s24 =	simm.s32 $0x1C45  }
0x2b: {  	[spmem:s20], [sflag:s24] =	dma.local [hbm:s18], $0x4E20  }
.LBB2_5:
.Ltmp4:
0x2c: {  	(pc) =	sbr.rel @p5 .LBB2_16-.Ltmp4, $1  }
0x2d: {  	_ =	sdelay $0x3  }
.Ltmp5:
0x2e: {  	(pc) =	sbr.rel @!p6 .LBB2_8-.Ltmp5, $1  }
0x2f: {  	_ =	sdelay $0x3  }
.Ltmp6:
0x30: {  	(pc) =	sbr.rel .LBB2_10-.Ltmp6, $4  }
0x31: {  	_ = 	snop  }
0x32: {  	s18 =	rddreg [dreg:$0x6]  }
0x33: {  	s20 =	rddreg [dreg:$0xc];
	s24 =	simm.s32 $0x1CC5  }
0x34: {  	[spmem:s20], [sflag:s24] =	dma.local [hbm:s18], $0x4E20  }
.LBB2_8:
0x35: {  	s18 =	sld [smem:$0x7FD];
	_ =	sdelay $0x2  }
0x36: {  	p2 =	seq.s32 s18, $0x1  }
.Ltmp7:
0x37: {  	_ = 	snop;
	(pc) =	sbr.rel @p2 .LBB2_11-.Ltmp7, $4  }
.Ltmp8:
0x38: {  	_ = 	snop;
	(pc) =	sbr.rel @!p2 .LBB2_12-.Ltmp8, $4  }
0x39: {  	_ = 	snop  }
0x3a: {  	_ = 	snop  }
0x3b: {  	p4 =	por $0x0, $0x0  }
0x3c: {  	_ = 	snop  }
.LBB2_9:
.Ltmp9:
0x3d: {  	(pc) =	sbr.rel .LBB2_10-.Ltmp9, $4  }
0x3e: {  	_ = 	snop  }
0x3f: {  	s18 =	rddreg [dreg:$0x5]  }
0x40: {  	s20 =	rddreg [dreg:$0x9];
	s24 =	simm.s32 $0x1C05  }
0x41: {  	[spmem:s20], [sflag:s24] =	dma.local [hbm:s18], $0x4E20  }
.LBB2_16:
0x42: {  	s18 =	rddreg [dreg:$0x7]  }
0x43: {  	s20 =	rddreg [dreg:$0xb];
	s24 =	simm.s32 $0x1C85  }
0x44: {  	[spmem:s20], [sflag:s24] =	dma.local [hbm:s18], $0x4E20  }
.LBB2_10:
0x45: {  	_ =	swait.ge [sflag:s22], $0x4E20  }
0x46: {  	[sflag:s22] =	ssyncset.done $0x0  }
0x47: {  	[sflag:s22] =	ssyncadd.s32 $0xFFFFB1E0  }
.LBB2_11:
0x48: {  	s18 =	sshll.u32 s1, $0x6  }
0x49: {  	s18 =	sor.u32 $0x1C05, s18  }
0x4a: {  	[spmem:s23], [sflag:s18] =	dma.local [hbm:s10], $0x1F40  }
0x4b: {  	_ =	swait.ge [sflag:s22], $0x1F40  }
0x4c: {  	[sflag:s22] =	ssyncset.done $0x0  }
0x4d: {  	p4 =	por $0x1, $0x1;
	[sflag:s22] =	ssyncadd.s32 $0xFFFFE0C0  }
.LBB2_12:
0x4e: {  	[tilespmem:s26], [sflag:$0x5] =	stream.linear.gather [hbm4b:s12+s4], $0x2700, $0x38;
	[tilespmem:$0x1C780] =	vst v63  }
0x4f: {  	_ =	swait.ge [sflag:s22], $0x2700  }
0x50: {  	s18 =	sadd.s32 @p3 s9, s14;
	[sflag:s22] =	ssyncset.done $0x0  }
0x51: {  	s20 =	simm.s32 @p3 $0x0;
	s24 =	simm.s32 @p3 $0x16000;
	[sflag:s22] =	ssyncadd.s32 $0xFFFFD900  }
0x52: {  	[tilespmem:s24], [sflag:$0x5] =	stream.linear.gather @p3 [hbm4b:s18+s20], $0x2700, $0x38;
	[tilespmem:$0x1C780] =	vst v63  }
0x53: {  	s18 =	simm.s32 @p3 $0x5  }
0x54: {  	_ =	swait.ge @p3 [sflag:s18], $0x2700  }
0x55: {  	[sflag:s18] =	ssyncset.done @p3 $0x0  }
0x56: {  	s20 =	simm.s32 @!p3 $0x15F80;
	[sflag:s18] =	ssyncadd.s32 @p3 $0xFFFFD900;
	s18 =	simm.s32 @!p3 $0x0  }
0x57: {  	[tilespmem:s20], [sflag:$0x5] =	stream.linear.gather @!p3 [hbm4b:s13+s18], $0x80, $0x38;
	[tilespmem:$0x1C780] =	vst v63  }
0x58: {  	s20 =	simm.s32 @!p3 $0x5  }
0x59: {  	_ =	swait.ge @!p3 [sflag:s20], $0x80  }
0x5a: {  	[sflag:s20] =	ssyncset.done @!p3 $0x0  }
0x5b: {  	s25 =	simm.s32 @!p3 $0x16000;
	s24 =	sadd.s32 @!p3 s9, s14;
	[sflag:s20] =	ssyncadd.s32 @!p3 $0xFFFFFF80  }
0x5c: {  	[tilespmem:s25], [sflag:$0x5] =	stream.linear.gather @!p3 [hbm4b:s24+s18], $0x2700, $0x38;
	[tilespmem:$0x1C780] =	vst v63  }
0x5d: {  	_ =	swait.ge @!p3 [sflag:s20], $0x2700  }
0x5e: {  	[sflag:s20] =	ssyncset.done @!p3 $0x0  }
0x5f: {  	s24 =	sadd.s32 @!p3 s14, s11;
	s25 =	simm.s32 @!p3 $0x18700;
	[sflag:s20] =	ssyncadd.s32 @!p3 $0xFFFFD900  }
0x60: {  	[tilespmem:s25], [sflag:$0x5] =	stream.linear.gather @!p3 [hbm4b:s24+s18], $0x80, $0x38;
	[tilespmem:$0x1C780] =	vst v63  }
0x61: {  	_ =	swait.ge @!p3 [sflag:s20], $0x80  }
0x62: {  	[sflag:s20] =	ssyncset.done @!p3 $0x0  }
0x63: {  	[sflag:s20] =	ssyncadd.s32 @!p3 $0xFFFFFF80  }
0x64: {  	[bflag:$0x0] =	sbarrier.arrive $0xFFFF  }
0x65: {  	[tilespmem:s29], [sflag:$0x1] =	stream.indirect.gather [spmem:s3], $0x40, s26, s28, $0xb8;
	[tilespmem:$0x1C780] =	vst v63  }
0x66: {  	_ = 	snop  }
0x67: {  	[tilespmem:s31], [sflag:$0x2] =	stream.indirect.gather [spmem:s3], $0x40, s30, s28, $0xb8;
	[tilespmem:$0x1C780] =	vst v63  }
0x68: {  	_ =	swait.ge [sflag:s0], $0x2000  }
0x69: {  	[sflag:s0] =	ssyncset.done $0x0  }
0x6a: {  	s20 =	simm.s32 $0x16000;
	[sflag:s0] =	ssyncadd.s32 $0xFFFFE000  }
0x6b: {  	[spmem:s2] =	stream.indirect.scatter.add.f32 [tilespmem:s29], [sflag:$0x3], $0x40, s20, s28, $0xb8;
	[tilespmem:$0x1C780] =	vst v63  }
0x6c: {  	_ =	swait.ge [sflag:s19], $0x2000  }
0x6d: {  	[sflag:s19] =	ssyncset.done $0x0  }
0x6e: {  	s24 =	simm.s32 $0x16080;
	[sflag:s19] =	ssyncadd.s32 $0xFFFFE000  }
0x6f: {  	[spmem:s2] =	stream.indirect.scatter.add.f32 [tilespmem:s31], [sflag:$0x4], $0x40, s24, s28, $0xb8;
	[tilespmem:$0x1C780] =	vst v63  }
0x70: {  	_ =	swait.ge [sflag:s21], $0x2000  }
0x71: {  	[sflag:s21] =	ssyncset.done $0x0  }
0x72: {  	s25 =	simm.s32 $0x13980;
	[sflag:s21] =	ssyncadd.s32 $0xFFFFE000  }
0x73: {  	[tilespmem:s29], [sflag:$0x1] =	stream.indirect.gather [spmem:s3], $0x40, s25, s28, $0xb8;
	[tilespmem:$0x1C780] =	vst v63  }
0x74: {  	_ =	swait.ge [sflag:s5], $0x2000  }
0x75: {  	[sflag:s5] =	ssyncset.done $0x0  }
0x76: {  	s18 =	simm.s32 $0x400;
	s20 =	simm.s32 $0x13A00;
	[sflag:s5] =	ssyncadd.s32 $0xFFFFE000  }
.LBB2_13:
0x77: {  	[tilespmem:s31], [sflag:$0x2] =	stream.indirect.gather [spmem:s3], $0x40, s20, s28, $0xb8;
	[tilespmem:$0x1C780] =	vst v63  }
0x78: {  	s20 =	smov.u32 s18  }
0x79: {  	p2 =	sne.s32 s18, $0x9400;
	s18 =	sadd.s32 $0x400, s18;
	_ =	swait.ge [sflag:s0], $0x2000  }
0x7a: {  	s20 =	sshra.s32 s20, $0x2;
	[sflag:s0] =	ssyncset.done $0x0  }
0x7b: {  	s24 =	sadd.s32 $0x16000, s20;
	[sflag:s0] =	ssyncadd.s32 $0xFFFFE000  }
0x7c: {  	[spmem:s2] =	stream.indirect.scatter.add.f32 [tilespmem:s29], [sflag:$0x3], $0x40, s24, s28, $0xb8;
	[tilespmem:$0x1C780] =	vst v63  }
0x7d: {  	_ =	swait.ge [sflag:s19], $0x2000  }
0x7e: {  	[sflag:s19] =	ssyncset.done $0x0  }
0x7f: {  	s24 =	sadd.s32 $0x16080, s20;
	[sflag:s19] =	ssyncadd.s32 $0xFFFFE000  }
0x80: {  	[spmem:s2] =	stream.indirect.scatter.add.f32 [tilespmem:s31], [sflag:$0x4], $0x40, s24, s28, $0xb8;
	[tilespmem:$0x1C780] =	vst v63  }
0x81: {  	_ =	swait.ge [sflag:s21], $0x2000  }
0x82: {  	[sflag:s21] =	ssyncset.done $0x0  }
.Ltmp10:
0x83: {  	s24 =	sadd.s32 $0x13980, s20;
	[sflag:s21] =	ssyncadd.s32 $0xFFFFE000;
	(pc) =	sbr.rel @p2 .LBB2_13-.Ltmp10, $4  }
0x84: {  	[tilespmem:s29], [sflag:$0x1] =	stream.indirect.gather [spmem:s3], $0x40, s24, s28, $0xb8;
	[tilespmem:$0x1C780] =	vst v63  }
0x85: {  	_ =	swait.ge [sflag:s5], $0x2000  }
0x86: {  	[sflag:s5] =	ssyncset.done $0x0  }
0x87: {  	s20 =	sadd.s32 $0x13A00, s20;
	[sflag:s5] =	ssyncadd.s32 $0xFFFFE000  }
0x88: {  	[tilespmem:s31], [sflag:$0x2] =	stream.indirect.gather [spmem:s3], $0x40, s20, s28, $0xb8;
	[tilespmem:$0x1C780] =	vst v63  }
0x89: {  	_ =	swait.ge [sflag:s0], $0x2000  }
0x8a: {  	[sflag:s0] =	ssyncset.done $0x0  }
0x8b: {  	[sflag:s0] =	ssyncadd.s32 $0xFFFFE000  }
0x8c: {  	[spmem:s2] =	stream.indirect.scatter.add.f32 [tilespmem:s29], [sflag:$0x3], $0x40, s6, s28, $0xb8;
	[tilespmem:$0x1C780] =	vst v63  }
0x8d: {  	_ =	swait.ge [sflag:s19], $0x2000  }
0x8e: {  	[sflag:s19] =	ssyncset.done $0x0  }
0x8f: {  	[sflag:s19] =	ssyncadd.s32 $0xFFFFE000  }
0x90: {  	[spmem:s2] =	stream.indirect.scatter.add.f32 [tilespmem:s31], [sflag:$0x4], $0x40, s7, s28, $0xb8;
	[tilespmem:$0x1C780] =	vst v63  }
0x91: {  	_ =	swait.ge [sflag:s21], $0x2000  }
0x92: {  	s18 =	simm.s32 @!p3 $0x80;
	[sflag:s21] =	ssyncset.done $0x0  }
0x93: {  	s20 =	simm.s32 @!p3 $0x15F80;
	s24 =	simm.s32 @!p3 $0x18780;
	[sflag:s21] =	ssyncadd.s32 $0xFFFFE000  }
0x94: {  	[tilespmem:s24], [sflag:$0x1] =	stream.indirect.gather @!p3 [spmem:s3], $0x40, s20, s18, $0xb8;
	[tilespmem:$0x1C780] =	vst v63  }
0x95: {  	s20 =	simm.s32 @!p3 $0x1  }
0x96: {  	_ =	swait.ge @!p3 [sflag:s20], $0x2000  }
0x97: {  	[sflag:s20] =	ssyncset.done @!p3 $0x0  }
0x98: {  	[sflag:s20] =	ssyncadd.s32 @!p3 $0xFFFFE000;
	s20 =	simm.s32 @!p3 $0x18700  }
0x99: {  	[spmem:s2] =	stream.indirect.scatter.add.f32 @!p3 [tilespmem:s24], [sflag:$0x3], $0x40, s20, s18, $0xb8;
	[tilespmem:$0x1C780] =	vst v63  }
0x9a: {  	s18 =	simm.s32 @!p3 $0x3  }
0x9b: {  	_ =	swait.ge @!p3 [sflag:s18], $0x2000  }
0x9c: {  	[sflag:s18] =	ssyncset.done @!p3 $0x0  }
0x9d: {  	[sflag:s18] =	ssyncadd.s32 @!p3 $0xFFFFE000  }
0x9e: {  	_ =	swait.ge [sflag:s5], $0x2000  }
0x9f: {  	s8 =	sadd.s32 $0x1, s8;
	[sflag:s5] =	ssyncset.done $0x0  }
0xa0: {  	p2 =	sne.s32 s8, s17;
	s18 =	sshll.u32 @p4 s1, $0x6;
	[sflag:s5] =	ssyncadd.s32 $0xFFFFE000  }
0xa1: {  	s20 =	sshrl.u32 @p4 s16, $0x3;
	s18 =	sor.u32 @p4 $0x1C05, s18;
	[bflag:$0x0] =	sbarrier.arrive $0xFFFF  }
0xa2: {  	[hbm:s15], [sflag:s18] =	dma.local @p4 [spmem:s20], $0x1F40  }
.Ltmp11:
0xa3: {  	_ = 	snop;
	(pc) =	sbr.rel @p2 .LBB2_1-.Ltmp11, $4  }
0xa4: {  	s18 =	simm.s32 @p4 $0x5  }
0xa5: {  	_ =	swait.ge @p4 [sflag:s18], $0x1F40  }
0xa6: {  	[sflag:s18] =	ssyncset.done @p4 $0x0  }
0xa7: {  	[sflag:s18] =	ssyncadd.s32 @p4 $0xFFFFE0C0  }
0xa8: {  	_ =	sfence.sel $0x180000  }
0xa9: {  	[bflag:$0x0] =	sbarrier.arrive $0xFFFF  }
0xaa: {  	_ =	strace $0x9000004A  }
0xab: {  	[bflag:$0x2] =	sbarrier.arrive $0xFFFF  }
0xac: {  	p0 =	sne.s32 s1, $0x0;
	s0 =	rddreg [dreg:$0x4]  }
0xad: {  	s0 =	sadd.s32 @!p0 $0x100000, s0  }
0xae: {  	[sflag:s0] =	ssyncadd.tile.s32 @!p0 $0x1;
	_ =	shalt  }
.Lfunc_end2:
_tile_overlayer_lowered:
.L_overlay_start_2:
0xaf: {  	(tag) =	ssettag $0x2  }
0xb0: {  	s0 =	rddreg [dreg:$0x0];
	s2 =	stileid.u32  }
0xb1: {  	s1 =	rddreg [dreg:$0x1];
	p0 =	sne.s32 s2, $0x0  }
0xb2: {  	s3 =	rddreg [dreg:$0x2];
	[bflag:$0x3] =	sbarrier.arrive $0xFFFF;
	s2 =	simm.s32 @!p0 $0x1C05  }
0xb3: {  	[timem:s3], [sflag:s2] =	dma.local @!p0 [hbm:s0], s1  }
0xb4: {  	s0 =	simm.s32 @!p0 $0x5  }
0xb5: {  	_ =	swait.ge @!p0 [sflag:s0], s1  }
0xb6: {  	s1 =	ssub.s32 @!p0 $0x0, s1;
	[sflag:s0] =	ssyncset.done @!p0 $0x0  }
0xb7: {  	[sflag:s0] =	ssyncadd.s32 @!p0 s1  }
0xb8: {  	[bflag:$0x3] =	sbarrier.arrive $0xFFFF  }
0xb9: {  	_ =	shalt  }

// kernel: kernel.8.cloned.1.call-start
scs
__scs_entry_jumppad:
0x0: {  	(pc) =	sbr.rel $0x88, $3  }
0x1: {  	(tag) =	ssettag $0x0;
	lr =	simm.s32 $0x1  }
0x2: {  	[smem:$0x3F9B] =	sst lr;
	_ =	strace $0xD0000000  }
0x3: {  	_ = 	snop  }
0x4: {  	_ = 	snop  }
0x5: {  	_ = 	snop  }
0x6: {  	_ = 	snop  }
0x7: {  	_ = 	snop  }
__scs_overlays_trampoline_lowered:
0x8: {  	[smem:$0x3FAA] =	sst s0  }
0x9: {  	[smem:$0x3FAB] =	sst s1  }
0xa: {  	[smem:$0x3FAC] =	sst s2  }
0xb: {  	[smem:$0x3FAD] =	sst s3  }
0xc: {  	[smem:$0x3FAE] =	sst s4  }
0xd: {  	[smem:$0x3FAF] =	sst s5  }
0xe: {  	[smem:$0x3FB0] =	sst s6  }
0xf: {  	[smem:$0x3FB1] =	sst s7  }
0x10: {  	[smem:$0x3FB2] =	sst s8  }
0x11: {  	[smem:$0x3FB3] =	sst s9;
	s0 =	simm.s32 @!p0 $0x0  }
0x12: {  	s1 =	sld [smem:$0x3F99];
	s0 =	simm.s32 @p0 $0x1  }
0x13: {  	[smem:$0x3FB4] =	sst s0;
	s0 =	simm.s32 @!p1 $0x0  }
0x14: {  	s2 =	sld [smem:$0x3F98];
	s0 =	simm.s32 @p1 $0x1  }
0x15: {  	[smem:$0x3FB5] =	sst s0;
	s0 =	simm.s32 @!p2 $0x0  }
0x16: {  	s3 =	sld [smem:$0x3FDB];
	s0 =	simm.s32 @p2 $0x1  }
0x17: {  	s4 =	simm.s32 $0x1BF5;
	[smem:$0x3FB7] =	sst s0  }
0x18: {  	s0 =	sld [smem:$0x3F9A];
	_ =	swait.ge [sflag:s4], $0x0  }
0x19: {  	s7 =	sld [smem:$0x3F9B]  }
0x1a: {  	s8 =	sadd.s32 $0xFFFFE003, lr  }
0x1b: {  	s9 =	sadd.s32 $0xFFFFFEF7, lr;
	s5 =	simm.s32 $0xFFFFFFFF;
	p2 =	slt.u32 s8, $0xFFFFF086  }
0x1c: {  	p1 =	slt.u32 s9, $0xF7A;
	s5 =	simm.s32 @!p2 $0x0  }
0x1d: {  	s5 =	simm.s32 @p1 $0x1;
	p0 =	seq.s32 s7, s2  }
0x1e: {  	s7 =	smul.u32 @!p0 $0xF7A, s2;
	p2 =	seq.s32 @!p0 s5, $0x0  }
0x1f: {  	s9 =	smul.u32 $0xF7A, s1;
	s8 =	simm.s32 @!p0 $0x1BF5;
	p2 =	por !p2, p0  }
0x20: {  	[sflag:s8] =	ssyncset.s32 @!p0 $0xFFFFF086;
	s6 =	sadd.s32 @!p0 s3, s7;
	s7 =	simm.s32 @!p0 $0x108  }
0x21: {  	s3 =	sadd.s32 s3, s9;
	s6 =	sadd.s32 @!p0 $0x88, s6;
	s7 =	simm.s32 @p2 $0x1082  }
0x22: {  	[simem:s7], [sflag:s8] =	dma.local @!p0 [hbm:s6], $0xF7A  }
0x23: {  	s9 =	sor.u32 $0xD0000000, s2;
	s6 =	simm.s32 $0x108;
	_ =	swait.ge @!p0 [sflag:s8], $0x0  }
0x24: {  	s3 =	sadd.s32 $0x88, s3;
	s6 =	simm.s32 @!p1 $0x1082;
	[sflag:s4] =	ssyncset.s32 $0xFFFFF086  }
0x25: {  	[simem:s6], [sflag:s4] =	dma.local [hbm:s3], $0xF7A  }
0x26: {  	[smem:$0x3F9B] =	sst s1;
	(tag) =	ssettag s2;
	_ =	strace s9  }
0x27: {  	s1 =	sld [smem:$0x3FAB]  }
0x28: {  	s2 =	sld [smem:$0x3FAC]  }
0x29: {  	s4 =	sld [smem:$0x3FAE]  }
0x2a: {  	p0 =	seq.s32 s5, $0x0;
	s5 =	sld [smem:$0x3FAF]  }
0x2b: {  	s6 =	sld [smem:$0x3FB0]  }
0x2c: {  	s7 =	sld [smem:$0x3FB1]  }
0x2d: {  	s3 =	simm.s32 $0x108;
	s8 =	sld [smem:$0x3FB2]  }
0x2e: {  	s3 =	simm.s32 @!p0 $0x1082;
	s9 =	sld [smem:$0x3FB3]  }
0x2f: {  	lr =	sadd.s32 s0, s3;
	s0 =	sld [smem:$0x3FAA]  }
0x30: {  	s3 =	sld [smem:$0x3FAD]  }
0x31: {  	[smem:$0x3FB6] =	sst s10  }
0x32: {  	s10 =	sld [smem:$0x3FB4];
	_ =	sdelay $0x3  }
0x33: {  	p0 =	seq.s32 s10, $0x1;
	s10 =	sld [smem:$0x3FB6];
	_ =	sdelay $0x3  }
0x34: {  	[smem:$0x3FB6] =	sst s10  }
0x35: {  	s10 =	sld [smem:$0x3FB5];
	_ =	sdelay $0x3  }
0x36: {  	p1 =	seq.s32 s10, $0x1;
	s10 =	sld [smem:$0x3FB6];
	_ =	sdelay $0x3  }
0x37: {  	[smem:$0x3FB6] =	sst s10  }
0x38: {  	s10 =	sld [smem:$0x3FB7]  }
0x39: {  	_ = 	snop;
	(pc) =	sbr.ind lr, $3  }
0x3a: {  	_ = 	snop  }
0x3b: {  	_ = 	snop  }
0x3c: {  	p2 =	seq.s32 s10, $0x1;
	s10 =	sld [smem:$0x3FB6]  }
0x3d: {  	_ =	shalt  }
0x3e: {  	_ =	shalt  }
0x3f: {  	_ =	shalt  }
0x40: {  	_ =	shalt  }
0x41: {  	_ =	shalt  }
0x42: {  	_ =	shalt  }
0x43: {  	_ =	shalt  }
0x44: {  	_ =	shalt  }
0x45: {  	_ =	shalt  }
0x46: {  	_ =	shalt  }
0x47: {  	_ =	shalt  }
0x48: {  	_ =	shalt  }
0x49: {  	_ =	shalt  }
0x4a: {  	_ =	shalt  }
0x4b: {  	_ =	shalt  }
0x4c: {  	_ =	shalt  }
0x4d: {  	_ =	shalt  }
0x4e: {  	_ =	shalt  }
0x4f: {  	_ =	shalt  }
0x50: {  	_ =	shalt  }
0x51: {  	_ =	shalt  }
0x52: {  	_ =	shalt  }
0x53: {  	_ =	shalt  }
0x54: {  	_ =	shalt  }
0x55: {  	_ =	shalt  }
0x56: {  	_ =	shalt  }
0x57: {  	_ =	shalt  }
0x58: {  	_ =	shalt  }
0x59: {  	_ =	shalt  }
0x5a: {  	_ =	shalt  }
0x5b: {  	_ =	shalt  }
0x5c: {  	_ =	shalt  }
0x5d: {  	_ =	shalt  }
0x5e: {  	_ =	shalt  }
0x5f: {  	_ =	shalt  }
0x60: {  	_ =	shalt  }
0x61: {  	_ =	shalt  }
0x62: {  	_ =	shalt  }
0x63: {  	_ =	shalt  }
0x64: {  	_ =	shalt  }
0x65: {  	_ =	shalt  }
0x66: {  	_ =	shalt  }
0x67: {  	_ =	shalt  }
0x68: {  	_ =	shalt  }
0x69: {  	_ =	shalt  }
0x6a: {  	_ =	shalt  }
0x6b: {  	_ =	shalt  }
0x6c: {  	_ =	shalt  }
0x6d: {  	_ =	shalt  }
0x6e: {  	_ =	shalt  }
0x6f: {  	_ =	shalt  }
0x70: {  	_ =	shalt  }
0x71: {  	_ =	shalt  }
0x72: {  	_ =	shalt  }
0x73: {  	_ =	shalt  }
0x74: {  	_ =	shalt  }
0x75: {  	_ =	shalt  }
0x76: {  	_ =	shalt  }
0x77: {  	_ =	shalt  }
0x78: {  	_ =	shalt  }
0x79: {  	_ =	shalt  }
0x7a: {  	_ =	shalt  }
0x7b: {  	_ =	shalt  }
0x7c: {  	_ =	shalt  }
0x7d: {  	_ =	shalt  }
0x7e: {  	_ =	shalt  }
0x7f: {  	_ =	shalt  }
0x80: {  	_ =	shalt  }
0x81: {  	_ =	shalt  }
0x82: {  	_ =	shalt  }
0x83: {  	_ =	shalt  }
0x84: {  	_ =	shalt  }
0x85: {  	_ =	shalt  }
0x86: {  	_ =	shalt  }
0x87: {  	_ =	shalt  }
.Lfunc_end0:
.L_simem_size_0:
called_computation_lowered:
.L_overlay_start_0:
0x88: {  	s2 =	sld [smem:$0x3FD9]  }
0x89: {  	s3 =	sld [smem:$0x3FFE];
	_ =	sdelay $0x1  }
0x8a: {  	s1 =	srdreg.scid  }
0x8b: {  	s0 =	sand.u32 $0x1, s1  }
0x8c: {  	s14 =	sshll.u32 s0, $0xA;
	s2 =	sadd.s32 s3, s2  }
0x8d: {  	s2 =	sadd.s32 s2, s14  }
0x8e: {  	[smem:$0x3FC2] =	sst s2  }
0x8f: {  	_ = 	snop  }
0x90: {  	s2 =	sld [smem:$0x3FD0];
	_ =	sdelay $0x2  }
0x91: {  	s15 =	simm.s32 $0xB;
	s4 =	simm.s32 $0x10  }
0x92: {  	[smem:s4], [sflag:s15] =	dma.local [hbm:s2], $0x1  }
0x93: {  	_ =	swait.eq [sflag:s15], $0x1  }
0x94: {  	[sflag:s15] =	ssyncset.done $0x0  }
0x95: {  	[sflag:s15] =	ssyncadd.s32 $0xFFFFFFFF  }
0x96: {  	s16 =	sld [smem:$0x10];
	(tm) =	ssettm $0x1  }
0x97: {  	s17 =	sld [smem:$0x3FFB];
	_ =	sdelay $0x3  }
0x98: {  	_ =	strace s17  }
0x99: {  	s3 =	sld [smem:$0x3FFC];
	_ =	sdelay $0x3  }
0x9a: {  	_ =	strace s3  }
0x9b: {  	s3 =	sld [smem:$0x3FFD];
	_ =	sdelay $0x3  }
0x9c: {  	_ =	strace s3  }
0x9d: {  	_ =	strace $0x8FFFFFFF  }
0x9e: {  	s18 =	sld [smem:$0x3FDB];
	_ =	sdelay $0x1  }
0x9f: {  	s19 =	simm.s32 $_scs_section_size  }
0xa0: {  	s5 =	simm.s32 $_size__tile_overlayer_lowered;
	s6 =	simm.s32 $_tile_overlayer_lowered  }
0xa1: {  	s22 =	simm.s32 $0x1BFF;
	s21 =	sshll.u32 s6, $0x1;
	s3 =	sadd.s32 s19, s18  }
0xa2: {  	s7 =	simm.s32 $0x0;
	s20 =	sshll.u32 s5, $0x1;
	s5 =	sadd.s32 s21, s3  }
0xa3: {  	[timem:s7], [sflag:s22] =	dma.local [hbm:s5], s20  }
0xa4: {  	_ =	swait.ge [sflag:s22], s20  }
0xa5: {  	s4 =	ssub.s32 $0x0, s20;
	[sflag:s22] =	ssyncset.done $0x0  }
0xa6: {  	[sflag:s22] =	ssyncadd.s32 s4;
	_ =	sdelay $0x1  }
0xa7: {  	s23 =	simm.s32 $0x1B8B  }
0xa8: {  	_ =	swait.ge [sflag:s23], $0x1  }
0xa9: {  	[sflag:s23] =	ssyncset.done $0x0  }
0xaa: {  	s25 =	simm.s32 $0x1B8E;
	s24 =	sld [smem:$0x3FFE];
	[sflag:s23] =	ssyncadd.s32 $0xFFFFFFFF  }
0xab: {  	s26 =	simm.s32 $execute0_lowered;
	[smem:$0x3FD2] =	sst s25  }
0xac: {  	s5 =	sshll.u32 s26, $0x1;
	_ =	strace $0x80000046;
	[dreg:$0x1] =	wrdreg $0xFFFFFFFF  }
0xad: {  	s28 =	simm.s32 $_size_execute0_lowered;
	s3 =	sadd.s32 s3, s5;
	[dreg:$0x0] =	wrdreg $0x0  }
0xae: {  	s5 =	sshll.u32 s28, $0x1;
	[dreg:$0x2] =	wrdreg s3  }
0xaf: {  	[dreg:$0x3] =	wrdreg s5  }
0xb0: {  	[dreg:$0x4] =	wrdreg $0xC0  }
0xb1: {  	_ =	task [dreg:s7], $0x5FFFF  }
0xb2: {  	[dreg:$0x1] =	wrdreg $0xFFFFFFFF  }
0xb3: {  	[dreg:$0x0] =	wrdreg $0x60  }
0xb4: {  	[dreg:$0x2] =	wrdreg s24  }
0xb5: {  	[dreg:$0x3] =	wrdreg s16  }
0xb6: {  	[dreg:$0x4] =	wrdreg $0x0  }
0xb7: {  	[dreg:$0x5] =	wrdreg $0x2780  }
0xb8: {  	[dreg:$0x6] =	wrdreg $0x4F00  }
0xb9: {  	[dreg:$0x7] =	wrdreg $0x7680  }
0xba: {  	[dreg:$0x8] =	wrdreg $0x9  }
0xbb: {  	_ =	task.clear_ibuf [dreg:s7], $0x9FFFF;
	_ =	strace $0x90000046  }
0xbc: {  	s29 =	simm.s32 $0x9;
	_ =	strace $0x80000048  }
0xbd: {  	_ =	swait.ge [sflag:s29], $0x1  }
0xbe: {  	[sflag:s29] =	ssyncadd.s32 $0xFFFFFFFF  }
0xbf: {  	_ =	strace $0x90000048  }
0xc0: {  	_ =	sfence  }
0xc1: {  	s30 =	sld [smem:$0x0];
	_ =	sdelay $0x2  }
0xc2: {  	s31 =	sshll.u32 s1, $0xD;
	s1 =	sshrl.u32 s1, $0x2  }
0xc3: {  	s3 =	sand.u32 $0x4000, s31;
	s1 =	sadd.s32 s1, s30  }
0xc4: {  	s0 =	sor.u32 s3, s0;
	s1 =	sshll.u32 s1, $0x11  }
0xc5: {  	s0 =	sor.u32 s1, s0  }
0xc6: {  	s0 =	sadd.s32 $0x8F2B, s0  }
0xc7: {  	[sflag:s0] =	ssyncadd.remote.s32 $0x1  }
0xc8: {  	_ =	sfence.sel $0xFFFF  }
0xc9: {  	[dreg:$0x0] =	wrdreg $0xFFFFFFFF;
	(pc) =	sbr.abs _section_cstart, $3  }
0xca: {  	[dreg:$0x1] =	wrdreg $0xFFFFFFFF  }
0xcb: {  	_ =	task.clear_ibuf [dreg:s7], $0x2FFFF;
	_ =	strace $0x9FFFFFFF  }
0xcc: {  	(tm) =	ssettm $0x7FFFFFFF  }
0xcd: {  	_ =	shalt  }
tec
execute0_lowered:
.L_overlay_start_1:
0x0: {  	(tag) =	ssettag $0x1  }
0x1: {  	s0 =	rddreg [dreg:$0x0]  }
0x2: {  	s5 =	rddreg [dreg:$0x1]  }
0x3: {  	s1 =	rddreg [dreg:$0x2]  }
0x4: {  	s2 =	rddreg [dreg:$0x3]  }
0x5: {  	s3 =	rddreg [dreg:$0x4]  }
0x6: {  	s4 =	rddreg [dreg:$0x5]  }
0x7: {  	s6 =	srdreg.scid;
	s21 =	stileid.u32;
	s28 =	simm.s32 $0x5  }
0x8: {  	s29 =	simm.s32 $0x9E0;
	s30 =	simm.s32 $0x8060;
	s31 =	simm.s32 $0x80  }
0x9: {  	s8 =	sand.u32 $0x1, s6;
	s6 =	simm.s32 $0x0;
	s11 =	sadd.s32 $0x15200, s0  }
0xa: {  	s14 =	sadd.s32 $0x1800, s0;
	s18 =	smul.u32 $0x3E8, s21;
	s12 =	sadd.s32 $0x28C00, s0  }
0xb: {  	s15 =	sadd.s32 $0xB440, s0;
	p0 =	sgt.s32 s21, $0x1;
	p1 =	seq.s32 s21, $0x0  }
0xc: {  	p3 =	seq.s32 s21, $0x1;
	p4 =	sgt.u32 s21, $0x9;
	p5 =	seq.s32 s21, $0x2  }
0xd: {  	p6 =	seq.s32 s21, $0x3;
	s7 =	sshll.u32 s8, $0x4;
	[smem:$0x7FF] =	sst s6  }
0xe: {  	s10 =	ssub.s32 $0x2, s8;
	s8 =	smul.u32 $0x9C40, s8;
	s17 =	sor.u32 s21, s7  }
0xf: {  	_ =	strace $0x80000047;
	s22 =	sshrl.u32 s10, $0x1;
	[dreg:$0x7] =	wrdreg s12  }
0x10: {  	s12 =	sadd.s32 $0x1EE40, s0;
	s23 =	sadd.s32 s18, s1;
	s24 =	sadd.s32 s18, s2  }
0x11: {  	s25 =	sadd.s32 s18, s3;
	s21 =	simm.s32 $0x2;
	s7 =	smul.u32 $0x4E, s17  }
0x12: {  	s9 =	smin.u32 s17, $0x4;
	s19 =	ssub.s32 s10, s22;
	s8 =	sadd.s32 s18, s8  }
0x13: {  	s18 =	sadd.s32 s18, s4;
	p2 =	sgt.u32 s17, $0x3;
	s17 =	simm.s32 @!p3 $0x0  }
0x14: {  	s0 =	sshrl.u32 s23, $0x3;
	s26 =	sshrl.u32 s24, $0x3;
	s24 =	sshrl.u32 s25, $0x3  }
0x15: {  	s8 =	sshrl.u32 s8, $0x3;
	s17 =	simm.s32 @p3 $0x1;
	[dreg:$0xb] =	wrdreg s0  }
0x16: {  	[dreg:$0xc] =	wrdreg s26;
	s25 =	sshrl.u32 s18, $0x3;
	s0 =	simm.s32 $0xA7E0  }
0x17: {  	s26 =	simm.s32 $0x3;
	s18 =	simm.s32 $0x0;
	s7 =	sadd.s32 s9, s7  }
0x18: {  	s16 =	sadd.s32 s5, s8;
	[smem:$0x7FD] =	sst s17;
	s17 =	simm.s32 $0x4  }
.Ltmp0:
0x19: {  	s7 =	sshll.u32 s7, $0x4;
	s5 =	sadd.s32 $0x4E2, s16;
	(pc) =	sbr.rel .LBB2_1-.Ltmp0, $4  }
0x1a: {  	s8 =	sadd.s32 $0x9C4, s16;
	s20 =	sadd.s32 $0xEA6, s16;
	[dreg:$0x8] =	wrdreg s5  }
0x1b: {  	s9 =	sadd.s32 $0x4E0, s7;
	s10 =	sadd.s32 s11, s7;
	[dreg:$0x9] =	wrdreg s8  }
0x1c: {  	s13 =	sadd.s32 s14, s7;
	[dreg:$0xa] =	wrdreg s20;
	s20 =	smax.u32 s19, $0x1  }
0x1d: {  	v0 =	vimm.f32 $1.000000000e+00;
	s5 =	simm.s32 $0x1;
	s11 =	sadd.s32 s11, s9;
	s14 =	sadd.s32 s14, s9  }
.LBB2_14:
0x1e: {  	s8 =	simm.s32 $0x30E0  }
0x1f: {  	[spmem:s1] =	stream.indirect.scatter.add.f32 [tilespmem:s0], [sflag:$0x1], $0x1, s8, s31, $0xb8;
	[tilespmem:$0xA860] =	vst v63  }
0x20: {  	s19 =	simm.s32 $0x5860  }
0x21: {  	[spmem:s2] =	stream.indirect.scatter.add.f32 [tilespmem:s0], [sflag:$0x2], $0x1, s19, s31, $0xb8;
	[tilespmem:$0xA860] =	vst v63  }
0x22: {  	s22 =	simm.s32 $0x7FE0  }
0x23: {  	[spmem:s3] =	stream.indirect.scatter.add.f32 [tilespmem:s0], [sflag:$0x3], $0x1, s22, s31, $0xb8;
	[tilespmem:$0xA860] =	vst v63  }
0x24: {  	s23 =	simm.s32 $0xA760  }
0x25: {  	[spmem:s4] =	stream.indirect.scatter.add.f32 [tilespmem:s0], [sflag:$0x4], $0x1, s23, s31, $0xb8;
	[tilespmem:$0xA860] =	vst v63  }
0x26: {  	_ =	swait.ge [sflag:s5], $0x80  }
0x27: {  	[sflag:s5] =	ssyncset.done $0x0  }
0x28: {  	[sflag:s5] =	ssyncadd.s32 $0xFFFFFF80  }
0x29: {  	_ =	swait.ge [sflag:s21], $0x80  }
0x2a: {  	[sflag:s21] =	ssyncset.done $0x0  }
0x2b: {  	[sflag:s21] =	ssyncadd.s32 $0xFFFFFF80  }
0x2c: {  	_ =	swait.ge [sflag:s26], $0x80  }
0x2d: {  	[sflag:s26] =	ssyncset.done $0x0  }
0x2e: {  	[sflag:s26] =	ssyncadd.s32 $0xFFFFFF80  }
0x2f: {  	_ =	swait.ge [sflag:s17], $0x80  }
0x30: {  	[sflag:s17] =	ssyncset.done $0x0  }
0x31: {  	[sflag:s17] =	ssyncadd.s32 $0xFFFFFF80  }
0x32: {  	[bflag:$0x0] =	sbarrier.arrive $0xFFFF  }
.LBB2_16:
0x33: {  	s8 =	stileid.u32  }
0x34: {  	s8 =	sshll.u32 s8, $0x6  }
0x35: {  	s19 =	rddreg [dreg:$0xb];
	s8 =	sor.u32 $0x1C05, s8  }
0x36: {  	[hbm:s16], [sflag:s8] =	dma.local [spmem:s19], $0x7D  }
0x37: {  	_ =	swait.ge [sflag:s28], $0x7D  }
0x38: {  	[sflag:s28] =	ssyncset.done $0x0;
	s23 =	rddreg [dreg:$0x8]  }
0x39: {  	s22 =	rddreg [dreg:$0xc];
	[sflag:s28] =	ssyncadd.s32 $0xFFFFFF83  }
0x3a: {  	[hbm:s23], [sflag:s8] =	dma.local [spmem:s22], $0x7D  }
0x3b: {  	_ =	swait.ge [sflag:s28], $0x7D  }
0x3c: {  	[sflag:s28] =	ssyncset.done $0x0  }
0x3d: {  	s22 =	rddreg [dreg:$0x9];
	[sflag:s28] =	ssyncadd.s32 $0xFFFFFF83  }
0x3e: {  	[hbm:s22], [sflag:s8] =	dma.local [spmem:s24], $0x7D  }
0x3f: {  	_ =	swait.ge [sflag:s28], $0x7D  }
0x40: {  	[sflag:s28] =	ssyncset.done $0x0  }
0x41: {  	s23 =	rddreg [dreg:$0xa];
	[sflag:s28] =	ssyncadd.s32 $0xFFFFFF83  }
0x42: {  	[hbm:s23], [sflag:s8] =	dma.local [spmem:s25], $0x7D  }
0x43: {  	_ =	swait.ge [sflag:s28], $0x7D  }
0x44: {  	[sflag:s28] =	ssyncset.done $0x0  }
0x45: {  	[sflag:s28] =	ssyncadd.s32 $0xFFFFFF83  }
.LBB2_17:
0x46: {  	s18 =	sadd.s32 $0x1, s18  }
0x47: {  	p3 =	sne.s32 s18, s20  }
.Ltmp1:
0x48: {  	_ = 	snop;
	(pc) =	sbr.rel @!p3 .LBB2_18-.Ltmp1, $1  }
0x49: {  	_ =	sdelay $0x3  }
.LBB2_1:
.Ltmp2:
0x4a: {  	(pc) =	sbr.rel @p0 .LBB2_5-.Ltmp2, $1  }
0x4b: {  	_ =	sdelay $0x3  }
.Ltmp3:
0x4c: {  	(pc) =	sbr.rel @p1 .LBB2_8-.Ltmp3, $1  }
0x4d: {  	_ =	sdelay $0x3  }
0x4e: {  	s8 =	sld [smem:$0x7FD];
	_ =	sdelay $0x2  }
0x4f: {  	p3 =	seq.s32 s8, $0x1  }
.Ltmp4:
0x50: {  	_ = 	snop;
	(pc) =	sbr.rel @!p3 .LBB2_11-.Ltmp4, $1  }
0x51: {  	_ =	sdelay $0x3  }
.Ltmp5:
0x52: {  	(pc) =	sbr.rel .LBB2_10-.Ltmp5, $3  }
0x53: {  	_ =	sdelay $0x1  }
0x54: {  	s8 =	sshrl.u32 s2, $0x3;
	s19 =	rddreg [dreg:$0x7];
	s22 =	simm.s32 $0x1C45  }
0x55: {  	[spmem:s8], [sflag:s22] =	dma.local [hbm:s19], $0x4E2  }
.LBB2_5:
.Ltmp6:
0x56: {  	(pc) =	sbr.rel @p5 .LBB2_9-.Ltmp6, $1  }
0x57: {  	_ =	sdelay $0x3  }
.Ltmp7:
0x58: {  	(pc) =	sbr.rel @!p6 .LBB2_11-.Ltmp7, $1  }
0x59: {  	_ =	sdelay $0x3  }
.Ltmp8:
0x5a: {  	(pc) =	sbr.rel .LBB2_10-.Ltmp8, $3  }
0x5b: {  	_ =	sdelay $0x1  }
0x5c: {  	s8 =	sshrl.u32 s4, $0x3;
	s19 =	rddreg [dreg:$0x7];
	s22 =	simm.s32 $0x1CC5  }
0x5d: {  	[spmem:s8], [sflag:s22] =	dma.local [hbm:s19], $0x4E2  }
.LBB2_8:
.Ltmp9:
0x5e: {  	(pc) =	sbr.rel .LBB2_10-.Ltmp9, $3  }
0x5f: {  	_ =	sdelay $0x1  }
0x60: {  	s8 =	sshrl.u32 s1, $0x3;
	s19 =	rddreg [dreg:$0x7];
	s22 =	simm.s32 $0x1C05  }
0x61: {  	[spmem:s8], [sflag:s22] =	dma.local [hbm:s19], $0x4E2  }
.LBB2_9:
0x62: {  	s8 =	sshrl.u32 s3, $0x3;
	s19 =	rddreg [dreg:$0x7];
	s22 =	simm.s32 $0x1C85  }
0x63: {  	[spmem:s8], [sflag:s22] =	dma.local [hbm:s19], $0x4E2  }
.LBB2_10:
0x64: {  	_ =	swait.ge [sflag:s28], $0x4E2  }
0x65: {  	[sflag:s28] =	ssyncset.done $0x0  }
0x66: {  	[sflag:s28] =	ssyncadd.s32 $0xFFFFFB1E  }
.LBB2_11:
0x67: {  	[tilespmem:$0xA7E0] =	vst v0  }
0x68: {  	[tilespmem:$0xA7F0] =	vst v0  }
0x69: {  	[tilespmem:$0xA800] =	vst v0  }
0x6a: {  	[tilespmem:$0xA810] =	vst v0  }
0x6b: {  	[tilespmem:$0xA820] =	vst v0  }
0x6c: {  	[tilespmem:$0xA830] =	vst v0  }
0x6d: {  	[tilespmem:$0xA840] =	vst v0  }
0x6e: {  	[tilespmem:$0xA850] =	vst v0  }
0x6f: {  	[tilespmem:s29], [sflag:$0x5] =	stream.linear.gather [hbm4b:s10+s6], $0x2700, $0x38;
	[tilespmem:$0xA860] =	vst v63  }
0x70: {  	_ =	swait.ge [sflag:s28], $0x2700  }
0x71: {  	s8 =	sadd.s32 @p2 s7, s12;
	[sflag:s28] =	ssyncset.done $0x0  }
0x72: {  	s19 =	simm.s32 @p2 $0x0;
	s22 =	simm.s32 @p2 $0x3160;
	[sflag:s28] =	ssyncadd.s32 $0xFFFFD900  }
0x73: {  	[tilespmem:s22], [sflag:$0x5] =	stream.linear.gather @p2 [hbm4b:s8+s19], $0x2700, $0x38;
	[tilespmem:$0xA860] =	vst v63  }
0x74: {  	s8 =	simm.s32 @p2 $0x5  }
0x75: {  	_ =	swait.ge @p2 [sflag:s8], $0x2700  }
0x76: {  	[sflag:s8] =	ssyncset.done @p2 $0x0  }
0x77: {  	s22 =	simm.s32 @p2 $0x58E0;
	[sflag:s8] =	ssyncadd.s32 @p2 $0xFFFFD900  }
0x78: {  	[tilespmem:s22], [sflag:$0x5] =	stream.linear.gather @p2 [hbm4b:s13+s19], $0x2700, $0x38;
	[tilespmem:$0xA860] =	vst v63  }
0x79: {  	_ =	swait.ge @p2 [sflag:s8], $0x2700  }
0x7a: {  	[sflag:s8] =	ssyncset.done @p2 $0x0  }
0x7b: {  	s19 =	simm.s32 @!p2 $0x30E0;
	[sflag:s8] =	ssyncadd.s32 @p2 $0xFFFFD900;
	s8 =	simm.s32 @!p2 $0x0  }
0x7c: {  	[tilespmem:s19], [sflag:$0x5] =	stream.linear.gather @!p2 [hbm4b:s11+s8], $0x80, $0x38;
	[tilespmem:$0xA860] =	vst v63  }
0x7d: {  	s19 =	simm.s32 @!p2 $0x5  }
0x7e: {  	_ =	swait.ge @!p2 [sflag:s19], $0x80  }
0x7f: {  	[sflag:s19] =	ssyncset.done @!p2 $0x0  }
0x80: {  	s23 =	simm.s32 @!p2 $0x3160;
	s22 =	sadd.s32 @!p2 s7, s12;
	[sflag:s19] =	ssyncadd.s32 @!p2 $0xFFFFFF80  }
0x81: {  	[tilespmem:s23], [sflag:$0x5] =	stream.linear.gather @!p2 [hbm4b:s22+s8], $0x2700, $0x38;
	[tilespmem:$0xA860] =	vst v63  }
0x82: {  	_ =	swait.ge @!p2 [sflag:s19], $0x2700  }
0x83: {  	[sflag:s19] =	ssyncset.done @!p2 $0x0  }
0x84: {  	s22 =	sadd.s32 @!p2 s12, s9;
	s23 =	simm.s32 @!p2 $0x5860;
	[sflag:s19] =	ssyncadd.s32 @!p2 $0xFFFFD900  }
0x85: {  	[tilespmem:s23], [sflag:$0x5] =	stream.linear.gather @!p2 [hbm4b:s22+s8], $0x80, $0x38;
	[tilespmem:$0xA860] =	vst v63  }
0x86: {  	_ =	swait.ge @!p2 [sflag:s19], $0x80  }
0x87: {  	[sflag:s19] =	ssyncset.done @!p2 $0x0  }
0x88: {  	s22 =	simm.s32 @!p2 $0x58E0;
	[sflag:s19] =	ssyncadd.s32 @!p2 $0xFFFFFF80  }
0x89: {  	[tilespmem:s22], [sflag:$0x5] =	stream.linear.gather @!p2 [hbm4b:s13+s8], $0x2700, $0x38;
	[tilespmem:$0xA860] =	vst v63  }
0x8a: {  	_ =	swait.ge @!p2 [sflag:s19], $0x2700  }
0x8b: {  	[sflag:s19] =	ssyncset.done @!p2 $0x0  }
0x8c: {  	s22 =	simm.s32 @!p2 $0x7FE0;
	[sflag:s19] =	ssyncadd.s32 @!p2 $0xFFFFD900  }
0x8d: {  	[tilespmem:s22], [sflag:$0x5] =	stream.linear.gather @!p2 [hbm4b:s14+s8], $0x80, $0x38;
	[tilespmem:$0xA860] =	vst v63  }
0x8e: {  	_ =	swait.ge @!p2 [sflag:s19], $0x80  }
0x8f: {  	[sflag:s19] =	ssyncset.done @!p2 $0x0  }
0x90: {  	s23 =	sadd.s32 s7, s15;
	[sflag:s19] =	ssyncadd.s32 @!p2 $0xFFFFFF80  }
0x91: {  	[tilespmem:s30], [sflag:$0x5] =	stream.linear.gather [hbm4b:s23+s6], $0x2700, $0x38;
	[tilespmem:$0xA860] =	vst v63  }
0x92: {  	_ =	swait.ge [sflag:s28], $0x2700  }
0x93: {  	[sflag:s28] =	ssyncset.done $0x0  }
0x94: {  	s22 =	sadd.s32 @!p2 s15, s9;
	s23 =	simm.s32 @!p2 $0xA760;
	[sflag:s28] =	ssyncadd.s32 $0xFFFFD900  }
0x95: {  	[tilespmem:s23], [sflag:$0x5] =	stream.linear.gather @!p2 [hbm4b:s22+s8], $0x80, $0x38;
	[tilespmem:$0xA860] =	vst v63  }
0x96: {  	_ =	swait.ge @!p2 [sflag:s19], $0x80  }
0x97: {  	[sflag:s19] =	ssyncset.done @!p2 $0x0  }
0x98: {  	[sflag:s19] =	ssyncadd.s32 @!p2 $0xFFFFFF80  }
0x99: {  	[bflag:$0x0] =	sbarrier.arrive $0xFFFF  }
0x9a: {  	[spmem:s1] =	stream.indirect.scatter.add.f32 [tilespmem:s0], [sflag:$0x1], $0x1, s29, s31, $0xb8;
	[tilespmem:$0xA860] =	vst v63  }
0x9b: {  	s22 =	simm.s32 $0x3160  }
0x9c: {  	[spmem:s2] =	stream.indirect.scatter.add.f32 [tilespmem:s0], [sflag:$0x2], $0x1, s22, s31, $0xb8;
	[tilespmem:$0xA860] =	vst v63  }
0x9d: {  	s23 =	simm.s32 $0x58E0  }
0x9e: {  	[spmem:s3] =	stream.indirect.scatter.add.f32 [tilespmem:s0], [sflag:$0x3], $0x1, s23, s31, $0xb8;
	[tilespmem:$0xA860] =	vst v63  }
0x9f: {  	_ = 	snop  }
0xa0: {  	[spmem:s4] =	stream.indirect.scatter.add.f32 [tilespmem:s0], [sflag:$0x4], $0x1, s30, s31, $0xb8;
	[tilespmem:$0xA860] =	vst v63  }
0xa1: {  	_ =	swait.ge [sflag:s5], $0x80  }
0xa2: {  	[sflag:s5] =	ssyncset.done $0x0  }
0xa3: {  	s19 =	simm.s32 $0xA60;
	[sflag:s5] =	ssyncadd.s32 $0xFFFFFF80  }
0xa4: {  	[spmem:s1] =	stream.indirect.scatter.add.f32 [tilespmem:s0], [sflag:$0x1], $0x1, s19, s31, $0xb8;
	[tilespmem:$0xA860] =	vst v63  }
0xa5: {  	_ =	swait.ge [sflag:s21], $0x80  }
0xa6: {  	[sflag:s21] =	ssyncset.done $0x0  }
0xa7: {  	s22 =	simm.s32 $0x31E0;
	[sflag:s21] =	ssyncadd.s32 $0xFFFFFF80  }
0xa8: {  	[spmem:s2] =	stream.indirect.scatter.add.f32 [tilespmem:s0], [sflag:$0x2], $0x1, s22, s31, $0xb8;
	[tilespmem:$0xA860] =	vst v63  }
0xa9: {  	_ =	swait.ge [sflag:s26], $0x80  }
0xaa: {  	[sflag:s26] =	ssyncset.done $0x0  }
0xab: {  	s23 =	simm.s32 $0x5960;
	[sflag:s26] =	ssyncadd.s32 $0xFFFFFF80  }
0xac: {  	[spmem:s3] =	stream.indirect.scatter.add.f32 [tilespmem:s0], [sflag:$0x3], $0x1, s23, s31, $0xb8;
	[tilespmem:$0xA860] =	vst v63  }
0xad: {  	_ =	swait.ge [sflag:s17], $0x80  }
0xae: {  	[sflag:s17] =	ssyncset.done $0x0  }
0xaf: {  	s8 =	simm.s32 $0x80E0;
	s19 =	simm.s32 $0x400;
	[sflag:s17] =	ssyncadd.s32 $0xFFFFFF80  }
.LBB2_12:
0xb0: {  	[spmem:s4] =	stream.indirect.scatter.add.f32 [tilespmem:s0], [sflag:$0x4], $0x1, s8, s31, $0xb8;
	[tilespmem:$0xA860] =	vst v63  }
0xb1: {  	s8 =	smov.u32 s19  }
0xb2: {  	p3 =	sne.s32 s19, $0x9A00;
	s19 =	sadd.s32 $0x200, s19;
	_ =	swait.ge [sflag:s5], $0x80  }
0xb3: {  	s8 =	sshra.s32 s8, $0x2;
	[sflag:s5] =	ssyncset.done $0x0  }
0xb4: {  	s22 =	sadd.s32 $0x9E0, s8;
	[sflag:s5] =	ssyncadd.s32 $0xFFFFFF80  }
0xb5: {  	[spmem:s1] =	stream.indirect.scatter.add.f32 [tilespmem:s0], [sflag:$0x1], $0x1, s22, s31, $0xb8;
	[tilespmem:$0xA860] =	vst v63  }
0xb6: {  	_ =	swait.ge [sflag:s21], $0x80  }
0xb7: {  	[sflag:s21] =	ssyncset.done $0x0  }
0xb8: {  	s22 =	sadd.s32 $0x3160, s8;
	[sflag:s21] =	ssyncadd.s32 $0xFFFFFF80  }
0xb9: {  	[spmem:s2] =	stream.indirect.scatter.add.f32 [tilespmem:s0], [sflag:$0x2], $0x1, s22, s31, $0xb8;
	[tilespmem:$0xA860] =	vst v63  }
0xba: {  	_ =	swait.ge [sflag:s26], $0x80  }
0xbb: {  	[sflag:s26] =	ssyncset.done $0x0  }
.Ltmp10:
0xbc: {  	s22 =	sadd.s32 $0x58E0, s8;
	[sflag:s26] =	ssyncadd.s32 $0xFFFFFF80;
	(pc) =	sbr.rel @p3 .LBB2_12-.Ltmp10, $4  }
0xbd: {  	[spmem:s3] =	stream.indirect.scatter.add.f32 [tilespmem:s0], [sflag:$0x3], $0x1, s22, s31, $0xb8;
	[tilespmem:$0xA860] =	vst v63  }
0xbe: {  	_ =	swait.ge [sflag:s17], $0x80  }
0xbf: {  	[sflag:s17] =	ssyncset.done $0x0  }
0xc0: {  	s8 =	sadd.s32 $0x8060, s8;
	[sflag:s17] =	ssyncadd.s32 $0xFFFFFF80  }
0xc1: {  	[spmem:s4] =	stream.indirect.scatter.add.f32 [tilespmem:s0], [sflag:$0x4], $0x1, s8, s31, $0xb8;
	[tilespmem:$0xA860] =	vst v63  }
0xc2: {  	_ =	swait.ge [sflag:s5], $0x80  }
0xc3: {  	[sflag:s5] =	ssyncset.done $0x0  }
0xc4: {  	[sflag:s5] =	ssyncadd.s32 $0xFFFFFF80  }
0xc5: {  	_ =	swait.ge [sflag:s21], $0x80  }
0xc6: {  	[sflag:s21] =	ssyncset.done $0x0  }
0xc7: {  	[sflag:s21] =	ssyncadd.s32 $0xFFFFFF80  }
0xc8: {  	_ =	swait.ge [sflag:s26], $0x80  }
.Ltmp11:
0xc9: {  	[sflag:s26] =	ssyncset.done $0x0;
	(pc) =	sbr.rel @!p2 .LBB2_14-.Ltmp11, $4  }
0xca: {  	[sflag:s26] =	ssyncadd.s32 $0xFFFFFF80  }
0xcb: {  	_ =	swait.ge [sflag:s17], $0x80  }
0xcc: {  	[sflag:s17] =	ssyncset.done $0x0  }
0xcd: {  	[sflag:s17] =	ssyncadd.s32 $0xFFFFFF80  }
.Ltmp12:
0xce: {  	(pc) =	sbr.rel @p4 .LBB2_17-.Ltmp12, $4  }
.Ltmp13:
0xcf: {  	(pc) =	sbr.rel @!p4 .LBB2_16-.Ltmp13, $4  }
0xd0: {  	_ = 	snop  }
0xd1: {  	[bflag:$0x0] =	sbarrier.arrive $0xFFFF  }
0xd2: {  	_ = 	snop  }
0xd3: {  	_ = 	snop  }
.LBB2_18:
0xd4: {  	_ =	sfence.sel $0x180000  }
0xd5: {  	[bflag:$0x0] =	sbarrier.arrive $0xFFFF  }
0xd6: {  	_ =	strace $0x90000047  }
0xd7: {  	s0 =	stileid.u32;
	[bflag:$0x2] =	sbarrier.arrive $0xFFFF  }
0xd8: {  	p0 =	sne.s32 s0, $0x0;
	s0 =	rddreg [dreg:$0x6]  }
0xd9: {  	s0 =	sadd.s32 @!p0 $0x100000, s0  }
0xda: {  	[sflag:s0] =	ssyncadd.tile.s32 @!p0 $0x1;
	_ =	shalt  }
.Lfunc_end2:
_tile_overlayer_lowered:
.L_overlay_start_2:
0xdb: {  	(tag) =	ssettag $0x2  }
0xdc: {  	s0 =	rddreg [dreg:$0x0];
	s2 =	stileid.u32  }
0xdd: {  	s1 =	rddreg [dreg:$0x1];
	p0 =	sne.s32 s2, $0x0  }
0xde: {  	s3 =	rddreg [dreg:$0x2];
	[bflag:$0x3] =	sbarrier.arrive $0xFFFF;
	s2 =	simm.s32 @!p0 $0x1C05  }
0xdf: {  	[timem:s3], [sflag:s2] =	dma.local @!p0 [hbm:s0], s1  }
0xe0: {  	s0 =	simm.s32 @!p0 $0x5  }
0xe1: {  	_ =	swait.ge @!p0 [sflag:s0], s1  }
0xe2: {  	s1 =	ssub.s32 @!p0 $0x0, s1;
	[sflag:s0] =	ssyncset.done @!p0 $0x0  }
0xe3: {  	[sflag:s0] =	ssyncadd.s32 @!p0 s1  }
0xe4: {  	[bflag:$0x3] =	sbarrier.arrive $0xFFFF  }
0xe5: {  	_ =	shalt  }

</sc_bundles>
